<compile_context>
chip_gen: v7x
topology: tpu7x:2x2x1
jax: 0.10.2.dev20260603
libtpu: 0.0.44.dev20260713+nightly
codegen_flags: <defaults>
</compile_context>

<pallas_src>
import functools

import jax
import jax.numpy as jnp
from jax import lax
from jax.experimental import pallas as pl
from jax.experimental.pallas import tpu as pltpu
from jax.experimental.pallas import tpu_sc as plsc

N = 10000
E = 320000
D_IN = 128
H = 64
C = 10
G = 64

NC = 2
NS = 16
NT = NC * NS
EPT = E // NT
K = 80
NCHUNK = EPT // K
RPT = 640
RLAST = N - 15 * RPT
NDEG = 10240
DPT = NDEG // NS

_mesh = plsc.VectorSubcoreMesh(core_axis_name="c", subcore_axis_name="s")
_f32 = jnp.float32



@functools.partial(
    pl.kernel,
    out_type=jax.ShapeDtypeStruct((NC, 1, NDEG), _f32),
    mesh=_mesh,
    scratch_types=[
        pltpu.VMEM((K,), jnp.int32),
        pltpu.VMEM((K,), _f32),
        pltpu.VMEM_SHARED((NDEG,), _f32),
    ],
)
def _deg_sc(dst_hbm, ones_hbm, zeros_hbm, out_hbm, idx_d, ones_v, dacc):
    c = lax.axis_index("c")
    s = lax.axis_index("s")
    tid = c * NS + s
    pltpu.sync_copy(zeros_hbm, dacc.at[pl.ds(s * DPT, DPT)])
    pltpu.sync_copy(ones_hbm, ones_v)
    plsc.subcore_barrier()

    def body(i, carry):
        base = tid * EPT + i * K
        pltpu.sync_copy(dst_hbm.at[pl.ds(base, K)], idx_d)
        pltpu.sync_copy(ones_v, dacc.at[idx_d], add=True)
        return carry

    lax.fori_loop(0, NCHUNK, body, 0)
    plsc.subcore_barrier()
    pltpu.sync_copy(dacc.at[pl.ds(s * DPT, DPT)],
                    out_hbm.at[c, 0, pl.ds(s * DPT, DPT)])


@functools.partial(
    pl.kernel,
    out_type=jax.ShapeDtypeStruct((NC, N, H), _f32),
    mesh=_mesh,
    scratch_types=[
        pltpu.VMEM((NCHUNK, K), jnp.int32),
        pltpu.VMEM((K,), jnp.int32),
        pltpu.VMEM((K,), jnp.int32),
        pltpu.VMEM((K, H), _f32),
        pltpu.VMEM((K, H), _f32),
        pltpu.VMEM_SHARED((N, H), _f32),
        pltpu.SemaphoreType.DMA,
        pltpu.SemaphoreType.DMA,
    ],
    compiler_params=pltpu.CompilerParams(use_tc_tiling_on_sc=False),
)
def _agg_sc(s_hbm, src_hbm, dst_hbm, zrows_hbm, out_hbm,
            srcbuf, dstb0, dstb1, rows0, rows1, acc, sem0, sem1):
    c = lax.axis_index("c")
    s = lax.axis_index("s")
    tid = c * NS + s

    pltpu.sync_copy(src_hbm.at[tid], srcbuf)
    pltpu.sync_copy(dst_hbm.at[tid, 0], dstb0)
    pltpu.async_copy(s_hbm.at[srcbuf.at[0]], rows0, sem0)
    pltpu.sync_copy(dst_hbm.at[tid, 1], dstb1)
    pltpu.async_copy(s_hbm.at[srcbuf.at[1]], rows1, sem1)

    @pl.when(s < NS - 1)
    def _():
        pltpu.sync_copy(zrows_hbm, acc.at[pl.ds(s * RPT, RPT)])

    @pl.when(s == NS - 1)
    def _():
        pltpu.sync_copy(zrows_hbm.at[pl.ds(0, RLAST)],
                        acc.at[pl.ds((NS - 1) * RPT, RLAST)])

    plsc.subcore_barrier()

    def _step(i, dstb, rows, sem):
        pltpu.make_async_copy(s_hbm.at[srcbuf.at[i]], rows, sem).wait()
        pltpu.sync_copy(rows, acc.at[dstb], add=True)

        @pl.when(i + 2 < NCHUNK)
        def _():
            pltpu.sync_copy(dst_hbm.at[tid, i + 2], dstb)
            pltpu.async_copy(s_hbm.at[srcbuf.at[i + 2]], rows, sem)

    def body(i, carry):
        @pl.when(lax.rem(i, 2) == 0)
        def _():
            _step(i, dstb0, rows0, sem0)

        @pl.when(lax.rem(i, 2) == 1)
        def _():
            _step(i, dstb1, rows1, sem1)

        return carry

    lax.fori_loop(0, NCHUNK, body, 0)
    plsc.subcore_barrier()

    @pl.when(s < NS - 1)
    def _():
        pltpu.sync_copy(acc.at[pl.ds(s * RPT, RPT)],
                        out_hbm.at[c, pl.ds(s * RPT, RPT)])

    @pl.when(s == NS - 1)
    def _():
        pltpu.sync_copy(acc.at[pl.ds((NS - 1) * RPT, RLAST)],
                        out_hbm.at[c, pl.ds((NS - 1) * RPT, RLAST)])



def _prep_body(degcol_ref, x_ref, w0_ref, s0_ref, dinv_ref):
    dinv = lax.rsqrt(degcol_ref[...])
    dinv_ref[...] = dinv
    s0_ref[...] = jnp.dot(x_ref[...], w0_ref[...],
                          preferred_element_type=_f32) * dinv


_prep_tc = pl.pallas_call(
    _prep_body,
    out_shape=(jax.ShapeDtypeStruct((N, H), _f32),
               jax.ShapeDtypeStruct((N, 1), _f32)),
)


def _mid_body(p_ref, sprev_ref, dinv_ref, b_ref, w_ref, out_ref):
    dinv = dinv_ref[...]
    t = dinv * (p_ref[0] + p_ref[1] + sprev_ref[...]) + b_ref[...]
    xl = jnp.maximum(t, 0.0)
    out_ref[...] = jnp.dot(xl, w_ref[...], preferred_element_type=_f32) * dinv


_mid_tc = pl.pallas_call(
    _mid_body,
    out_shape=jax.ShapeDtypeStruct((N, H), _f32),
)


def _mid3_body(p_ref, sprev_ref, dinv_ref, b_ref, out_ref):
    dinv = dinv_ref[...]
    t = dinv * (p_ref[0] + p_ref[1] + sprev_ref[...]) + b_ref[...]
    out_ref[...] = jnp.maximum(t, 0.0) * dinv


_mid3_tc = pl.pallas_call(
    _mid3_body,
    out_shape=jax.ShapeDtypeStruct((N, H), _f32),
)


def _final_body(p_ref, sprev_ref, dinv_ref, batch_ref, w3_ref, b3_ref,
                out_ref):
    t = dinv_ref[...] * (p_ref[0] + p_ref[1] + sprev_ref[...])
    gid = lax.broadcasted_iota(jnp.int32, (G, N), 0)
    oh = (batch_ref[...] == gid).astype(_f32)
    sums = jnp.dot(oh, t, preferred_element_type=_f32)
    cnt = jnp.sum(oh, axis=1, keepdims=True)
    num = jnp.dot(sums, w3_ref[...], preferred_element_type=_f32)
    num = num + cnt * b3_ref[...]
    out_ref[...] = num / jnp.maximum(cnt, 1.0)


_final_tc = pl.pallas_call(
    _final_body,
    out_shape=jax.ShapeDtypeStruct((G, C), _f32),
)



def kernel(x, edge_index, batch, W0, b0, W1, b1, W2, b2, W3, b3):
    src = edge_index[0].astype(jnp.int32)
    dst = edge_index[1].astype(jnp.int32)
    src3 = src.reshape(NT, NCHUNK, K)
    dst3 = dst.reshape(NT, NCHUNK, K)
    batch2 = batch.reshape(1, N).astype(jnp.int32)
    zrows = jnp.zeros((RPT, H), _f32)
    zeros1 = jnp.zeros((DPT,), _f32)
    ones_k = jnp.ones((K,), _f32)

    degp = _deg_sc(dst, ones_k, zeros1)
    degcol = (degp[0, 0, :N] + degp[1, 0, :N] + 1.0).reshape(N, 1)
    s0, dinv = _prep_tc(degcol, x, W0)

    p = _agg_sc(s0, src3, dst3, zrows)
    s1 = _mid_tc(p, s0, dinv, b0.reshape(1, H), W1)
    p = _agg_sc(s1, src3, dst3, zrows)
    s2 = _mid_tc(p, s1, dinv, b1.reshape(1, H), W2)
    p = _agg_sc(s2, src3, dst3, zrows)
    s3 = _mid3_tc(p, s2, dinv, b2.reshape(1, H))
    p = _agg_sc(s3, src3, dst3, zrows)
    return _final_tc(p, s3, dinv, batch2, W3, b3.reshape(1, C))

# --- scband reference (transcript-rebuilt; emitter-appended) ---
"""Pipeline reference for scband-gcn-pyg-24687472017556 (READ-ONLY COPY).

The authoritative reference and input builder live on the scoring server;
editing this copy changes nothing except your own understanding.
"""

import jax, jax.numpy as jnp
import numpy as np

N = 10000
E = 320000
D_IN = 128
H = 64
C = 10
G = 64


def gcn_conv(x, src, dst, W, b, num_nodes):
    # PyG GCNConv: sym-normalized adjacency with self loops (already appended to src/dst)
    deg = jnp.zeros((num_nodes,), dtype=x.dtype).at[dst].add(1.0)
    dinv = jnp.where(deg > 0, jax.lax.rsqrt(deg), 0.0)
    norm = dinv[src] * dinv[dst]
    h = x @ W
    msg = jnp.take(h, src, axis=0) * norm[:, None]
    out = jnp.zeros((num_nodes, W.shape[1]), dtype=x.dtype).at[dst].add(msg)
    return out + b


def setup_inputs(seed: int = 0):
    key = jax.random.key(seed)
    ks = jax.random.split(key, 12)
    x = jax.random.normal(ks[0], (N, D_IN), dtype=jnp.float32)
    edge_index = jax.random.randint(ks[1], (2, E), 0, N)
    batch = jnp.sort(jax.random.randint(ks[2], (N,), 0, G))
    W0 = jax.random.normal(ks[3], (D_IN, H), dtype=jnp.float32) / np.sqrt(D_IN)
    b0 = jnp.zeros((H,), dtype=jnp.float32)
    W1 = jax.random.normal(ks[4], (H, H), dtype=jnp.float32) / np.sqrt(H)
    b1 = jnp.zeros((H,), dtype=jnp.float32)
    W2 = jax.random.normal(ks[5], (H, H), dtype=jnp.float32) / np.sqrt(H)
    b2 = jnp.zeros((H,), dtype=jnp.float32)
    W3 = jax.random.normal(ks[6], (H, C), dtype=jnp.float32) / np.sqrt(H)
    b3 = jnp.zeros((C,), dtype=jnp.float32)
    return {"x": x, "edge_index": edge_index, "batch": batch,
            "W0": W0, "b0": b0, "W1": W1, "b1": b1,
            "W2": W2, "b2": b2, "W3": W3, "b3": b3}


def reference(x, edge_index, batch, W0, b0, W1, b1, W2, b2, W3, b3):
    self_loops = jnp.arange(N, dtype=edge_index.dtype)
    src = jnp.concatenate([edge_index[0], self_loops])
    dst = jnp.concatenate([edge_index[1], self_loops])
    h = jax.nn.relu(gcn_conv(x, src, dst, W0, b0, N))
    h = jax.nn.relu(gcn_conv(h, src, dst, W1, b1, N))
    h = jax.nn.relu(gcn_conv(h, src, dst, W2, b2, N))
    h = gcn_conv(h, src, dst, W3, b3, N)
    # global mean pool over batch assignment
    sums = jax.ops.segment_sum(h, batch, num_segments=G)
    cnt = jax.ops.segment_sum(jnp.ones((N,), dtype=h.dtype), batch, num_segments=G)
    return sums / jnp.maximum(cnt, 1.0)[:, None]

if __name__ == "__main__":
    import jax
    _d = setup_inputs()
    print(jax.jit(kernel)(*tuple(_d.values())))

</pallas_src>

<mosaic_0001>
#map = affine_map<(d0, d1) -> (0, 0)>
#map1 = affine_map<(d0, d1) -> (0, 0, 0)>
module attributes {stable_mosaic.version = 14 : i64} {
  func.func @_agg_sc(%arg0: i32, %arg1: i32, %arg2: memref<10000x64xf32, #tpu.memory_space<hbm>>, %arg3: memref<32x125x80xi32, #tpu.memory_space<hbm>>, %arg4: memref<32x125x80xi32, #tpu.memory_space<hbm>>, %arg5: memref<640x64xf32, #tpu.memory_space<hbm>>, %arg6: memref<2x10000x64xf32, #tpu.memory_space<hbm>>, %arg7: memref<125x80xi32, #tpu.memory_space<vmem>>, %arg8: memref<80xi32, #tpu.memory_space<vmem>>, %arg9: memref<80xi32, #tpu.memory_space<vmem>>, %arg10: memref<80x64xf32, #tpu.memory_space<vmem>>, %arg11: memref<80x64xf32, #tpu.memory_space<vmem>>, %arg12: memref<10000x64xf32, #tpu.memory_space<vmem_shared>>, %arg13: memref<!tpu.dma_semaphore, #tpu.memory_space<semaphore_mem>>, %arg14: memref<!tpu.dma_semaphore, #tpu.memory_space<semaphore_mem>>) attributes {dimension_semantics = [#tpu.dimension_semantics<core_parallel>, #tpu.dimension_semantics<subcore_parallel>], iteration_bounds = array<i64: 2, 16>, scalar_prefetch = 0 : i64, scratch_operands = 8 : i64, tpu.core_type = #tpu.core_type<sc_vector_subcore>, window_params = [{transform_indices = #map}, {transform_indices = #map1}, {transform_indices = #map1}, {transform_indices = #map}, {transform_indices = #map1}]} {
    %mul3A = arith.constant 16 : i32
    %mul3A_0 = arith.muli %arg0, %mul3A : i32
    %add3A = arith.addi %mul3A_0, %arg1 : i32
    "tpu.region"() ({
      %run_scoped3A_37 = tpu.sem_alloc : memref<!tpu.dma_semaphore, #tpu.memory_space<semaphore_mem>>
      %dma_start3A_38 = arith.constant 0 : i32
      %dma_start3A_39 = arith.constant 0 : i32
      %dma_start3A_40 = tpu.memref_slice %arg3[%add3A, %dma_start3A_38, %dma_start3A_39] : memref<32x125x80xi32, #tpu.memory_space<hbm>> -> memref<1x125x80xi32, #tpu.memory_space<hbm>>
      %dma_start3A_41 = tpu.memref_squeeze %dma_start3A_40 : memref<1x125x80xi32, #tpu.memory_space<hbm>> -> memref<125x80xi32, #tpu.memory_space<hbm>>
      %dma_start3A_42 = arith.constant 0 : i32
      %dma_start3A_43 = arith.constant 0 : i32
      %dma_start3A_44 = tpu.memref_slice %arg3[%add3A, %dma_start3A_42, %dma_start3A_43] : memref<32x125x80xi32, #tpu.memory_space<hbm>> -> memref<1x125x80xi32, #tpu.memory_space<hbm>>
      %dma_start3A_45 = tpu.memref_squeeze %dma_start3A_44 : memref<1x125x80xi32, #tpu.memory_space<hbm>> -> memref<125x80xi32, #tpu.memory_space<hbm>>
      tpu.enqueue_dma source(%dma_start3A_45 : memref<125x80xi32, #tpu.memory_space<hbm>>) target(%arg7 : memref<125x80xi32, #tpu.memory_space<vmem>>) target_semaphore(%run_scoped3A_37 : memref<!tpu.dma_semaphore, #tpu.memory_space<semaphore_mem>>)
      %dma_wait3A = arith.constant 0 : i32
      %dma_wait3A_46 = arith.constant 0 : i32
      %dma_wait3A_47 = tpu.memref_slice %arg3[%add3A, %dma_wait3A, %dma_wait3A_46] : memref<32x125x80xi32, #tpu.memory_space<hbm>> -> memref<1x125x80xi32, #tpu.memory_space<hbm>>
      %dma_wait3A_48 = tpu.memref_squeeze %dma_wait3A_47 : memref<1x125x80xi32, #tpu.memory_space<hbm>> -> memref<125x80xi32, #tpu.memory_space<hbm>>
      %dma_wait3A_49 = arith.constant 0 : i32
      %dma_wait3A_50 = arith.constant 0 : i32
      %dma_wait3A_51 = tpu.memref_slice %arg3[%add3A, %dma_wait3A_49, %dma_wait3A_50] : memref<32x125x80xi32, #tpu.memory_space<hbm>> -> memref<1x125x80xi32, #tpu.memory_space<hbm>>
      %dma_wait3A_52 = tpu.memref_squeeze %dma_wait3A_51 : memref<1x125x80xi32, #tpu.memory_space<hbm>> -> memref<125x80xi32, #tpu.memory_space<hbm>>
      tpu.wait_dma2 semaphore(%run_scoped3A_37 : memref<!tpu.dma_semaphore, #tpu.memory_space<semaphore_mem>>) src(%dma_wait3A_52 : memref<125x80xi32, #tpu.memory_space<hbm>>) dst(%arg7 : memref<125x80xi32, #tpu.memory_space<vmem>>)
      tpu.yield
    }) : () -> ()
    %run_scoped3A = arith.constant 0 : i32
    "tpu.region"() ({
      %run_scoped3A_37 = tpu.sem_alloc : memref<!tpu.dma_semaphore, #tpu.memory_space<semaphore_mem>>
      %dma_start3A_38 = arith.constant 0 : i32
      %dma_start3A_39 = tpu.memref_slice %arg4[%add3A, %run_scoped3A, %dma_start3A_38] : memref<32x125x80xi32, #tpu.memory_space<hbm>> -> memref<1x1x80xi32, #tpu.memory_space<hbm>>
      %dma_start3A_40 = tpu.memref_squeeze %dma_start3A_39 : memref<1x1x80xi32, #tpu.memory_space<hbm>> -> memref<80xi32, #tpu.memory_space<hbm>>
      %dma_start3A_41 = arith.constant 0 : i32
      %dma_start3A_42 = tpu.memref_slice %arg4[%add3A, %run_scoped3A, %dma_start3A_41] : memref<32x125x80xi32, #tpu.memory_space<hbm>> -> memref<1x1x80xi32, #tpu.memory_space<hbm>>
      %dma_start3A_43 = tpu.memref_squeeze %dma_start3A_42 : memref<1x1x80xi32, #tpu.memory_space<hbm>> -> memref<80xi32, #tpu.memory_space<hbm>>
      tpu.enqueue_dma source(%dma_start3A_43 : memref<80xi32, #tpu.memory_space<hbm>>) target(%arg8 : memref<80xi32, #tpu.memory_space<vmem>>) target_semaphore(%run_scoped3A_37 : memref<!tpu.dma_semaphore, #tpu.memory_space<semaphore_mem>>)
      %dma_wait3A = arith.constant 0 : i32
      %dma_wait3A_44 = tpu.memref_slice %arg4[%add3A, %run_scoped3A, %dma_wait3A] : memref<32x125x80xi32, #tpu.memory_space<hbm>> -> memref<1x1x80xi32, #tpu.memory_space<hbm>>
      %dma_wait3A_45 = tpu.memref_squeeze %dma_wait3A_44 : memref<1x1x80xi32, #tpu.memory_space<hbm>> -> memref<80xi32, #tpu.memory_space<hbm>>
      %dma_wait3A_46 = arith.constant 0 : i32
      %dma_wait3A_47 = tpu.memref_slice %arg4[%add3A, %run_scoped3A, %dma_wait3A_46] : memref<32x125x80xi32, #tpu.memory_space<hbm>> -> memref<1x1x80xi32, #tpu.memory_space<hbm>>
      %dma_wait3A_48 = tpu.memref_squeeze %dma_wait3A_47 : memref<1x1x80xi32, #tpu.memory_space<hbm>> -> memref<80xi32, #tpu.memory_space<hbm>>
      tpu.wait_dma2 semaphore(%run_scoped3A_37 : memref<!tpu.dma_semaphore, #tpu.memory_space<semaphore_mem>>) src(%dma_wait3A_48 : memref<80xi32, #tpu.memory_space<hbm>>) dst(%arg8 : memref<80xi32, #tpu.memory_space<vmem>>)
      tpu.yield
    }) : () -> ()
    %dma_start3A = arith.constant 0 : i32
    %dma_start3A_1 = arith.constant 0 : i32
    %dma_start3A_2 = tpu.memref_slice %arg7[%dma_start3A, %dma_start3A_1] : memref<125x80xi32, #tpu.memory_space<vmem>> -> memref<1x80xi32, #tpu.memory_space<vmem>>
    %dma_start3A_3 = tpu.memref_squeeze %dma_start3A_2 : memref<1x80xi32, #tpu.memory_space<vmem>> -> memref<80xi32, #tpu.memory_space<vmem>>
    %dma_start3A_4 = arith.constant 0 : i32
    %dma_start3A_5 = arith.constant 0 : i32
    %dma_start3A_6 = tpu.memref_slice %arg2[%dma_start3A_4, %dma_start3A_5] : memref<10000x64xf32, #tpu.memory_space<hbm>> -> memref<10000x64xf32, #tpu.memory_space<hbm>>
    tpu.enqueue_indirect_dma source(%dma_start3A_6 : memref<10000x64xf32, #tpu.memory_space<hbm>>) target(%arg10 : memref<80x64xf32, #tpu.memory_space<vmem>>) offsets(%dma_start3A_3 : memref<80xi32, #tpu.memory_space<vmem>>) semaphore(%arg13 : memref<!tpu.dma_semaphore, #tpu.memory_space<semaphore_mem>>)
    %run_scoped3A_7 = arith.constant 1 : i32
    "tpu.region"() ({
      %run_scoped3A_37 = tpu.sem_alloc : memref<!tpu.dma_semaphore, #tpu.memory_space<semaphore_mem>>
      %dma_start3A_38 = arith.constant 0 : i32
      %dma_start3A_39 = tpu.memref_slice %arg4[%add3A, %run_scoped3A_7, %dma_start3A_38] : memref<32x125x80xi32, #tpu.memory_space<hbm>> -> memref<1x1x80xi32, #tpu.memory_space<hbm>>
      %dma_start3A_40 = tpu.memref_squeeze %dma_start3A_39 : memref<1x1x80xi32, #tpu.memory_space<hbm>> -> memref<80xi32, #tpu.memory_space<hbm>>
      %dma_start3A_41 = arith.constant 0 : i32
      %dma_start3A_42 = tpu.memref_slice %arg4[%add3A, %run_scoped3A_7, %dma_start3A_41] : memref<32x125x80xi32, #tpu.memory_space<hbm>> -> memref<1x1x80xi32, #tpu.memory_space<hbm>>
      %dma_start3A_43 = tpu.memref_squeeze %dma_start3A_42 : memref<1x1x80xi32, #tpu.memory_space<hbm>> -> memref<80xi32, #tpu.memory_space<hbm>>
      tpu.enqueue_dma source(%dma_start3A_43 : memref<80xi32, #tpu.memory_space<hbm>>) target(%arg9 : memref<80xi32, #tpu.memory_space<vmem>>) target_semaphore(%run_scoped3A_37 : memref<!tpu.dma_semaphore, #tpu.memory_space<semaphore_mem>>)
      %dma_wait3A = arith.constant 0 : i32
      %dma_wait3A_44 = tpu.memref_slice %arg4[%add3A, %run_scoped3A_7, %dma_wait3A] : memref<32x125x80xi32, #tpu.memory_space<hbm>> -> memref<1x1x80xi32, #tpu.memory_space<hbm>>
      %dma_wait3A_45 = tpu.memref_squeeze %dma_wait3A_44 : memref<1x1x80xi32, #tpu.memory_space<hbm>> -> memref<80xi32, #tpu.memory_space<hbm>>
      %dma_wait3A_46 = arith.constant 0 : i32
      %dma_wait3A_47 = tpu.memref_slice %arg4[%add3A, %run_scoped3A_7, %dma_wait3A_46] : memref<32x125x80xi32, #tpu.memory_space<hbm>> -> memref<1x1x80xi32, #tpu.memory_space<hbm>>
      %dma_wait3A_48 = tpu.memref_squeeze %dma_wait3A_47 : memref<1x1x80xi32, #tpu.memory_space<hbm>> -> memref<80xi32, #tpu.memory_space<hbm>>
      tpu.wait_dma2 semaphore(%run_scoped3A_37 : memref<!tpu.dma_semaphore, #tpu.memory_space<semaphore_mem>>) src(%dma_wait3A_48 : memref<80xi32, #tpu.memory_space<hbm>>) dst(%arg9 : memref<80xi32, #tpu.memory_space<vmem>>)
      tpu.yield
    }) : () -> ()
    %dma_start3A_8 = arith.constant 1 : i32
    %dma_start3A_9 = arith.constant 0 : i32
    %dma_start3A_10 = tpu.memref_slice %arg7[%dma_start3A_8, %dma_start3A_9] : memref<125x80xi32, #tpu.memory_space<vmem>> -> memref<1x80xi32, #tpu.memory_space<vmem>>
    %dma_start3A_11 = tpu.memref_squeeze %dma_start3A_10 : memref<1x80xi32, #tpu.memory_space<vmem>> -> memref<80xi32, #tpu.memory_space<vmem>>
    %dma_start3A_12 = arith.constant 0 : i32
    %dma_start3A_13 = arith.constant 0 : i32
    %dma_start3A_14 = tpu.memref_slice %arg2[%dma_start3A_12, %dma_start3A_13] : memref<10000x64xf32, #tpu.memory_space<hbm>> -> memref<10000x64xf32, #tpu.memory_space<hbm>>
    tpu.enqueue_indirect_dma source(%dma_start3A_14 : memref<10000x64xf32, #tpu.memory_space<hbm>>) target(%arg11 : memref<80x64xf32, #tpu.memory_space<vmem>>) offsets(%dma_start3A_11 : memref<80xi32, #tpu.memory_space<vmem>>) semaphore(%arg14 : memref<!tpu.dma_semaphore, #tpu.memory_space<semaphore_mem>>)
    %lt3A = arith.constant 15 : i32
    %lt3A_15 = arith.cmpi slt, %arg1, %lt3A : i32
    %convert_element_type3A = arith.extui %lt3A_15 : i1 to i32
    %cond3A = arith.constant 0 : i32
    %cond3A_16 = arith.cmpi ne, %convert_element_type3A, %cond3A : i32
    scf.if %cond3A_16 {
      %mul3A_37 = arith.constant 640 : i32
      %mul3A_38 = arith.muli %arg1, %mul3A_37 : i32
      "tpu.region"() ({
        %run_scoped3A_39 = tpu.sem_alloc : memref<!tpu.dma_semaphore, #tpu.memory_space<semaphore_mem>>
        %dma_start3A_40 = arith.constant 0 : i32
        %dma_start3A_41 = tpu.memref_slice %arg12[%mul3A_38, %dma_start3A_40] : memref<10000x64xf32, #tpu.memory_space<vmem_shared>> -> memref<640x64xf32, #tpu.memory_space<vmem_shared>>
        tpu.enqueue_dma source(%arg5 : memref<640x64xf32, #tpu.memory_space<hbm>>) target(%dma_start3A_41 : memref<640x64xf32, #tpu.memory_space<vmem_shared>>) target_semaphore(%run_scoped3A_39 : memref<!tpu.dma_semaphore, #tpu.memory_space<semaphore_mem>>)
        %dma_wait3A = arith.constant 0 : i32
        %dma_wait3A_42 = tpu.memref_slice %arg12[%mul3A_38, %dma_wait3A] : memref<10000x64xf32, #tpu.memory_space<vmem_shared>> -> memref<640x64xf32, #tpu.memory_space<vmem_shared>>
        tpu.wait_dma2 semaphore(%run_scoped3A_39 : memref<!tpu.dma_semaphore, #tpu.memory_space<semaphore_mem>>) src(%arg5 : memref<640x64xf32, #tpu.memory_space<hbm>>) dst(%dma_wait3A_42 : memref<640x64xf32, #tpu.memory_space<vmem_shared>>)
        tpu.yield
      }) : () -> ()
    } else {
    }
    %eq3A = arith.constant 15 : i32
    %eq3A_17 = arith.cmpi eq, %arg1, %eq3A : i32
    %convert_element_type3A_18 = arith.extui %eq3A_17 : i1 to i32
    %cond3A_19 = arith.constant 0 : i32
    %cond3A_20 = arith.cmpi ne, %convert_element_type3A_18, %cond3A_19 : i32
    scf.if %cond3A_20 {
      "tpu.region"() ({
        %run_scoped3A_37 = tpu.sem_alloc : memref<!tpu.dma_semaphore, #tpu.memory_space<semaphore_mem>>
        %dma_start3A_38 = arith.constant 9600 : i32
        %dma_start3A_39 = arith.constant 0 : i32
        %dma_start3A_40 = tpu.memref_slice %arg12[%dma_start3A_38, %dma_start3A_39] : memref<10000x64xf32, #tpu.memory_space<vmem_shared>> -> memref<400x64xf32, #tpu.memory_space<vmem_shared>>
        %dma_start3A_41 = arith.constant 0 : i32
        %dma_start3A_42 = arith.constant 0 : i32
        %dma_start3A_43 = tpu.memref_slice %arg5[%dma_start3A_41, %dma_start3A_42] : memref<640x64xf32, #tpu.memory_space<hbm>> -> memref<400x64xf32, #tpu.memory_space<hbm>>
        tpu.enqueue_dma source(%dma_start3A_43 : memref<400x64xf32, #tpu.memory_space<hbm>>) target(%dma_start3A_40 : memref<400x64xf32, #tpu.memory_space<vmem_shared>>) target_semaphore(%run_scoped3A_37 : memref<!tpu.dma_semaphore, #tpu.memory_space<semaphore_mem>>)
        %dma_wait3A = arith.constant 9600 : i32
        %dma_wait3A_44 = arith.constant 0 : i32
        %dma_wait3A_45 = tpu.memref_slice %arg12[%dma_wait3A, %dma_wait3A_44] : memref<10000x64xf32, #tpu.memory_space<vmem_shared>> -> memref<400x64xf32, #tpu.memory_space<vmem_shared>>
        %dma_wait3A_46 = arith.constant 0 : i32
        %dma_wait3A_47 = arith.constant 0 : i32
        %dma_wait3A_48 = tpu.memref_slice %arg5[%dma_wait3A_46, %dma_wait3A_47] : memref<640x64xf32, #tpu.memory_space<hbm>> -> memref<400x64xf32, #tpu.memory_space<hbm>>
        tpu.wait_dma2 semaphore(%run_scoped3A_37 : memref<!tpu.dma_semaphore, #tpu.memory_space<semaphore_mem>>) src(%dma_wait3A_48 : memref<400x64xf32, #tpu.memory_space<hbm>>) dst(%dma_wait3A_45 : memref<400x64xf32, #tpu.memory_space<vmem_shared>>)
        tpu.yield
      }) : () -> ()
    } else {
    }
    %barrier3A = arith.constant 0 : index
    tpu.barrier barrier_id(%barrier3A)
    %scan3A = arith.constant 0 : i32
    %scan3A_21 = arith.constant 0 : i32
    %scan3A_22 = arith.constant 125 : i32
    %scan3A_23 = arith.addi %scan3A_21, %scan3A_22 : i32
    %scan3A_24 = arith.constant 1 : i32
    scf.for %scan3A_37 = %scan3A_21 to %scan3A_23 step %scan3A_24  : i32 {
      %rem3A = arith.constant 2 : i32
      %rem3A_38 = arith.remsi %scan3A_37, %rem3A : i32
      %eq3A_39 = arith.constant 0 : i32
      %eq3A_40 = arith.cmpi eq, %rem3A_38, %eq3A_39 : i32
      %convert_element_type3A_41 = arith.extui %eq3A_40 : i1 to i32
      %cond3A_42 = arith.constant 0 : i32
      %cond3A_43 = arith.cmpi ne, %convert_element_type3A_41, %cond3A_42 : i32
      scf.if %cond3A_43 {
        %dma_wait3A = arith.constant 0 : i32
        %dma_wait3A_51 = tpu.memref_slice %arg7[%scan3A_37, %dma_wait3A] : memref<125x80xi32, #tpu.memory_space<vmem>> -> memref<1x80xi32, #tpu.memory_space<vmem>>
        %dma_wait3A_52 = tpu.memref_squeeze %dma_wait3A_51 : memref<1x80xi32, #tpu.memory_space<vmem>> -> memref<80xi32, #tpu.memory_space<vmem>>
        %dma_wait3A_53 = arith.constant 0 : i32
        %dma_wait3A_54 = arith.constant 0 : i32
        %dma_wait3A_55 = tpu.memref_slice %arg2[%dma_wait3A_53, %dma_wait3A_54] : memref<10000x64xf32, #tpu.memory_space<hbm>> -> memref<10000x64xf32, #tpu.memory_space<hbm>>
        tpu.wait_indirect_dma semaphore(%arg13 : memref<!tpu.dma_semaphore, #tpu.memory_space<semaphore_mem>>) src(%dma_wait3A_55 : memref<10000x64xf32, #tpu.memory_space<hbm>>) dst(%arg10 : memref<80x64xf32, #tpu.memory_space<vmem>>)
        "tpu.region"() ({
          %run_scoped3A_63 = tpu.sem_alloc : memref<!tpu.dma_semaphore, #tpu.memory_space<semaphore_mem>>
          %dma_start3A_64 = arith.constant 0 : i32
          %dma_start3A_65 = arith.constant 0 : i32
          %dma_start3A_66 = tpu.memref_slice %arg12[%dma_start3A_64, %dma_start3A_65] : memref<10000x64xf32, #tpu.memory_space<vmem_shared>> -> memref<10000x64xf32, #tpu.memory_space<vmem_shared>>
          tpu.enqueue_indirect_dma source(%arg10 : memref<80x64xf32, #tpu.memory_space<vmem>>) target(%dma_start3A_66 : memref<10000x64xf32, #tpu.memory_space<vmem_shared>>) offsets(%arg8 : memref<80xi32, #tpu.memory_space<vmem>>) semaphore(%run_scoped3A_63 : memref<!tpu.dma_semaphore, #tpu.memory_space<semaphore_mem>>) {add = true}
          %dma_wait3A_67 = arith.constant 0 : i32
          %dma_wait3A_68 = arith.constant 0 : i32
          %dma_wait3A_69 = tpu.memref_slice %arg12[%dma_wait3A_67, %dma_wait3A_68] : memref<10000x64xf32, #tpu.memory_space<vmem_shared>> -> memref<10000x64xf32, #tpu.memory_space<vmem_shared>>
          tpu.wait_indirect_dma semaphore(%run_scoped3A_63 : memref<!tpu.dma_semaphore, #tpu.memory_space<semaphore_mem>>) src(%arg10 : memref<80x64xf32, #tpu.memory_space<vmem>>) dst(%dma_wait3A_69 : memref<10000x64xf32, #tpu.memory_space<vmem_shared>>)
          tpu.yield
        }) : () -> ()
        %add3A_56 = arith.constant 2 : i32
        %add3A_57 = arith.addi %scan3A_37, %add3A_56 : i32
        %lt3A_58 = arith.constant 125 : i32
        %lt3A_59 = arith.cmpi slt, %add3A_57, %lt3A_58 : i32
        %convert_element_type3A_60 = arith.extui %lt3A_59 : i1 to i32
        %cond3A_61 = arith.constant 0 : i32
        %cond3A_62 = arith.cmpi ne, %convert_element_type3A_60, %cond3A_61 : i32
        scf.if %cond3A_62 {
          %add3A_63 = arith.constant 2 : i32
          %add3A_64 = arith.addi %scan3A_37, %add3A_63 : i32
          "tpu.region"() ({
            %run_scoped3A_73 = tpu.sem_alloc : memref<!tpu.dma_semaphore, #tpu.memory_space<semaphore_mem>>
            %dma_start3A_74 = arith.constant 0 : i32
            %dma_start3A_75 = tpu.memref_slice %arg4[%add3A, %add3A_64, %dma_start3A_74] : memref<32x125x80xi32, #tpu.memory_space<hbm>> -> memref<1x1x80xi32, #tpu.memory_space<hbm>>
            %dma_start3A_76 = tpu.memref_squeeze %dma_start3A_75 : memref<1x1x80xi32, #tpu.memory_space<hbm>> -> memref<80xi32, #tpu.memory_space<hbm>>
            %dma_start3A_77 = arith.constant 0 : i32
            %dma_start3A_78 = tpu.memref_slice %arg4[%add3A, %add3A_64, %dma_start3A_77] : memref<32x125x80xi32, #tpu.memory_space<hbm>> -> memref<1x1x80xi32, #tpu.memory_space<hbm>>
            %dma_start3A_79 = tpu.memref_squeeze %dma_start3A_78 : memref<1x1x80xi32, #tpu.memory_space<hbm>> -> memref<80xi32, #tpu.memory_space<hbm>>
            tpu.enqueue_dma source(%dma_start3A_79 : memref<80xi32, #tpu.memory_space<hbm>>) target(%arg8 : memref<80xi32, #tpu.memory_space<vmem>>) target_semaphore(%run_scoped3A_73 : memref<!tpu.dma_semaphore, #tpu.memory_space<semaphore_mem>>)
            %dma_wait3A_80 = arith.constant 0 : i32
            %dma_wait3A_81 = tpu.memref_slice %arg4[%add3A, %add3A_64, %dma_wait3A_80] : memref<32x125x80xi32, #tpu.memory_space<hbm>> -> memref<1x1x80xi32, #tpu.memory_space<hbm>>
            %dma_wait3A_82 = tpu.memref_squeeze %dma_wait3A_81 : memref<1x1x80xi32, #tpu.memory_space<hbm>> -> memref<80xi32, #tpu.memory_space<hbm>>
            %dma_wait3A_83 = arith.constant 0 : i32
            %dma_wait3A_84 = tpu.memref_slice %arg4[%add3A, %add3A_64, %dma_wait3A_83] : memref<32x125x80xi32, #tpu.memory_space<hbm>> -> memref<1x1x80xi32, #tpu.memory_space<hbm>>
            %dma_wait3A_85 = tpu.memref_squeeze %dma_wait3A_84 : memref<1x1x80xi32, #tpu.memory_space<hbm>> -> memref<80xi32, #tpu.memory_space<hbm>>
            tpu.wait_dma2 semaphore(%run_scoped3A_73 : memref<!tpu.dma_semaphore, #tpu.memory_space<semaphore_mem>>) src(%dma_wait3A_85 : memref<80xi32, #tpu.memory_space<hbm>>) dst(%arg8 : memref<80xi32, #tpu.memory_space<vmem>>)
            tpu.yield
          }) : () -> ()
          %add3A_65 = arith.constant 2 : i32
          %add3A_66 = arith.addi %scan3A_37, %add3A_65 : i32
          %dma_start3A_67 = arith.constant 0 : i32
          %dma_start3A_68 = tpu.memref_slice %arg7[%add3A_66, %dma_start3A_67] : memref<125x80xi32, #tpu.memory_space<vmem>> -> memref<1x80xi32, #tpu.memory_space<vmem>>
          %dma_start3A_69 = tpu.memref_squeeze %dma_start3A_68 : memref<1x80xi32, #tpu.memory_space<vmem>> -> memref<80xi32, #tpu.memory_space<vmem>>
          %dma_start3A_70 = arith.constant 0 : i32
          %dma_start3A_71 = arith.constant 0 : i32
          %dma_start3A_72 = tpu.memref_slice %arg2[%dma_start3A_70, %dma_start3A_71] : memref<10000x64xf32, #tpu.memory_space<hbm>> -> memref<10000x64xf32, #tpu.memory_space<hbm>>
          tpu.enqueue_indirect_dma source(%dma_start3A_72 : memref<10000x64xf32, #tpu.memory_space<hbm>>) target(%arg10 : memref<80x64xf32, #tpu.memory_space<vmem>>) offsets(%dma_start3A_69 : memref<80xi32, #tpu.memory_space<vmem>>) semaphore(%arg13 : memref<!tpu.dma_semaphore, #tpu.memory_space<semaphore_mem>>)
        } else {
        }
      } else {
      }
      %rem3A_44 = arith.constant 2 : i32
      %rem3A_45 = arith.remsi %scan3A_37, %rem3A_44 : i32
      %eq3A_46 = arith.constant 1 : i32
      %eq3A_47 = arith.cmpi eq, %rem3A_45, %eq3A_46 : i32
      %convert_element_type3A_48 = arith.extui %eq3A_47 : i1 to i32
      %cond3A_49 = arith.constant 0 : i32
      %cond3A_50 = arith.cmpi ne, %convert_element_type3A_48, %cond3A_49 : i32
      scf.if %cond3A_50 {
        %dma_wait3A = arith.constant 0 : i32
        %dma_wait3A_51 = tpu.memref_slice %arg7[%scan3A_37, %dma_wait3A] : memref<125x80xi32, #tpu.memory_space<vmem>> -> memref<1x80xi32, #tpu.memory_space<vmem>>
        %dma_wait3A_52 = tpu.memref_squeeze %dma_wait3A_51 : memref<1x80xi32, #tpu.memory_space<vmem>> -> memref<80xi32, #tpu.memory_space<vmem>>
        %dma_wait3A_53 = arith.constant 0 : i32
        %dma_wait3A_54 = arith.constant 0 : i32
        %dma_wait3A_55 = tpu.memref_slice %arg2[%dma_wait3A_53, %dma_wait3A_54] : memref<10000x64xf32, #tpu.memory_space<hbm>> -> memref<10000x64xf32, #tpu.memory_space<hbm>>
        tpu.wait_indirect_dma semaphore(%arg14 : memref<!tpu.dma_semaphore, #tpu.memory_space<semaphore_mem>>) src(%dma_wait3A_55 : memref<10000x64xf32, #tpu.memory_space<hbm>>) dst(%arg11 : memref<80x64xf32, #tpu.memory_space<vmem>>)
        "tpu.region"() ({
          %run_scoped3A_63 = tpu.sem_alloc : memref<!tpu.dma_semaphore, #tpu.memory_space<semaphore_mem>>
          %dma_start3A_64 = arith.constant 0 : i32
          %dma_start3A_65 = arith.constant 0 : i32
          %dma_start3A_66 = tpu.memref_slice %arg12[%dma_start3A_64, %dma_start3A_65] : memref<10000x64xf32, #tpu.memory_space<vmem_shared>> -> memref<10000x64xf32, #tpu.memory_space<vmem_shared>>
          tpu.enqueue_indirect_dma source(%arg11 : memref<80x64xf32, #tpu.memory_space<vmem>>) target(%dma_start3A_66 : memref<10000x64xf32, #tpu.memory_space<vmem_shared>>) offsets(%arg9 : memref<80xi32, #tpu.memory_space<vmem>>) semaphore(%run_scoped3A_63 : memref<!tpu.dma_semaphore, #tpu.memory_space<semaphore_mem>>) {add = true}
          %dma_wait3A_67 = arith.constant 0 : i32
          %dma_wait3A_68 = arith.constant 0 : i32
          %dma_wait3A_69 = tpu.memref_slice %arg12[%dma_wait3A_67, %dma_wait3A_68] : memref<10000x64xf32, #tpu.memory_space<vmem_shared>> -> memref<10000x64xf32, #tpu.memory_space<vmem_shared>>
          tpu.wait_indirect_dma semaphore(%run_scoped3A_63 : memref<!tpu.dma_semaphore, #tpu.memory_space<semaphore_mem>>) src(%arg11 : memref<80x64xf32, #tpu.memory_space<vmem>>) dst(%dma_wait3A_69 : memref<10000x64xf32, #tpu.memory_space<vmem_shared>>)
          tpu.yield
        }) : () -> ()
        %add3A_56 = arith.constant 2 : i32
        %add3A_57 = arith.addi %scan3A_37, %add3A_56 : i32
        %lt3A_58 = arith.constant 125 : i32
        %lt3A_59 = arith.cmpi slt, %add3A_57, %lt3A_58 : i32
        %convert_element_type3A_60 = arith.extui %lt3A_59 : i1 to i32
        %cond3A_61 = arith.constant 0 : i32
        %cond3A_62 = arith.cmpi ne, %convert_element_type3A_60, %cond3A_61 : i32
        scf.if %cond3A_62 {
          %add3A_63 = arith.constant 2 : i32
          %add3A_64 = arith.addi %scan3A_37, %add3A_63 : i32
          "tpu.region"() ({
            %run_scoped3A_73 = tpu.sem_alloc : memref<!tpu.dma_semaphore, #tpu.memory_space<semaphore_mem>>
            %dma_start3A_74 = arith.constant 0 : i32
            %dma_start3A_75 = tpu.memref_slice %arg4[%add3A, %add3A_64, %dma_start3A_74] : memref<32x125x80xi32, #tpu.memory_space<hbm>> -> memref<1x1x80xi32, #tpu.memory_space<hbm>>
            %dma_start3A_76 = tpu.memref_squeeze %dma_start3A_75 : memref<1x1x80xi32, #tpu.memory_space<hbm>> -> memref<80xi32, #tpu.memory_space<hbm>>
            %dma_start3A_77 = arith.constant 0 : i32
            %dma_start3A_78 = tpu.memref_slice %arg4[%add3A, %add3A_64, %dma_start3A_77] : memref<32x125x80xi32, #tpu.memory_space<hbm>> -> memref<1x1x80xi32, #tpu.memory_space<hbm>>
            %dma_start3A_79 = tpu.memref_squeeze %dma_start3A_78 : memref<1x1x80xi32, #tpu.memory_space<hbm>> -> memref<80xi32, #tpu.memory_space<hbm>>
            tpu.enqueue_dma source(%dma_start3A_79 : memref<80xi32, #tpu.memory_space<hbm>>) target(%arg9 : memref<80xi32, #tpu.memory_space<vmem>>) target_semaphore(%run_scoped3A_73 : memref<!tpu.dma_semaphore, #tpu.memory_space<semaphore_mem>>)
            %dma_wait3A_80 = arith.constant 0 : i32
            %dma_wait3A_81 = tpu.memref_slice %arg4[%add3A, %add3A_64, %dma_wait3A_80] : memref<32x125x80xi32, #tpu.memory_space<hbm>> -> memref<1x1x80xi32, #tpu.memory_space<hbm>>
            %dma_wait3A_82 = tpu.memref_squeeze %dma_wait3A_81 : memref<1x1x80xi32, #tpu.memory_space<hbm>> -> memref<80xi32, #tpu.memory_space<hbm>>
            %dma_wait3A_83 = arith.constant 0 : i32
            %dma_wait3A_84 = tpu.memref_slice %arg4[%add3A, %add3A_64, %dma_wait3A_83] : memref<32x125x80xi32, #tpu.memory_space<hbm>> -> memref<1x1x80xi32, #tpu.memory_space<hbm>>
            %dma_wait3A_85 = tpu.memref_squeeze %dma_wait3A_84 : memref<1x1x80xi32, #tpu.memory_space<hbm>> -> memref<80xi32, #tpu.memory_space<hbm>>
            tpu.wait_dma2 semaphore(%run_scoped3A_73 : memref<!tpu.dma_semaphore, #tpu.memory_space<semaphore_mem>>) src(%dma_wait3A_85 : memref<80xi32, #tpu.memory_space<hbm>>) dst(%arg9 : memref<80xi32, #tpu.memory_space<vmem>>)
            tpu.yield
          }) : () -> ()
          %add3A_65 = arith.constant 2 : i32
          %add3A_66 = arith.addi %scan3A_37, %add3A_65 : i32
          %dma_start3A_67 = arith.constant 0 : i32
          %dma_start3A_68 = tpu.memref_slice %arg7[%add3A_66, %dma_start3A_67] : memref<125x80xi32, #tpu.memory_space<vmem>> -> memref<1x80xi32, #tpu.memory_space<vmem>>
          %dma_start3A_69 = tpu.memref_squeeze %dma_start3A_68 : memref<1x80xi32, #tpu.memory_space<vmem>> -> memref<80xi32, #tpu.memory_space<vmem>>
          %dma_start3A_70 = arith.constant 0 : i32
          %dma_start3A_71 = arith.constant 0 : i32
          %dma_start3A_72 = tpu.memref_slice %arg2[%dma_start3A_70, %dma_start3A_71] : memref<10000x64xf32, #tpu.memory_space<hbm>> -> memref<10000x64xf32, #tpu.memory_space<hbm>>
          tpu.enqueue_indirect_dma source(%dma_start3A_72 : memref<10000x64xf32, #tpu.memory_space<hbm>>) target(%arg11 : memref<80x64xf32, #tpu.memory_space<vmem>>) offsets(%dma_start3A_69 : memref<80xi32, #tpu.memory_space<vmem>>) semaphore(%arg14 : memref<!tpu.dma_semaphore, #tpu.memory_space<semaphore_mem>>)
        } else {
        }
      } else {
      }
    }
    %scan3A_25 = arith.constant 125 : i32
    %barrier3A_26 = arith.constant 0 : index
    tpu.barrier barrier_id(%barrier3A_26)
    %lt3A_27 = arith.constant 15 : i32
    %lt3A_28 = arith.cmpi slt, %arg1, %lt3A_27 : i32
    %convert_element_type3A_29 = arith.extui %lt3A_28 : i1 to i32
    %cond3A_30 = arith.constant 0 : i32
    %cond3A_31 = arith.cmpi ne, %convert_element_type3A_29, %cond3A_30 : i32
    scf.if %cond3A_31 {
      %mul3A_37 = arith.constant 640 : i32
      %mul3A_38 = arith.muli %arg1, %mul3A_37 : i32
      %mul3A_39 = arith.constant 640 : i32
      %mul3A_40 = arith.muli %arg1, %mul3A_39 : i32
      "tpu.region"() ({
        %run_scoped3A_41 = tpu.sem_alloc : memref<!tpu.dma_semaphore, #tpu.memory_space<semaphore_mem>>
        %dma_start3A_42 = arith.constant 0 : i32
        %dma_start3A_43 = tpu.memref_slice %arg6[%arg0, %mul3A_40, %dma_start3A_42] : memref<2x10000x64xf32, #tpu.memory_space<hbm>> -> memref<1x640x64xf32, #tpu.memory_space<hbm>>
        %dma_start3A_44 = tpu.memref_squeeze %dma_start3A_43 : memref<1x640x64xf32, #tpu.memory_space<hbm>> -> memref<640x64xf32, #tpu.memory_space<hbm>>
        %dma_start3A_45 = arith.constant 0 : i32
        %dma_start3A_46 = tpu.memref_slice %arg12[%mul3A_38, %dma_start3A_45] : memref<10000x64xf32, #tpu.memory_space<vmem_shared>> -> memref<640x64xf32, #tpu.memory_space<vmem_shared>>
        tpu.enqueue_dma source(%dma_start3A_46 : memref<640x64xf32, #tpu.memory_space<vmem_shared>>) target(%dma_start3A_44 : memref<640x64xf32, #tpu.memory_space<hbm>>) target_semaphore(%run_scoped3A_41 : memref<!tpu.dma_semaphore, #tpu.memory_space<semaphore_mem>>)
        %dma_wait3A = arith.constant 0 : i32
        %dma_wait3A_47 = tpu.memref_slice %arg6[%arg0, %mul3A_40, %dma_wait3A] : memref<2x10000x64xf32, #tpu.memory_space<hbm>> -> memref<1x640x64xf32, #tpu.memory_space<hbm>>
        %dma_wait3A_48 = tpu.memref_squeeze %dma_wait3A_47 : memref<1x640x64xf32, #tpu.memory_space<hbm>> -> memref<640x64xf32, #tpu.memory_space<hbm>>
        %dma_wait3A_49 = arith.constant 0 : i32
        %dma_wait3A_50 = tpu.memref_slice %arg12[%mul3A_38, %dma_wait3A_49] : memref<10000x64xf32, #tpu.memory_space<vmem_shared>> -> memref<640x64xf32, #tpu.memory_space<vmem_shared>>
        tpu.wait_dma2 semaphore(%run_scoped3A_41 : memref<!tpu.dma_semaphore, #tpu.memory_space<semaphore_mem>>) src(%dma_wait3A_50 : memref<640x64xf32, #tpu.memory_space<vmem_shared>>) dst(%dma_wait3A_48 : memref<640x64xf32, #tpu.memory_space<hbm>>)
        tpu.yield
      }) : () -> ()
    } else {
    }
    %eq3A_32 = arith.constant 15 : i32
    %eq3A_33 = arith.cmpi eq, %arg1, %eq3A_32 : i32
    %convert_element_type3A_34 = arith.extui %eq3A_33 : i1 to i32
    %cond3A_35 = arith.constant 0 : i32
    %cond3A_36 = arith.cmpi ne, %convert_element_type3A_34, %cond3A_35 : i32
    scf.if %cond3A_36 {
      "tpu.region"() ({
        %run_scoped3A_37 = tpu.sem_alloc : memref<!tpu.dma_semaphore, #tpu.memory_space<semaphore_mem>>
        %dma_start3A_38 = arith.constant 9600 : i32
        %dma_start3A_39 = arith.constant 0 : i32
        %dma_start3A_40 = tpu.memref_slice %arg6[%arg0, %dma_start3A_38, %dma_start3A_39] : memref<2x10000x64xf32, #tpu.memory_space<hbm>> -> memref<1x400x64xf32, #tpu.memory_space<hbm>>
        %dma_start3A_41 = tpu.memref_squeeze %dma_start3A_40 : memref<1x400x64xf32, #tpu.memory_space<hbm>> -> memref<400x64xf32, #tpu.memory_space<hbm>>
        %dma_start3A_42 = arith.constant 9600 : i32
        %dma_start3A_43 = arith.constant 0 : i32
        %dma_start3A_44 = tpu.memref_slice %arg12[%dma_start3A_42, %dma_start3A_43] : memref<10000x64xf32, #tpu.memory_space<vmem_shared>> -> memref<400x64xf32, #tpu.memory_space<vmem_shared>>
        tpu.enqueue_dma source(%dma_start3A_44 : memref<400x64xf32, #tpu.memory_space<vmem_shared>>) target(%dma_start3A_41 : memref<400x64xf32, #tpu.memory_space<hbm>>) target_semaphore(%run_scoped3A_37 : memref<!tpu.dma_semaphore, #tpu.memory_space<semaphore_mem>>)
        %dma_wait3A = arith.constant 9600 : i32
        %dma_wait3A_45 = arith.constant 0 : i32
        %dma_wait3A_46 = tpu.memref_slice %arg6[%arg0, %dma_wait3A, %dma_wait3A_45] : memref<2x10000x64xf32, #tpu.memory_space<hbm>> -> memref<1x400x64xf32, #tpu.memory_space<hbm>>
        %dma_wait3A_47 = tpu.memref_squeeze %dma_wait3A_46 : memref<1x400x64xf32, #tpu.memory_space<hbm>> -> memref<400x64xf32, #tpu.memory_space<hbm>>
        %dma_wait3A_48 = arith.constant 9600 : i32
        %dma_wait3A_49 = arith.constant 0 : i32
        %dma_wait3A_50 = tpu.memref_slice %arg12[%dma_wait3A_48, %dma_wait3A_49] : memref<10000x64xf32, #tpu.memory_space<vmem_shared>> -> memref<400x64xf32, #tpu.memory_space<vmem_shared>>
        tpu.wait_dma2 semaphore(%run_scoped3A_37 : memref<!tpu.dma_semaphore, #tpu.memory_space<semaphore_mem>>) src(%dma_wait3A_50 : memref<400x64xf32, #tpu.memory_space<vmem_shared>>) dst(%dma_wait3A_47 : memref<400x64xf32, #tpu.memory_space<hbm>>)
        tpu.yield
      }) : () -> ()
    } else {
    }
    return
  }
}

#map = affine_map<(d0, d1) -> (0)>
#map1 = affine_map<(d0, d1) -> (0, 0, 0)>
module attributes {stable_mosaic.version = 14 : i64} {
  func.func @_deg_sc(%arg0: i32, %arg1: i32, %arg2: memref<320000xi32, #tpu.memory_space<hbm>>, %arg3: memref<80xf32, #tpu.memory_space<hbm>>, %arg4: memref<640xf32, #tpu.memory_space<hbm>>, %arg5: memref<2x1x10240xf32, #tpu.memory_space<hbm>>, %arg6: memref<80xi32, #tpu.memory_space<vmem>>, %arg7: memref<80xf32, #tpu.memory_space<vmem>>, %arg8: memref<10240xf32, #tpu.memory_space<vmem_shared>>) attributes {dimension_semantics = [#tpu.dimension_semantics<core_parallel>, #tpu.dimension_semantics<subcore_parallel>], iteration_bounds = array<i64: 2, 16>, scalar_prefetch = 0 : i64, scratch_operands = 3 : i64, tpu.core_type = #tpu.core_type<sc_vector_subcore>, window_params = [{transform_indices = #map}, {transform_indices = #map}, {transform_indices = #map}, {transform_indices = #map1}]} {
    %mul3A = arith.constant 16 : i32
    %mul3A_0 = arith.muli %arg0, %mul3A : i32
    %add3A = arith.addi %mul3A_0, %arg1 : i32
    %mul3A_1 = arith.constant 640 : i32
    %mul3A_2 = arith.muli %arg1, %mul3A_1 : i32
    "tpu.region"() ({
      %run_scoped3A_13 = tpu.sem_alloc : memref<!tpu.dma_semaphore, #tpu.memory_space<semaphore_mem>>
      %dma_start3A = tpu.memref_slice %arg8[%mul3A_2] : memref<10240xf32, #tpu.memory_space<vmem_shared>> -> memref<640xf32, #tpu.memory_space<vmem_shared>>
      tpu.enqueue_dma source(%arg4 : memref<640xf32, #tpu.memory_space<hbm>>) target(%dma_start3A : memref<640xf32, #tpu.memory_space<vmem_shared>>) target_semaphore(%run_scoped3A_13 : memref<!tpu.dma_semaphore, #tpu.memory_space<semaphore_mem>>)
      %dma_wait3A = tpu.memref_slice %arg8[%mul3A_2] : memref<10240xf32, #tpu.memory_space<vmem_shared>> -> memref<640xf32, #tpu.memory_space<vmem_shared>>
      tpu.wait_dma2 semaphore(%run_scoped3A_13 : memref<!tpu.dma_semaphore, #tpu.memory_space<semaphore_mem>>) src(%arg4 : memref<640xf32, #tpu.memory_space<hbm>>) dst(%dma_wait3A : memref<640xf32, #tpu.memory_space<vmem_shared>>)
      tpu.yield
    }) : () -> ()
    "tpu.region"() ({
      %run_scoped3A_13 = tpu.sem_alloc : memref<!tpu.dma_semaphore, #tpu.memory_space<semaphore_mem>>
      tpu.enqueue_dma source(%arg3 : memref<80xf32, #tpu.memory_space<hbm>>) target(%arg7 : memref<80xf32, #tpu.memory_space<vmem>>) target_semaphore(%run_scoped3A_13 : memref<!tpu.dma_semaphore, #tpu.memory_space<semaphore_mem>>)
      tpu.wait_dma2 semaphore(%run_scoped3A_13 : memref<!tpu.dma_semaphore, #tpu.memory_space<semaphore_mem>>) src(%arg3 : memref<80xf32, #tpu.memory_space<hbm>>) dst(%arg7 : memref<80xf32, #tpu.memory_space<vmem>>)
      tpu.yield
    }) : () -> ()
    %barrier3A = arith.constant 0 : index
    tpu.barrier barrier_id(%barrier3A)
    %scan3A = arith.constant 0 : i32
    %scan3A_3 = arith.constant 0 : i32
    %scan3A_4 = arith.constant 125 : i32
    %scan3A_5 = arith.addi %scan3A_3, %scan3A_4 : i32
    %scan3A_6 = arith.constant 1 : i32
    scf.for %scan3A_13 = %scan3A_3 to %scan3A_5 step %scan3A_6  : i32 {
      %mul3A_14 = arith.constant 10000 : i32
      %mul3A_15 = arith.muli %add3A, %mul3A_14 : i32
      %mul3A_16 = arith.constant 80 : i32
      %mul3A_17 = arith.muli %scan3A_13, %mul3A_16 : i32
      %add3A_18 = arith.addi %mul3A_15, %mul3A_17 : i32
      "tpu.region"() ({
        %run_scoped3A_19 = tpu.sem_alloc : memref<!tpu.dma_semaphore, #tpu.memory_space<semaphore_mem>>
        %dma_start3A = tpu.memref_slice %arg2[%add3A_18] : memref<320000xi32, #tpu.memory_space<hbm>> -> memref<80xi32, #tpu.memory_space<hbm>>
        %dma_start3A_20 = tpu.memref_slice %arg2[%add3A_18] : memref<320000xi32, #tpu.memory_space<hbm>> -> memref<80xi32, #tpu.memory_space<hbm>>
        tpu.enqueue_dma source(%dma_start3A_20 : memref<80xi32, #tpu.memory_space<hbm>>) target(%arg6 : memref<80xi32, #tpu.memory_space<vmem>>) target_semaphore(%run_scoped3A_19 : memref<!tpu.dma_semaphore, #tpu.memory_space<semaphore_mem>>)
        %dma_wait3A = tpu.memref_slice %arg2[%add3A_18] : memref<320000xi32, #tpu.memory_space<hbm>> -> memref<80xi32, #tpu.memory_space<hbm>>
        %dma_wait3A_21 = tpu.memref_slice %arg2[%add3A_18] : memref<320000xi32, #tpu.memory_space<hbm>> -> memref<80xi32, #tpu.memory_space<hbm>>
        tpu.wait_dma2 semaphore(%run_scoped3A_19 : memref<!tpu.dma_semaphore, #tpu.memory_space<semaphore_mem>>) src(%dma_wait3A_21 : memref<80xi32, #tpu.memory_space<hbm>>) dst(%arg6 : memref<80xi32, #tpu.memory_space<vmem>>)
        tpu.yield
      }) : () -> ()
      "tpu.region"() ({
        %run_scoped3A_19 = tpu.sem_alloc : memref<!tpu.dma_semaphore, #tpu.memory_space<semaphore_mem>>
        %dma_start3A = arith.constant 0 : i32
        %dma_start3A_20 = tpu.memref_slice %arg8[%dma_start3A] : memref<10240xf32, #tpu.memory_space<vmem_shared>> -> memref<10240xf32, #tpu.memory_space<vmem_shared>>
        tpu.enqueue_indirect_dma source(%arg7 : memref<80xf32, #tpu.memory_space<vmem>>) target(%dma_start3A_20 : memref<10240xf32, #tpu.memory_space<vmem_shared>>) offsets(%arg6 : memref<80xi32, #tpu.memory_space<vmem>>) semaphore(%run_scoped3A_19 : memref<!tpu.dma_semaphore, #tpu.memory_space<semaphore_mem>>) {add = true}
        %dma_wait3A = arith.constant 0 : i32
        %dma_wait3A_21 = tpu.memref_slice %arg8[%dma_wait3A] : memref<10240xf32, #tpu.memory_space<vmem_shared>> -> memref<10240xf32, #tpu.memory_space<vmem_shared>>
        tpu.wait_indirect_dma semaphore(%run_scoped3A_19 : memref<!tpu.dma_semaphore, #tpu.memory_space<semaphore_mem>>) src(%arg7 : memref<80xf32, #tpu.memory_space<vmem>>) dst(%dma_wait3A_21 : memref<10240xf32, #tpu.memory_space<vmem_shared>>)
        tpu.yield
      }) : () -> ()
    }
    %scan3A_7 = arith.constant 125 : i32
    %barrier3A_8 = arith.constant 0 : index
    tpu.barrier barrier_id(%barrier3A_8)
    %mul3A_9 = arith.constant 640 : i32
    %mul3A_10 = arith.muli %arg1, %mul3A_9 : i32
    %mul3A_11 = arith.constant 640 : i32
    %mul3A_12 = arith.muli %arg1, %mul3A_11 : i32
    %run_scoped3A = arith.constant 0 : i32
    "tpu.region"() ({
      %run_scoped3A_13 = tpu.sem_alloc : memref<!tpu.dma_semaphore, #tpu.memory_space<semaphore_mem>>
      %dma_start3A = tpu.memref_slice %arg5[%arg0, %run_scoped3A, %mul3A_12] : memref<2x1x10240xf32, #tpu.memory_space<hbm>> -> memref<1x1x640xf32, #tpu.memory_space<hbm>>
      %dma_start3A_14 = tpu.memref_squeeze %dma_start3A : memref<1x1x640xf32, #tpu.memory_space<hbm>> -> memref<640xf32, #tpu.memory_space<hbm>>
      %dma_start3A_15 = tpu.memref_slice %arg8[%mul3A_10] : memref<10240xf32, #tpu.memory_space<vmem_shared>> -> memref<640xf32, #tpu.memory_space<vmem_shared>>
      tpu.enqueue_dma source(%dma_start3A_15 : memref<640xf32, #tpu.memory_space<vmem_shared>>) target(%dma_start3A_14 : memref<640xf32, #tpu.memory_space<hbm>>) target_semaphore(%run_scoped3A_13 : memref<!tpu.dma_semaphore, #tpu.memory_space<semaphore_mem>>)
      %dma_wait3A = tpu.memref_slice %arg5[%arg0, %run_scoped3A, %mul3A_12] : memref<2x1x10240xf32, #tpu.memory_space<hbm>> -> memref<1x1x640xf32, #tpu.memory_space<hbm>>
      %dma_wait3A_16 = tpu.memref_squeeze %dma_wait3A : memref<1x1x640xf32, #tpu.memory_space<hbm>> -> memref<640xf32, #tpu.memory_space<hbm>>
      %dma_wait3A_17 = tpu.memref_slice %arg8[%mul3A_10] : memref<10240xf32, #tpu.memory_space<vmem_shared>> -> memref<640xf32, #tpu.memory_space<vmem_shared>>
      tpu.wait_dma2 semaphore(%run_scoped3A_13 : memref<!tpu.dma_semaphore, #tpu.memory_space<semaphore_mem>>) src(%dma_wait3A_17 : memref<640xf32, #tpu.memory_space<vmem_shared>>) dst(%dma_wait3A_16 : memref<640xf32, #tpu.memory_space<hbm>>)
      tpu.yield
    }) : () -> ()
    return
  }
}

#map = affine_map<(d0, d1) -> (0, 0)>
#map1 = affine_map<(d0, d1) -> (0, 0, 0)>
module attributes {stable_mosaic.version = 14 : i64} {
  func.func @_agg_sc(%arg0: i32, %arg1: i32, %arg2: memref<10000x64xf32, #tpu.memory_space<hbm>>, %arg3: memref<32x125x80xi32, #tpu.memory_space<hbm>>, %arg4: memref<32x125x80xi32, #tpu.memory_space<hbm>>, %arg5: memref<640x64xf32, #tpu.memory_space<hbm>>, %arg6: memref<2x10000x64xf32, #tpu.memory_space<hbm>>, %arg7: memref<125x80xi32, #tpu.memory_space<vmem>>, %arg8: memref<80xi32, #tpu.memory_space<vmem>>, %arg9: memref<80xi32, #tpu.memory_space<vmem>>, %arg10: memref<80x64xf32, #tpu.memory_space<vmem>>, %arg11: memref<80x64xf32, #tpu.memory_space<vmem>>, %arg12: memref<10000x64xf32, #tpu.memory_space<vmem_shared>>, %arg13: memref<!tpu.dma_semaphore, #tpu.memory_space<semaphore_mem>>, %arg14: memref<!tpu.dma_semaphore, #tpu.memory_space<semaphore_mem>>) attributes {dimension_semantics = [#tpu.dimension_semantics<core_parallel>, #tpu.dimension_semantics<subcore_parallel>], iteration_bounds = array<i64: 2, 16>, scalar_prefetch = 0 : i64, scratch_operands = 8 : i64, tpu.core_type = #tpu.core_type<sc_vector_subcore>, window_params = [{transform_indices = #map}, {transform_indices = #map1}, {transform_indices = #map1}, {transform_indices = #map}, {transform_indices = #map1}]} {
    %mul3A = arith.constant 16 : i32
    %mul3A_0 = arith.muli %arg0, %mul3A : i32
    %add3A = arith.addi %mul3A_0, %arg1 : i32
    "tpu.region"() ({
      %run_scoped3A_37 = tpu.sem_alloc : memref<!tpu.dma_semaphore, #tpu.memory_space<semaphore_mem>>
      %dma_start3A_38 = arith.constant 0 : i32
      %dma_start3A_39 = arith.constant 0 : i32
      %dma_start3A_40 = tpu.memref_slice %arg3[%add3A, %dma_start3A_38, %dma_start3A_39] : memref<32x125x80xi32, #tpu.memory_space<hbm>> -> memref<1x125x80xi32, #tpu.memory_space<hbm>>
      %dma_start3A_41 = tpu.memref_squeeze %dma_start3A_40 : memref<1x125x80xi32, #tpu.memory_space<hbm>> -> memref<125x80xi32, #tpu.memory_space<hbm>>
      %dma_start3A_42 = arith.constant 0 : i32
      %dma_start3A_43 = arith.constant 0 : i32
      %dma_start3A_44 = tpu.memref_slice %arg3[%add3A, %dma_start3A_42, %dma_start3A_43] : memref<32x125x80xi32, #tpu.memory_space<hbm>> -> memref<1x125x80xi32, #tpu.memory_space<hbm>>
      %dma_start3A_45 = tpu.memref_squeeze %dma_start3A_44 : memref<1x125x80xi32, #tpu.memory_space<hbm>> -> memref<125x80xi32, #tpu.memory_space<hbm>>
      tpu.enqueue_dma source(%dma_start3A_45 : memref<125x80xi32, #tpu.memory_space<hbm>>) target(%arg7 : memref<125x80xi32, #tpu.memory_space<vmem>>) target_semaphore(%run_scoped3A_37 : memref<!tpu.dma_semaphore, #tpu.memory_space<semaphore_mem>>)
      %dma_wait3A = arith.constant 0 : i32
      %dma_wait3A_46 = arith.constant 0 : i32
      %dma_wait3A_47 = tpu.memref_slice %arg3[%add3A, %dma_wait3A, %dma_wait3A_46] : memref<32x125x80xi32, #tpu.memory_space<hbm>> -> memref<1x125x80xi32, #tpu.memory_space<hbm>>
      %dma_wait3A_48 = tpu.memref_squeeze %dma_wait3A_47 : memref<1x125x80xi32, #tpu.memory_space<hbm>> -> memref<125x80xi32, #tpu.memory_space<hbm>>
      %dma_wait3A_49 = arith.constant 0 : i32
      %dma_wait3A_50 = arith.constant 0 : i32
      %dma_wait3A_51 = tpu.memref_slice %arg3[%add3A, %dma_wait3A_49, %dma_wait3A_50] : memref<32x125x80xi32, #tpu.memory_space<hbm>> -> memref<1x125x80xi32, #tpu.memory_space<hbm>>
      %dma_wait3A_52 = tpu.memref_squeeze %dma_wait3A_51 : memref<1x125x80xi32, #tpu.memory_space<hbm>> -> memref<125x80xi32, #tpu.memory_space<hbm>>
      tpu.wait_dma2 semaphore(%run_scoped3A_37 : memref<!tpu.dma_semaphore, #tpu.memory_space<semaphore_mem>>) src(%dma_wait3A_52 : memref<125x80xi32, #tpu.memory_space<hbm>>) dst(%arg7 : memref<125x80xi32, #tpu.memory_space<vmem>>)
      tpu.yield
    }) : () -> ()
    %run_scoped3A = arith.constant 0 : i32
    "tpu.region"() ({
      %run_scoped3A_37 = tpu.sem_alloc : memref<!tpu.dma_semaphore, #tpu.memory_space<semaphore_mem>>
      %dma_start3A_38 = arith.constant 0 : i32
      %dma_start3A_39 = tpu.memref_slice %arg4[%add3A, %run_scoped3A, %dma_start3A_38] : memref<32x125x80xi32, #tpu.memory_space<hbm>> -> memref<1x1x80xi32, #tpu.memory_space<hbm>>
      %dma_start3A_40 = tpu.memref_squeeze %dma_start3A_39 : memref<1x1x80xi32, #tpu.memory_space<hbm>> -> memref<80xi32, #tpu.memory_space<hbm>>
      %dma_start3A_41 = arith.constant 0 : i32
      %dma_start3A_42 = tpu.memref_slice %arg4[%add3A, %run_scoped3A, %dma_start3A_41] : memref<32x125x80xi32, #tpu.memory_space<hbm>> -> memref<1x1x80xi32, #tpu.memory_space<hbm>>
      %dma_start3A_43 = tpu.memref_squeeze %dma_start3A_42 : memref<1x1x80xi32, #tpu.memory_space<hbm>> -> memref<80xi32, #tpu.memory_space<hbm>>
      tpu.enqueue_dma source(%dma_start3A_43 : memref<80xi32, #tpu.memory_space<hbm>>) target(%arg8 : memref<80xi32, #tpu.memory_space<vmem>>) target_semaphore(%run_scoped3A_37 : memref<!tpu.dma_semaphore, #tpu.memory_space<semaphore_mem>>)
      %dma_wait3A = arith.constant 0 : i32
      %dma_wait3A_44 = tpu.memref_slice %arg4[%add3A, %run_scoped3A, %dma_wait3A] : memref<32x125x80xi32, #tpu.memory_space<hbm>> -> memref<1x1x80xi32, #tpu.memory_space<hbm>>
      %dma_wait3A_45 = tpu.memref_squeeze %dma_wait3A_44 : memref<1x1x80xi32, #tpu.memory_space<hbm>> -> memref<80xi32, #tpu.memory_space<hbm>>
      %dma_wait3A_46 = arith.constant 0 : i32
      %dma_wait3A_47 = tpu.memref_slice %arg4[%add3A, %run_scoped3A, %dma_wait3A_46] : memref<32x125x80xi32, #tpu.memory_space<hbm>> -> memref<1x1x80xi32, #tpu.memory_space<hbm>>
      %dma_wait3A_48 = tpu.memref_squeeze %dma_wait3A_47 : memref<1x1x80xi32, #tpu.memory_space<hbm>> -> memref<80xi32, #tpu.memory_space<hbm>>
      tpu.wait_dma2 semaphore(%run_scoped3A_37 : memref<!tpu.dma_semaphore, #tpu.memory_space<semaphore_mem>>) src(%dma_wait3A_48 : memref<80xi32, #tpu.memory_space<hbm>>) dst(%arg8 : memref<80xi32, #tpu.memory_space<vmem>>)
      tpu.yield
    }) : () -> ()
    %dma_start3A = arith.constant 0 : i32
    %dma_start3A_1 = arith.constant 0 : i32
    %dma_start3A_2 = tpu.memref_slice %arg7[%dma_start3A, %dma_start3A_1] : memref<125x80xi32, #tpu.memory_space<vmem>> -> memref<1x80xi32, #tpu.memory_space<vmem>>
    %dma_start3A_3 = tpu.memref_squeeze %dma_start3A_2 : memref<1x80xi32, #tpu.memory_space<vmem>> -> memref<80xi32, #tpu.memory_space<vmem>>
    %dma_start3A_4 = arith.constant 0 : i32
    %dma_start3A_5 = arith.constant 0 : i32
    %dma_start3A_6 = tpu.memref_slice %arg2[%dma_start3A_4, %dma_start3A_5] : memref<10000x64xf32, #tpu.memory_space<hbm>> -> memref<10000x64xf32, #tpu.memory_space<hbm>>
    tpu.enqueue_indirect_dma source(%dma_start3A_6 : memref<10000x64xf32, #tpu.memory_space<hbm>>) target(%arg10 : memref<80x64xf32, #tpu.memory_space<vmem>>) offsets(%dma_start3A_3 : memref<80xi32, #tpu.memory_space<vmem>>) semaphore(%arg13 : memref<!tpu.dma_semaphore, #tpu.memory_space<semaphore_mem>>)
    %run_scoped3A_7 = arith.constant 1 : i32
    "tpu.region"() ({
      %run_scoped3A_37 = tpu.sem_alloc : memref<!tpu.dma_semaphore, #tpu.memory_space<semaphore_mem>>
      %dma_start3A_38 = arith.constant 0 : i32
      %dma_start3A_39 = tpu.memref_slice %arg4[%add3A, %run_scoped3A_7, %dma_start3A_38] : memref<32x125x80xi32, #tpu.memory_space<hbm>> -> memref<1x1x80xi32, #tpu.memory_space<hbm>>
      %dma_start3A_40 = tpu.memref_squeeze %dma_start3A_39 : memref<1x1x80xi32, #tpu.memory_space<hbm>> -> memref<80xi32, #tpu.memory_space<hbm>>
      %dma_start3A_41 = arith.constant 0 : i32
      %dma_start3A_42 = tpu.memref_slice %arg4[%add3A, %run_scoped3A_7, %dma_start3A_41] : memref<32x125x80xi32, #tpu.memory_space<hbm>> -> memref<1x1x80xi32, #tpu.memory_space<hbm>>
      %dma_start3A_43 = tpu.memref_squeeze %dma_start3A_42 : memref<1x1x80xi32, #tpu.memory_space<hbm>> -> memref<80xi32, #tpu.memory_space<hbm>>
      tpu.enqueue_dma source(%dma_start3A_43 : memref<80xi32, #tpu.memory_space<hbm>>) target(%arg9 : memref<80xi32, #tpu.memory_space<vmem>>) target_semaphore(%run_scoped3A_37 : memref<!tpu.dma_semaphore, #tpu.memory_space<semaphore_mem>>)
      %dma_wait3A = arith.constant 0 : i32
      %dma_wait3A_44 = tpu.memref_slice %arg4[%add3A, %run_scoped3A_7, %dma_wait3A] : memref<32x125x80xi32, #tpu.memory_space<hbm>> -> memref<1x1x80xi32, #tpu.memory_space<hbm>>
      %dma_wait3A_45 = tpu.memref_squeeze %dma_wait3A_44 : memref<1x1x80xi32, #tpu.memory_space<hbm>> -> memref<80xi32, #tpu.memory_space<hbm>>
      %dma_wait3A_46 = arith.constant 0 : i32
      %dma_wait3A_47 = tpu.memref_slice %arg4[%add3A, %run_scoped3A_7, %dma_wait3A_46] : memref<32x125x80xi32, #tpu.memory_space<hbm>> -> memref<1x1x80xi32, #tpu.memory_space<hbm>>
      %dma_wait3A_48 = tpu.memref_squeeze %dma_wait3A_47 : memref<1x1x80xi32, #tpu.memory_space<hbm>> -> memref<80xi32, #tpu.memory_space<hbm>>
      tpu.wait_dma2 semaphore(%run_scoped3A_37 : memref<!tpu.dma_semaphore, #tpu.memory_space<semaphore_mem>>) src(%dma_wait3A_48 : memref<80xi32, #tpu.memory_space<hbm>>) dst(%arg9 : memref<80xi32, #tpu.memory_space<vmem>>)
      tpu.yield
    }) : () -> ()
    %dma_start3A_8 = arith.constant 1 : i32
    %dma_start3A_9 = arith.constant 0 : i32
    %dma_start3A_10 = tpu.memref_slice %arg7[%dma_start3A_8, %dma_start3A_9] : memref<125x80xi32, #tpu.memory_space<vmem>> -> memref<1x80xi32, #tpu.memory_space<vmem>>
    %dma_start3A_11 = tpu.memref_squeeze %dma_start3A_10 : memref<1x80xi32, #tpu.memory_space<vmem>> -> memref<80xi32, #tpu.memory_space<vmem>>
    %dma_start3A_12 = arith.constant 0 : i32
    %dma_start3A_13 = arith.constant 0 : i32
    %dma_start3A_14 = tpu.memref_slice %arg2[%dma_start3A_12, %dma_start3A_13] : memref<10000x64xf32, #tpu.memory_space<hbm>> -> memref<10000x64xf32, #tpu.memory_space<hbm>>
    tpu.enqueue_indirect_dma source(%dma_start3A_14 : memref<10000x64xf32, #tpu.memory_space<hbm>>) target(%arg11 : memref<80x64xf32, #tpu.memory_space<vmem>>) offsets(%dma_start3A_11 : memref<80xi32, #tpu.memory_space<vmem>>) semaphore(%arg14 : memref<!tpu.dma_semaphore, #tpu.memory_space<semaphore_mem>>)
    %lt3A = arith.constant 15 : i32
    %lt3A_15 = arith.cmpi slt, %arg1, %lt3A : i32
    %convert_element_type3A = arith.extui %lt3A_15 : i1 to i32
    %cond3A = arith.constant 0 : i32
    %cond3A_16 = arith.cmpi ne, %convert_element_type3A, %cond3A : i32
    scf.if %cond3A_16 {
      %mul3A_37 = arith.constant 640 : i32
      %mul3A_38 = arith.muli %arg1, %mul3A_37 : i32
      "tpu.region"() ({
        %run_scoped3A_39 = tpu.sem_alloc : memref<!tpu.dma_semaphore, #tpu.memory_space<semaphore_mem>>
        %dma_start3A_40 = arith.constant 0 : i32
        %dma_start3A_41 = tpu.memref_slice %arg12[%mul3A_38, %dma_start3A_40] : memref<10000x64xf32, #tpu.memory_space<vmem_shared>> -> memref<640x64xf32, #tpu.memory_space<vmem_shared>>
        tpu.enqueue_dma source(%arg5 : memref<640x64xf32, #tpu.memory_space<hbm>>) target(%dma_start3A_41 : memref<640x64xf32, #tpu.memory_space<vmem_shared>>) target_semaphore(%run_scoped3A_39 : memref<!tpu.dma_semaphore, #tpu.memory_space<semaphore_mem>>)
        %dma_wait3A = arith.constant 0 : i32
        %dma_wait3A_42 = tpu.memref_slice %arg12[%mul3A_38, %dma_wait3A] : memref<10000x64xf32, #tpu.memory_space<vmem_shared>> -> memref<640x64xf32, #tpu.memory_space<vmem_shared>>
        tpu.wait_dma2 semaphore(%run_scoped3A_39 : memref<!tpu.dma_semaphore, #tpu.memory_space<semaphore_mem>>) src(%arg5 : memref<640x64xf32, #tpu.memory_space<hbm>>) dst(%dma_wait3A_42 : memref<640x64xf32, #tpu.memory_space<vmem_shared>>)
        tpu.yield
      }) : () -> ()
    } else {
    }
    %eq3A = arith.constant 15 : i32
    %eq3A_17 = arith.cmpi eq, %arg1, %eq3A : i32
    %convert_element_type3A_18 = arith.extui %eq3A_17 : i1 to i32
    %cond3A_19 = arith.constant 0 : i32
    %cond3A_20 = arith.cmpi ne, %convert_element_type3A_18, %cond3A_19 : i32
    scf.if %cond3A_20 {
      "tpu.region"() ({
        %run_scoped3A_37 = tpu.sem_alloc : memref<!tpu.dma_semaphore, #tpu.memory_space<semaphore_mem>>
        %dma_start3A_38 = arith.constant 9600 : i32
        %dma_start3A_39 = arith.constant 0 : i32
        %dma_start3A_40 = tpu.memref_slice %arg12[%dma_start3A_38, %dma_start3A_39] : memref<10000x64xf32, #tpu.memory_space<vmem_shared>> -> memref<400x64xf32, #tpu.memory_space<vmem_shared>>
        %dma_start3A_41 = arith.constant 0 : i32
        %dma_start3A_42 = arith.constant 0 : i32
        %dma_start3A_43 = tpu.memref_slice %arg5[%dma_start3A_41, %dma_start3A_42] : memref<640x64xf32, #tpu.memory_space<hbm>> -> memref<400x64xf32, #tpu.memory_space<hbm>>
        tpu.enqueue_dma source(%dma_start3A_43 : memref<400x64xf32, #tpu.memory_space<hbm>>) target(%dma_start3A_40 : memref<400x64xf32, #tpu.memory_space<vmem_shared>>) target_semaphore(%run_scoped3A_37 : memref<!tpu.dma_semaphore, #tpu.memory_space<semaphore_mem>>)
        %dma_wait3A = arith.constant 9600 : i32
        %dma_wait3A_44 = arith.constant 0 : i32
        %dma_wait3A_45 = tpu.memref_slice %arg12[%dma_wait3A, %dma_wait3A_44] : memref<10000x64xf32, #tpu.memory_space<vmem_shared>> -> memref<400x64xf32, #tpu.memory_space<vmem_shared>>
        %dma_wait3A_46 = arith.constant 0 : i32
        %dma_wait3A_47 = arith.constant 0 : i32
        %dma_wait3A_48 = tpu.memref_slice %arg5[%dma_wait3A_46, %dma_wait3A_47] : memref<640x64xf32, #tpu.memory_space<hbm>> -> memref<400x64xf32, #tpu.memory_space<hbm>>
        tpu.wait_dma2 semaphore(%run_scoped3A_37 : memref<!tpu.dma_semaphore, #tpu.memory_space<semaphore_mem>>) src(%dma_wait3A_48 : memref<400x64xf32, #tpu.memory_space<hbm>>) dst(%dma_wait3A_45 : memref<400x64xf32, #tpu.memory_space<vmem_shared>>)
        tpu.yield
      }) : () -> ()
    } else {
    }
    %barrier3A = arith.constant 0 : index
    tpu.barrier barrier_id(%barrier3A)
    %scan3A = arith.constant 0 : i32
    %scan3A_21 = arith.constant 0 : i32
    %scan3A_22 = arith.constant 125 : i32
    %scan3A_23 = arith.addi %scan3A_21, %scan3A_22 : i32
    %scan3A_24 = arith.constant 1 : i32
    scf.for %scan3A_37 = %scan3A_21 to %scan3A_23 step %scan3A_24  : i32 {
      %rem3A = arith.constant 2 : i32
      %rem3A_38 = arith.remsi %scan3A_37, %rem3A : i32
      %eq3A_39 = arith.constant 0 : i32
      %eq3A_40 = arith.cmpi eq, %rem3A_38, %eq3A_39 : i32
      %convert_element_type3A_41 = arith.extui %eq3A_40 : i1 to i32
      %cond3A_42 = arith.constant 0 : i32
      %cond3A_43 = arith.cmpi ne, %convert_element_type3A_41, %cond3A_42 : i32
      scf.if %cond3A_43 {
        %dma_wait3A = arith.constant 0 : i32
        %dma_wait3A_51 = tpu.memref_slice %arg7[%scan3A_37, %dma_wait3A] : memref<125x80xi32, #tpu.memory_space<vmem>> -> memref<1x80xi32, #tpu.memory_space<vmem>>
        %dma_wait3A_52 = tpu.memref_squeeze %dma_wait3A_51 : memref<1x80xi32, #tpu.memory_space<vmem>> -> memref<80xi32, #tpu.memory_space<vmem>>
        %dma_wait3A_53 = arith.constant 0 : i32
        %dma_wait3A_54 = arith.constant 0 : i32
        %dma_wait3A_55 = tpu.memref_slice %arg2[%dma_wait3A_53, %dma_wait3A_54] : memref<10000x64xf32, #tpu.memory_space<hbm>> -> memref<10000x64xf32, #tpu.memory_space<hbm>>
        tpu.wait_indirect_dma semaphore(%arg13 : memref<!tpu.dma_semaphore, #tpu.memory_space<semaphore_mem>>) src(%dma_wait3A_55 : memref<10000x64xf32, #tpu.memory_space<hbm>>) dst(%arg10 : memref<80x64xf32, #tpu.memory_space<vmem>>)
        "tpu.region"() ({
          %run_scoped3A_63 = tpu.sem_alloc : memref<!tpu.dma_semaphore, #tpu.memory_space<semaphore_mem>>
          %dma_start3A_64 = arith.constant 0 : i32
          %dma_start3A_65 = arith.constant 0 : i32
          %dma_start3A_66 = tpu.memref_slice %arg12[%dma_start3A_64, %dma_start3A_65] : memref<10000x64xf32, #tpu.memory_space<vmem_shared>> -> memref<10000x64xf32, #tpu.memory_space<vmem_shared>>
          tpu.enqueue_indirect_dma source(%arg10 : memref<80x64xf32, #tpu.memory_space<vmem>>) target(%dma_start3A_66 : memref<10000x64xf32, #tpu.memory_space<vmem_shared>>) offsets(%arg8 : memref<80xi32, #tpu.memory_space<vmem>>) semaphore(%run_scoped3A_63 : memref<!tpu.dma_semaphore, #tpu.memory_space<semaphore_mem>>) {add = true}
          %dma_wait3A_67 = arith.constant 0 : i32
          %dma_wait3A_68 = arith.constant 0 : i32
          %dma_wait3A_69 = tpu.memref_slice %arg12[%dma_wait3A_67, %dma_wait3A_68] : memref<10000x64xf32, #tpu.memory_space<vmem_shared>> -> memref<10000x64xf32, #tpu.memory_space<vmem_shared>>
          tpu.wait_indirect_dma semaphore(%run_scoped3A_63 : memref<!tpu.dma_semaphore, #tpu.memory_space<semaphore_mem>>) src(%arg10 : memref<80x64xf32, #tpu.memory_space<vmem>>) dst(%dma_wait3A_69 : memref<10000x64xf32, #tpu.memory_space<vmem_shared>>)
          tpu.yield
        }) : () -> ()
        %add3A_56 = arith.constant 2 : i32
        %add3A_57 = arith.addi %scan3A_37, %add3A_56 : i32
        %lt3A_58 = arith.constant 125 : i32
        %lt3A_59 = arith.cmpi slt, %add3A_57, %lt3A_58 : i32
        %convert_element_type3A_60 = arith.extui %lt3A_59 : i1 to i32
        %cond3A_61 = arith.constant 0 : i32
        %cond3A_62 = arith.cmpi ne, %convert_element_type3A_60, %cond3A_61 : i32
        scf.if %cond3A_62 {
          %add3A_63 = arith.constant 2 : i32
          %add3A_64 = arith.addi %scan3A_37, %add3A_63 : i32
          "tpu.region"() ({
            %run_scoped3A_73 = tpu.sem_alloc : memref<!tpu.dma_semaphore, #tpu.memory_space<semaphore_mem>>
            %dma_start3A_74 = arith.constant 0 : i32
            %dma_start3A_75 = tpu.memref_slice %arg4[%add3A, %add3A_64, %dma_start3A_74] : memref<32x125x80xi32, #tpu.memory_space<hbm>> -> memref<1x1x80xi32, #tpu.memory_space<hbm>>
            %dma_start3A_76 = tpu.memref_squeeze %dma_start3A_75 : memref<1x1x80xi32, #tpu.memory_space<hbm>> -> memref<80xi32, #tpu.memory_space<hbm>>
            %dma_start3A_77 = arith.constant 0 : i32
            %dma_start3A_78 = tpu.memref_slice %arg4[%add3A, %add3A_64, %dma_start3A_77] : memref<32x125x80xi32, #tpu.memory_space<hbm>> -> memref<1x1x80xi32, #tpu.memory_space<hbm>>
            %dma_start3A_79 = tpu.memref_squeeze %dma_start3A_78 : memref<1x1x80xi32, #tpu.memory_space<hbm>> -> memref<80xi32, #tpu.memory_space<hbm>>
            tpu.enqueue_dma source(%dma_start3A_79 : memref<80xi32, #tpu.memory_space<hbm>>) target(%arg8 : memref<80xi32, #tpu.memory_space<vmem>>) target_semaphore(%run_scoped3A_73 : memref<!tpu.dma_semaphore, #tpu.memory_space<semaphore_mem>>)
            %dma_wait3A_80 = arith.constant 0 : i32
            %dma_wait3A_81 = tpu.memref_slice %arg4[%add3A, %add3A_64, %dma_wait3A_80] : memref<32x125x80xi32, #tpu.memory_space<hbm>> -> memref<1x1x80xi32, #tpu.memory_space<hbm>>
            %dma_wait3A_82 = tpu.memref_squeeze %dma_wait3A_81 : memref<1x1x80xi32, #tpu.memory_space<hbm>> -> memref<80xi32, #tpu.memory_space<hbm>>
            %dma_wait3A_83 = arith.constant 0 : i32
            %dma_wait3A_84 = tpu.memref_slice %arg4[%add3A, %add3A_64, %dma_wait3A_83] : memref<32x125x80xi32, #tpu.memory_space<hbm>> -> memref<1x1x80xi32, #tpu.memory_space<hbm>>
            %dma_wait3A_85 = tpu.memref_squeeze %dma_wait3A_84 : memref<1x1x80xi32, #tpu.memory_space<hbm>> -> memref<80xi32, #tpu.memory_space<hbm>>
            tpu.wait_dma2 semaphore(%run_scoped3A_73 : memref<!tpu.dma_semaphore, #tpu.memory_space<semaphore_mem>>) src(%dma_wait3A_85 : memref<80xi32, #tpu.memory_space<hbm>>) dst(%arg8 : memref<80xi32, #tpu.memory_space<vmem>>)
            tpu.yield
          }) : () -> ()
          %add3A_65 = arith.constant 2 : i32
          %add3A_66 = arith.addi %scan3A_37, %add3A_65 : i32
          %dma_start3A_67 = arith.constant 0 : i32
          %dma_start3A_68 = tpu.memref_slice %arg7[%add3A_66, %dma_start3A_67] : memref<125x80xi32, #tpu.memory_space<vmem>> -> memref<1x80xi32, #tpu.memory_space<vmem>>
          %dma_start3A_69 = tpu.memref_squeeze %dma_start3A_68 : memref<1x80xi32, #tpu.memory_space<vmem>> -> memref<80xi32, #tpu.memory_space<vmem>>
          %dma_start3A_70 = arith.constant 0 : i32
          %dma_start3A_71 = arith.constant 0 : i32
          %dma_start3A_72 = tpu.memref_slice %arg2[%dma_start3A_70, %dma_start3A_71] : memref<10000x64xf32, #tpu.memory_space<hbm>> -> memref<10000x64xf32, #tpu.memory_space<hbm>>
          tpu.enqueue_indirect_dma source(%dma_start3A_72 : memref<10000x64xf32, #tpu.memory_space<hbm>>) target(%arg10 : memref<80x64xf32, #tpu.memory_space<vmem>>) offsets(%dma_start3A_69 : memref<80xi32, #tpu.memory_space<vmem>>) semaphore(%arg13 : memref<!tpu.dma_semaphore, #tpu.memory_space<semaphore_mem>>)
        } else {
        }
      } else {
      }
      %rem3A_44 = arith.constant 2 : i32
      %rem3A_45 = arith.remsi %scan3A_37, %rem3A_44 : i32
      %eq3A_46 = arith.constant 1 : i32
      %eq3A_47 = arith.cmpi eq, %rem3A_45, %eq3A_46 : i32
      %convert_element_type3A_48 = arith.extui %eq3A_47 : i1 to i32
      %cond3A_49 = arith.constant 0 : i32
      %cond3A_50 = arith.cmpi ne, %convert_element_type3A_48, %cond3A_49 : i32
      scf.if %cond3A_50 {
        %dma_wait3A = arith.constant 0 : i32
        %dma_wait3A_51 = tpu.memref_slice %arg7[%scan3A_37, %dma_wait3A] : memref<125x80xi32, #tpu.memory_space<vmem>> -> memref<1x80xi32, #tpu.memory_space<vmem>>
        %dma_wait3A_52 = tpu.memref_squeeze %dma_wait3A_51 : memref<1x80xi32, #tpu.memory_space<vmem>> -> memref<80xi32, #tpu.memory_space<vmem>>
        %dma_wait3A_53 = arith.constant 0 : i32
        %dma_wait3A_54 = arith.constant 0 : i32
        %dma_wait3A_55 = tpu.memref_slice %arg2[%dma_wait3A_53, %dma_wait3A_54] : memref<10000x64xf32, #tpu.memory_space<hbm>> -> memref<10000x64xf32, #tpu.memory_space<hbm>>
        tpu.wait_indirect_dma semaphore(%arg14 : memref<!tpu.dma_semaphore, #tpu.memory_space<semaphore_mem>>) src(%dma_wait3A_55 : memref<10000x64xf32, #tpu.memory_space<hbm>>) dst(%arg11 : memref<80x64xf32, #tpu.memory_space<vmem>>)
        "tpu.region"() ({
          %run_scoped3A_63 = tpu.sem_alloc : memref<!tpu.dma_semaphore, #tpu.memory_space<semaphore_mem>>
          %dma_start3A_64 = arith.constant 0 : i32
          %dma_start3A_65 = arith.constant 0 : i32
          %dma_start3A_66 = tpu.memref_slice %arg12[%dma_start3A_64, %dma_start3A_65] : memref<10000x64xf32, #tpu.memory_space<vmem_shared>> -> memref<10000x64xf32, #tpu.memory_space<vmem_shared>>
          tpu.enqueue_indirect_dma source(%arg11 : memref<80x64xf32, #tpu.memory_space<vmem>>) target(%dma_start3A_66 : memref<10000x64xf32, #tpu.memory_space<vmem_shared>>) offsets(%arg9 : memref<80xi32, #tpu.memory_space<vmem>>) semaphore(%run_scoped3A_63 : memref<!tpu.dma_semaphore, #tpu.memory_space<semaphore_mem>>) {add = true}
          %dma_wait3A_67 = arith.constant 0 : i32
          %dma_wait3A_68 = arith.constant 0 : i32
          %dma_wait3A_69 = tpu.memref_slice %arg12[%dma_wait3A_67, %dma_wait3A_68] : memref<10000x64xf32, #tpu.memory_space<vmem_shared>> -> memref<10000x64xf32, #tpu.memory_space<vmem_shared>>
          tpu.wait_indirect_dma semaphore(%run_scoped3A_63 : memref<!tpu.dma_semaphore, #tpu.memory_space<semaphore_mem>>) src(%arg11 : memref<80x64xf32, #tpu.memory_space<vmem>>) dst(%dma_wait3A_69 : memref<10000x64xf32, #tpu.memory_space<vmem_shared>>)
          tpu.yield
        }) : () -> ()
        %add3A_56 = arith.constant 2 : i32
        %add3A_57 = arith.addi %scan3A_37, %add3A_56 : i32
        %lt3A_58 = arith.constant 125 : i32
        %lt3A_59 = arith.cmpi slt, %add3A_57, %lt3A_58 : i32
        %convert_element_type3A_60 = arith.extui %lt3A_59 : i1 to i32
        %cond3A_61 = arith.constant 0 : i32
        %cond3A_62 = arith.cmpi ne, %convert_element_type3A_60, %cond3A_61 : i32
        scf.if %cond3A_62 {
          %add3A_63 = arith.constant 2 : i32
          %add3A_64 = arith.addi %scan3A_37, %add3A_63 : i32
          "tpu.region"() ({
            %run_scoped3A_73 = tpu.sem_alloc : memref<!tpu.dma_semaphore, #tpu.memory_space<semaphore_mem>>
            %dma_start3A_74 = arith.constant 0 : i32
            %dma_start3A_75 = tpu.memref_slice %arg4[%add3A, %add3A_64, %dma_start3A_74] : memref<32x125x80xi32, #tpu.memory_space<hbm>> -> memref<1x1x80xi32, #tpu.memory_space<hbm>>
            %dma_start3A_76 = tpu.memref_squeeze %dma_start3A_75 : memref<1x1x80xi32, #tpu.memory_space<hbm>> -> memref<80xi32, #tpu.memory_space<hbm>>
            %dma_start3A_77 = arith.constant 0 : i32
            %dma_start3A_78 = tpu.memref_slice %arg4[%add3A, %add3A_64, %dma_start3A_77] : memref<32x125x80xi32, #tpu.memory_space<hbm>> -> memref<1x1x80xi32, #tpu.memory_space<hbm>>
            %dma_start3A_79 = tpu.memref_squeeze %dma_start3A_78 : memref<1x1x80xi32, #tpu.memory_space<hbm>> -> memref<80xi32, #tpu.memory_space<hbm>>
            tpu.enqueue_dma source(%dma_start3A_79 : memref<80xi32, #tpu.memory_space<hbm>>) target(%arg9 : memref<80xi32, #tpu.memory_space<vmem>>) target_semaphore(%run_scoped3A_73 : memref<!tpu.dma_semaphore, #tpu.memory_space<semaphore_mem>>)
            %dma_wait3A_80 = arith.constant 0 : i32
            %dma_wait3A_81 = tpu.memref_slice %arg4[%add3A, %add3A_64, %dma_wait3A_80] : memref<32x125x80xi32, #tpu.memory_space<hbm>> -> memref<1x1x80xi32, #tpu.memory_space<hbm>>
            %dma_wait3A_82 = tpu.memref_squeeze %dma_wait3A_81 : memref<1x1x80xi32, #tpu.memory_space<hbm>> -> memref<80xi32, #tpu.memory_space<hbm>>
            %dma_wait3A_83 = arith.constant 0 : i32
            %dma_wait3A_84 = tpu.memref_slice %arg4[%add3A, %add3A_64, %dma_wait3A_83] : memref<32x125x80xi32, #tpu.memory_space<hbm>> -> memref<1x1x80xi32, #tpu.memory_space<hbm>>
            %dma_wait3A_85 = tpu.memref_squeeze %dma_wait3A_84 : memref<1x1x80xi32, #tpu.memory_space<hbm>> -> memref<80xi32, #tpu.memory_space<hbm>>
            tpu.wait_dma2 semaphore(%run_scoped3A_73 : memref<!tpu.dma_semaphore, #tpu.memory_space<semaphore_mem>>) src(%dma_wait3A_85 : memref<80xi32, #tpu.memory_space<hbm>>) dst(%arg9 : memref<80xi32, #tpu.memory_space<vmem>>)
            tpu.yield
          }) : () -> ()
          %add3A_65 = arith.constant 2 : i32
          %add3A_66 = arith.addi %scan3A_37, %add3A_65 : i32
          %dma_start3A_67 = arith.constant 0 : i32
          %dma_start3A_68 = tpu.memref_slice %arg7[%add3A_66, %dma_start3A_67] : memref<125x80xi32, #tpu.memory_space<vmem>> -> memref<1x80xi32, #tpu.memory_space<vmem>>
          %dma_start3A_69 = tpu.memref_squeeze %dma_start3A_68 : memref<1x80xi32, #tpu.memory_space<vmem>> -> memref<80xi32, #tpu.memory_space<vmem>>
          %dma_start3A_70 = arith.constant 0 : i32
          %dma_start3A_71 = arith.constant 0 : i32
          %dma_start3A_72 = tpu.memref_slice %arg2[%dma_start3A_70, %dma_start3A_71] : memref<10000x64xf32, #tpu.memory_space<hbm>> -> memref<10000x64xf32, #tpu.memory_space<hbm>>
          tpu.enqueue_indirect_dma source(%dma_start3A_72 : memref<10000x64xf32, #tpu.memory_space<hbm>>) target(%arg11 : memref<80x64xf32, #tpu.memory_space<vmem>>) offsets(%dma_start3A_69 : memref<80xi32, #tpu.memory_space<vmem>>) semaphore(%arg14 : memref<!tpu.dma_semaphore, #tpu.memory_space<semaphore_mem>>)
        } else {
        }
      } else {
      }
    }
    %scan3A_25 = arith.constant 125 : i32
    %barrier3A_26 = arith.constant 0 : index
    tpu.barrier barrier_id(%barrier3A_26)
    %lt3A_27 = arith.constant 15 : i32
    %lt3A_28 = arith.cmpi slt, %arg1, %lt3A_27 : i32
    %convert_element_type3A_29 = arith.extui %lt3A_28 : i1 to i32
    %cond3A_30 = arith.constant 0 : i32
    %cond3A_31 = arith.cmpi ne, %convert_element_type3A_29, %cond3A_30 : i32
    scf.if %cond3A_31 {
      %mul3A_37 = arith.constant 640 : i32
      %mul3A_38 = arith.muli %arg1, %mul3A_37 : i32
      %mul3A_39 = arith.constant 640 : i32
      %mul3A_40 = arith.muli %arg1, %mul3A_39 : i32
      "tpu.region"() ({
        %run_scoped3A_41 = tpu.sem_alloc : memref<!tpu.dma_semaphore, #tpu.memory_space<semaphore_mem>>
        %dma_start3A_42 = arith.constant 0 : i32
        %dma_start3A_43 = tpu.memref_slice %arg6[%arg0, %mul3A_40, %dma_start3A_42] : memref<2x10000x64xf32, #tpu.memory_space<hbm>> -> memref<1x640x64xf32, #tpu.memory_space<hbm>>
        %dma_start3A_44 = tpu.memref_squeeze %dma_start3A_43 : memref<1x640x64xf32, #tpu.memory_space<hbm>> -> memref<640x64xf32, #tpu.memory_space<hbm>>
        %dma_start3A_45 = arith.constant 0 : i32
        %dma_start3A_46 = tpu.memref_slice %arg12[%mul3A_38, %dma_start3A_45] : memref<10000x64xf32, #tpu.memory_space<vmem_shared>> -> memref<640x64xf32, #tpu.memory_space<vmem_shared>>
        tpu.enqueue_dma source(%dma_start3A_46 : memref<640x64xf32, #tpu.memory_space<vmem_shared>>) target(%dma_start3A_44 : memref<640x64xf32, #tpu.memory_space<hbm>>) target_semaphore(%run_scoped3A_41 : memref<!tpu.dma_semaphore, #tpu.memory_space<semaphore_mem>>)
        %dma_wait3A = arith.constant 0 : i32
        %dma_wait3A_47 = tpu.memref_slice %arg6[%arg0, %mul3A_40, %dma_wait3A] : memref<2x10000x64xf32, #tpu.memory_space<hbm>> -> memref<1x640x64xf32, #tpu.memory_space<hbm>>
        %dma_wait3A_48 = tpu.memref_squeeze %dma_wait3A_47 : memref<1x640x64xf32, #tpu.memory_space<hbm>> -> memref<640x64xf32, #tpu.memory_space<hbm>>
        %dma_wait3A_49 = arith.constant 0 : i32
        %dma_wait3A_50 = tpu.memref_slice %arg12[%mul3A_38, %dma_wait3A_49] : memref<10000x64xf32, #tpu.memory_space<vmem_shared>> -> memref<640x64xf32, #tpu.memory_space<vmem_shared>>
        tpu.wait_dma2 semaphore(%run_scoped3A_41 : memref<!tpu.dma_semaphore, #tpu.memory_space<semaphore_mem>>) src(%dma_wait3A_50 : memref<640x64xf32, #tpu.memory_space<vmem_shared>>) dst(%dma_wait3A_48 : memref<640x64xf32, #tpu.memory_space<hbm>>)
        tpu.yield
      }) : () -> ()
    } else {
    }
    %eq3A_32 = arith.constant 15 : i32
    %eq3A_33 = arith.cmpi eq, %arg1, %eq3A_32 : i32
    %convert_element_type3A_34 = arith.extui %eq3A_33 : i1 to i32
    %cond3A_35 = arith.constant 0 : i32
    %cond3A_36 = arith.cmpi ne, %convert_element_type3A_34, %cond3A_35 : i32
    scf.if %cond3A_36 {
      "tpu.region"() ({
        %run_scoped3A_37 = tpu.sem_alloc : memref<!tpu.dma_semaphore, #tpu.memory_space<semaphore_mem>>
        %dma_start3A_38 = arith.constant 9600 : i32
        %dma_start3A_39 = arith.constant 0 : i32
        %dma_start3A_40 = tpu.memref_slice %arg6[%arg0, %dma_start3A_38, %dma_start3A_39] : memref<2x10000x64xf32, #tpu.memory_space<hbm>> -> memref<1x400x64xf32, #tpu.memory_space<hbm>>
        %dma_start3A_41 = tpu.memref_squeeze %dma_start3A_40 : memref<1x400x64xf32, #tpu.memory_space<hbm>> -> memref<400x64xf32, #tpu.memory_space<hbm>>
        %dma_start3A_42 = arith.constant 9600 : i32
        %dma_start3A_43 = arith.constant 0 : i32
        %dma_start3A_44 = tpu.memref_slice %arg12[%dma_start3A_42, %dma_start3A_43] : memref<10000x64xf32, #tpu.memory_space<vmem_shared>> -> memref<400x64xf32, #tpu.memory_space<vmem_shared>>
        tpu.enqueue_dma source(%dma_start3A_44 : memref<400x64xf32, #tpu.memory_space<vmem_shared>>) target(%dma_start3A_41 : memref<400x64xf32, #tpu.memory_space<hbm>>) target_semaphore(%run_scoped3A_37 : memref<!tpu.dma_semaphore, #tpu.memory_space<semaphore_mem>>)
        %dma_wait3A = arith.constant 9600 : i32
        %dma_wait3A_45 = arith.constant 0 : i32
        %dma_wait3A_46 = tpu.memref_slice %arg6[%arg0, %dma_wait3A, %dma_wait3A_45] : memref<2x10000x64xf32, #tpu.memory_space<hbm>> -> memref<1x400x64xf32, #tpu.memory_space<hbm>>
        %dma_wait3A_47 = tpu.memref_squeeze %dma_wait3A_46 : memref<1x400x64xf32, #tpu.memory_space<hbm>> -> memref<400x64xf32, #tpu.memory_space<hbm>>
        %dma_wait3A_48 = arith.constant 9600 : i32
        %dma_wait3A_49 = arith.constant 0 : i32
        %dma_wait3A_50 = tpu.memref_slice %arg12[%dma_wait3A_48, %dma_wait3A_49] : memref<10000x64xf32, #tpu.memory_space<vmem_shared>> -> memref<400x64xf32, #tpu.memory_space<vmem_shared>>
        tpu.wait_dma2 semaphore(%run_scoped3A_37 : memref<!tpu.dma_semaphore, #tpu.memory_space<semaphore_mem>>) src(%dma_wait3A_50 : memref<400x64xf32, #tpu.memory_space<vmem_shared>>) dst(%dma_wait3A_47 : memref<400x64xf32, #tpu.memory_space<hbm>>)
        tpu.yield
      }) : () -> ()
    } else {
    }
    return
  }
}

#map = affine_map<(d0, d1) -> (0, 0)>
#map1 = affine_map<(d0, d1) -> (0, 0, 0)>
module attributes {stable_mosaic.version = 14 : i64} {
  func.func @_agg_sc(%arg0: i32, %arg1: i32, %arg2: memref<10000x64xf32, #tpu.memory_space<hbm>>, %arg3: memref<32x125x80xi32, #tpu.memory_space<hbm>>, %arg4: memref<32x125x80xi32, #tpu.memory_space<hbm>>, %arg5: memref<640x64xf32, #tpu.memory_space<hbm>>, %arg6: memref<2x10000x64xf32, #tpu.memory_space<hbm>>, %arg7: memref<125x80xi32, #tpu.memory_space<vmem>>, %arg8: memref<80xi32, #tpu.memory_space<vmem>>, %arg9: memref<80xi32, #tpu.memory_space<vmem>>, %arg10: memref<80x64xf32, #tpu.memory_space<vmem>>, %arg11: memref<80x64xf32, #tpu.memory_space<vmem>>, %arg12: memref<10000x64xf32, #tpu.memory_space<vmem_shared>>, %arg13: memref<!tpu.dma_semaphore, #tpu.memory_space<semaphore_mem>>, %arg14: memref<!tpu.dma_semaphore, #tpu.memory_space<semaphore_mem>>) attributes {dimension_semantics = [#tpu.dimension_semantics<core_parallel>, #tpu.dimension_semantics<subcore_parallel>], iteration_bounds = array<i64: 2, 16>, scalar_prefetch = 0 : i64, scratch_operands = 8 : i64, tpu.core_type = #tpu.core_type<sc_vector_subcore>, window_params = [{transform_indices = #map}, {transform_indices = #map1}, {transform_indices = #map1}, {transform_indices = #map}, {transform_indices = #map1}]} {
    %mul3A = arith.constant 16 : i32
    %mul3A_0 = arith.muli %arg0, %mul3A : i32
    %add3A = arith.addi %mul3A_0, %arg1 : i32
    "tpu.region"() ({
      %run_scoped3A_37 = tpu.sem_alloc : memref<!tpu.dma_semaphore, #tpu.memory_space<semaphore_mem>>
      %dma_start3A_38 = arith.constant 0 : i32
      %dma_start3A_39 = arith.constant 0 : i32
      %dma_start3A_40 = tpu.memref_slice %arg3[%add3A, %dma_start3A_38, %dma_start3A_39] : memref<32x125x80xi32, #tpu.memory_space<hbm>> -> memref<1x125x80xi32, #tpu.memory_space<hbm>>
      %dma_start3A_41 = tpu.memref_squeeze %dma_start3A_40 : memref<1x125x80xi32, #tpu.memory_space<hbm>> -> memref<125x80xi32, #tpu.memory_space<hbm>>
      %dma_start3A_42 = arith.constant 0 : i32
      %dma_start3A_43 = arith.constant 0 : i32
      %dma_start3A_44 = tpu.memref_slice %arg3[%add3A, %dma_start3A_42, %dma_start3A_43] : memref<32x125x80xi32, #tpu.memory_space<hbm>> -> memref<1x125x80xi32, #tpu.memory_space<hbm>>
      %dma_start3A_45 = tpu.memref_squeeze %dma_start3A_44 : memref<1x125x80xi32, #tpu.memory_space<hbm>> -> memref<125x80xi32, #tpu.memory_space<hbm>>
      tpu.enqueue_dma source(%dma_start3A_45 : memref<125x80xi32, #tpu.memory_space<hbm>>) target(%arg7 : memref<125x80xi32, #tpu.memory_space<vmem>>) target_semaphore(%run_scoped3A_37 : memref<!tpu.dma_semaphore, #tpu.memory_space<semaphore_mem>>)
      %dma_wait3A = arith.constant 0 : i32
      %dma_wait3A_46 = arith.constant 0 : i32
      %dma_wait3A_47 = tpu.memref_slice %arg3[%add3A, %dma_wait3A, %dma_wait3A_46] : memref<32x125x80xi32, #tpu.memory_space<hbm>> -> memref<1x125x80xi32, #tpu.memory_space<hbm>>
      %dma_wait3A_48 = tpu.memref_squeeze %dma_wait3A_47 : memref<1x125x80xi32, #tpu.memory_space<hbm>> -> memref<125x80xi32, #tpu.memory_space<hbm>>
      %dma_wait3A_49 = arith.constant 0 : i32
      %dma_wait3A_50 = arith.constant 0 : i32
      %dma_wait3A_51 = tpu.memref_slice %arg3[%add3A, %dma_wait3A_49, %dma_wait3A_50] : memref<32x125x80xi32, #tpu.memory_space<hbm>> -> memref<1x125x80xi32, #tpu.memory_space<hbm>>
      %dma_wait3A_52 = tpu.memref_squeeze %dma_wait3A_51 : memref<1x125x80xi32, #tpu.memory_space<hbm>> -> memref<125x80xi32, #tpu.memory_space<hbm>>
      tpu.wait_dma2 semaphore(%run_scoped3A_37 : memref<!tpu.dma_semaphore, #tpu.memory_space<semaphore_mem>>) src(%dma_wait3A_52 : memref<125x80xi32, #tpu.memory_space<hbm>>) dst(%arg7 : memref<125x80xi32, #tpu.memory_space<vmem>>)
      tpu.yield
    }) : () -> ()
    %run_scoped3A = arith.constant 0 : i32
    "tpu.region"() ({
      %run_scoped3A_37 = tpu.sem_alloc : memref<!tpu.dma_semaphore, #tpu.memory_space<semaphore_mem>>
      %dma_start3A_38 = arith.constant 0 : i32
      %dma_start3A_39 = tpu.memref_slice %arg4[%add3A, %run_scoped3A, %dma_start3A_38] : memref<32x125x80xi32, #tpu.memory_space<hbm>> -> memref<1x1x80xi32, #tpu.memory_space<hbm>>
      %dma_start3A_40 = tpu.memref_squeeze %dma_start3A_39 : memref<1x1x80xi32, #tpu.memory_space<hbm>> -> memref<80xi32, #tpu.memory_space<hbm>>
      %dma_start3A_41 = arith.constant 0 : i32
      %dma_start3A_42 = tpu.memref_slice %arg4[%add3A, %run_scoped3A, %dma_start3A_41] : memref<32x125x80xi32, #tpu.memory_space<hbm>> -> memref<1x1x80xi32, #tpu.memory_space<hbm>>
      %dma_start3A_43 = tpu.memref_squeeze %dma_start3A_42 : memref<1x1x80xi32, #tpu.memory_space<hbm>> -> memref<80xi32, #tpu.memory_space<hbm>>
      tpu.enqueue_dma source(%dma_start3A_43 : memref<80xi32, #tpu.memory_space<hbm>>) target(%arg8 : memref<80xi32, #tpu.memory_space<vmem>>) target_semaphore(%run_scoped3A_37 : memref<!tpu.dma_semaphore, #tpu.memory_space<semaphore_mem>>)
      %dma_wait3A = arith.constant 0 : i32
      %dma_wait3A_44 = tpu.memref_slice %arg4[%add3A, %run_scoped3A, %dma_wait3A] : memref<32x125x80xi32, #tpu.memory_space<hbm>> -> memref<1x1x80xi32, #tpu.memory_space<hbm>>
      %dma_wait3A_45 = tpu.memref_squeeze %dma_wait3A_44 : memref<1x1x80xi32, #tpu.memory_space<hbm>> -> memref<80xi32, #tpu.memory_space<hbm>>
      %dma_wait3A_46 = arith.constant 0 : i32
      %dma_wait3A_47 = tpu.memref_slice %arg4[%add3A, %run_scoped3A, %dma_wait3A_46] : memref<32x125x80xi32, #tpu.memory_space<hbm>> -> memref<1x1x80xi32, #tpu.memory_space<hbm>>
      %dma_wait3A_48 = tpu.memref_squeeze %dma_wait3A_47 : memref<1x1x80xi32, #tpu.memory_space<hbm>> -> memref<80xi32, #tpu.memory_space<hbm>>
      tpu.wait_dma2 semaphore(%run_scoped3A_37 : memref<!tpu.dma_semaphore, #tpu.memory_space<semaphore_mem>>) src(%dma_wait3A_48 : memref<80xi32, #tpu.memory_space<hbm>>) dst(%arg8 : memref<80xi32, #tpu.memory_space<vmem>>)
      tpu.yield
    }) : () -> ()
    %dma_start3A = arith.constant 0 : i32
    %dma_start3A_1 = arith.constant 0 : i32
    %dma_start3A_2 = tpu.memref_slice %arg7[%dma_start3A, %dma_start3A_1] : memref<125x80xi32, #tpu.memory_space<vmem>> -> memref<1x80xi32, #tpu.memory_space<vmem>>
    %dma_start3A_3 = tpu.memref_squeeze %dma_start3A_2 : memref<1x80xi32, #tpu.memory_space<vmem>> -> memref<80xi32, #tpu.memory_space<vmem>>
    %dma_start3A_4 = arith.constant 0 : i32
    %dma_start3A_5 = arith.constant 0 : i32
    %dma_start3A_6 = tpu.memref_slice %arg2[%dma_start3A_4, %dma_start3A_5] : memref<10000x64xf32, #tpu.memory_space<hbm>> -> memref<10000x64xf32, #tpu.memory_space<hbm>>
    tpu.enqueue_indirect_dma source(%dma_start3A_6 : memref<10000x64xf32, #tpu.memory_space<hbm>>) target(%arg10 : memref<80x64xf32, #tpu.memory_space<vmem>>) offsets(%dma_start3A_3 : memref<80xi32, #tpu.memory_space<vmem>>) semaphore(%arg13 : memref<!tpu.dma_semaphore, #tpu.memory_space<semaphore_mem>>)
    %run_scoped3A_7 = arith.constant 1 : i32
    "tpu.region"() ({
      %run_scoped3A_37 = tpu.sem_alloc : memref<!tpu.dma_semaphore, #tpu.memory_space<semaphore_mem>>
      %dma_start3A_38 = arith.constant 0 : i32
      %dma_start3A_39 = tpu.memref_slice %arg4[%add3A, %run_scoped3A_7, %dma_start3A_38] : memref<32x125x80xi32, #tpu.memory_space<hbm>> -> memref<1x1x80xi32, #tpu.memory_space<hbm>>
      %dma_start3A_40 = tpu.memref_squeeze %dma_start3A_39 : memref<1x1x80xi32, #tpu.memory_space<hbm>> -> memref<80xi32, #tpu.memory_space<hbm>>
      %dma_start3A_41 = arith.constant 0 : i32
      %dma_start3A_42 = tpu.memref_slice %arg4[%add3A, %run_scoped3A_7, %dma_start3A_41] : memref<32x125x80xi32, #tpu.memory_space<hbm>> -> memref<1x1x80xi32, #tpu.memory_space<hbm>>
      %dma_start3A_43 = tpu.memref_squeeze %dma_start3A_42 : memref<1x1x80xi32, #tpu.memory_space<hbm>> -> memref<80xi32, #tpu.memory_space<hbm>>
      tpu.enqueue_dma source(%dma_start3A_43 : memref<80xi32, #tpu.memory_space<hbm>>) target(%arg9 : memref<80xi32, #tpu.memory_space<vmem>>) target_semaphore(%run_scoped3A_37 : memref<!tpu.dma_semaphore, #tpu.memory_space<semaphore_mem>>)
      %dma_wait3A = arith.constant 0 : i32
      %dma_wait3A_44 = tpu.memref_slice %arg4[%add3A, %run_scoped3A_7, %dma_wait3A] : memref<32x125x80xi32, #tpu.memory_space<hbm>> -> memref<1x1x80xi32, #tpu.memory_space<hbm>>
      %dma_wait3A_45 = tpu.memref_squeeze %dma_wait3A_44 : memref<1x1x80xi32, #tpu.memory_space<hbm>> -> memref<80xi32, #tpu.memory_space<hbm>>
      %dma_wait3A_46 = arith.constant 0 : i32
      %dma_wait3A_47 = tpu.memref_slice %arg4[%add3A, %run_scoped3A_7, %dma_wait3A_46] : memref<32x125x80xi32, #tpu.memory_space<hbm>> -> memref<1x1x80xi32, #tpu.memory_space<hbm>>
      %dma_wait3A_48 = tpu.memref_squeeze %dma_wait3A_47 : memref<1x1x80xi32, #tpu.memory_space<hbm>> -> memref<80xi32, #tpu.memory_space<hbm>>
      tpu.wait_dma2 semaphore(%run_scoped3A_37 : memref<!tpu.dma_semaphore, #tpu.memory_space<semaphore_mem>>) src(%dma_wait3A_48 : memref<80xi32, #tpu.memory_space<hbm>>) dst(%arg9 : memref<80xi32, #tpu.memory_space<vmem>>)
      tpu.yield
    }) : () -> ()
    %dma_start3A_8 = arith.constant 1 : i32
    %dma_start3A_9 = arith.constant 0 : i32
    %dma_start3A_10 = tpu.memref_slice %arg7[%dma_start3A_8, %dma_start3A_9] : memref<125x80xi32, #tpu.memory_space<vmem>> -> memref<1x80xi32, #tpu.memory_space<vmem>>
    %dma_start3A_11 = tpu.memref_squeeze %dma_start3A_10 : memref<1x80xi32, #tpu.memory_space<vmem>> -> memref<80xi32, #tpu.memory_space<vmem>>
    %dma_start3A_12 = arith.constant 0 : i32
    %dma_start3A_13 = arith.constant 0 : i32
    %dma_start3A_14 = tpu.memref_slice %arg2[%dma_start3A_12, %dma_start3A_13] : memref<10000x64xf32, #tpu.memory_space<hbm>> -> memref<10000x64xf32, #tpu.memory_space<hbm>>
    tpu.enqueue_indirect_dma source(%dma_start3A_14 : memref<10000x64xf32, #tpu.memory_space<hbm>>) target(%arg11 : memref<80x64xf32, #tpu.memory_space<vmem>>) offsets(%dma_start3A_11 : memref<80xi32, #tpu.memory_space<vmem>>) semaphore(%arg14 : memref<!tpu.dma_semaphore, #tpu.memory_space<semaphore_mem>>)
    %lt3A = arith.constant 15 : i32
    %lt3A_15 = arith.cmpi slt, %arg1, %lt3A : i32
    %convert_element_type3A = arith.extui %lt3A_15 : i1 to i32
    %cond3A = arith.constant 0 : i32
    %cond3A_16 = arith.cmpi ne, %convert_element_type3A, %cond3A : i32
    scf.if %cond3A_16 {
      %mul3A_37 = arith.constant 640 : i32
      %mul3A_38 = arith.muli %arg1, %mul3A_37 : i32
      "tpu.region"() ({
        %run_scoped3A_39 = tpu.sem_alloc : memref<!tpu.dma_semaphore, #tpu.memory_space<semaphore_mem>>
        %dma_start3A_40 = arith.constant 0 : i32
        %dma_start3A_41 = tpu.memref_slice %arg12[%mul3A_38, %dma_start3A_40] : memref<10000x64xf32, #tpu.memory_space<vmem_shared>> -> memref<640x64xf32, #tpu.memory_space<vmem_shared>>
        tpu.enqueue_dma source(%arg5 : memref<640x64xf32, #tpu.memory_space<hbm>>) target(%dma_start3A_41 : memref<640x64xf32, #tpu.memory_space<vmem_shared>>) target_semaphore(%run_scoped3A_39 : memref<!tpu.dma_semaphore, #tpu.memory_space<semaphore_mem>>)
        %dma_wait3A = arith.constant 0 : i32
        %dma_wait3A_42 = tpu.memref_slice %arg12[%mul3A_38, %dma_wait3A] : memref<10000x64xf32, #tpu.memory_space<vmem_shared>> -> memref<640x64xf32, #tpu.memory_space<vmem_shared>>
        tpu.wait_dma2 semaphore(%run_scoped3A_39 : memref<!tpu.dma_semaphore, #tpu.memory_space<semaphore_mem>>) src(%arg5 : memref<640x64xf32, #tpu.memory_space<hbm>>) dst(%dma_wait3A_42 : memref<640x64xf32, #tpu.memory_space<vmem_shared>>)
        tpu.yield
      }) : () -> ()
    } else {
    }
    %eq3A = arith.constant 15 : i32
    %eq3A_17 = arith.cmpi eq, %arg1, %eq3A : i32
    %convert_element_type3A_18 = arith.extui %eq3A_17 : i1 to i32
    %cond3A_19 = arith.constant 0 : i32
    %cond3A_20 = arith.cmpi ne, %convert_element_type3A_18, %cond3A_19 : i32
    scf.if %cond3A_20 {
      "tpu.region"() ({
        %run_scoped3A_37 = tpu.sem_alloc : memref<!tpu.dma_semaphore, #tpu.memory_space<semaphore_mem>>
        %dma_start3A_38 = arith.constant 9600 : i32
        %dma_start3A_39 = arith.constant 0 : i32
        %dma_start3A_40 = tpu.memref_slice %arg12[%dma_start3A_38, %dma_start3A_39] : memref<10000x64xf32, #tpu.memory_space<vmem_shared>> -> memref<400x64xf32, #tpu.memory_space<vmem_shared>>
        %dma_start3A_41 = arith.constant 0 : i32
        %dma_start3A_42 = arith.constant 0 : i32
        %dma_start3A_43 = tpu.memref_slice %arg5[%dma_start3A_41, %dma_start3A_42] : memref<640x64xf32, #tpu.memory_space<hbm>> -> memref<400x64xf32, #tpu.memory_space<hbm>>
        tpu.enqueue_dma source(%dma_start3A_43 : memref<400x64xf32, #tpu.memory_space<hbm>>) target(%dma_start3A_40 : memref<400x64xf32, #tpu.memory_space<vmem_shared>>) target_semaphore(%run_scoped3A_37 : memref<!tpu.dma_semaphore, #tpu.memory_space<semaphore_mem>>)
        %dma_wait3A = arith.constant 9600 : i32
        %dma_wait3A_44 = arith.constant 0 : i32
        %dma_wait3A_45 = tpu.memref_slice %arg12[%dma_wait3A, %dma_wait3A_44] : memref<10000x64xf32, #tpu.memory_space<vmem_shared>> -> memref<400x64xf32, #tpu.memory_space<vmem_shared>>
        %dma_wait3A_46 = arith.constant 0 : i32
        %dma_wait3A_47 = arith.constant 0 : i32
        %dma_wait3A_48 = tpu.memref_slice %arg5[%dma_wait3A_46, %dma_wait3A_47] : memref<640x64xf32, #tpu.memory_space<hbm>> -> memref<400x64xf32, #tpu.memory_space<hbm>>
        tpu.wait_dma2 semaphore(%run_scoped3A_37 : memref<!tpu.dma_semaphore, #tpu.memory_space<semaphore_mem>>) src(%dma_wait3A_48 : memref<400x64xf32, #tpu.memory_space<hbm>>) dst(%dma_wait3A_45 : memref<400x64xf32, #tpu.memory_space<vmem_shared>>)
        tpu.yield
      }) : () -> ()
    } else {
    }
    %barrier3A = arith.constant 0 : index
    tpu.barrier barrier_id(%barrier3A)
    %scan3A = arith.constant 0 : i32
    %scan3A_21 = arith.constant 0 : i32
    %scan3A_22 = arith.constant 125 : i32
    %scan3A_23 = arith.addi %scan3A_21, %scan3A_22 : i32
    %scan3A_24 = arith.constant 1 : i32
    scf.for %scan3A_37 = %scan3A_21 to %scan3A_23 step %scan3A_24  : i32 {
      %rem3A = arith.constant 2 : i32
      %rem3A_38 = arith.remsi %scan3A_37, %rem3A : i32
      %eq3A_39 = arith.constant 0 : i32
      %eq3A_40 = arith.cmpi eq, %rem3A_38, %eq3A_39 : i32
      %convert_element_type3A_41 = arith.extui %eq3A_40 : i1 to i32
      %cond3A_42 = arith.constant 0 : i32
      %cond3A_43 = arith.cmpi ne, %convert_element_type3A_41, %cond3A_42 : i32
      scf.if %cond3A_43 {
        %dma_wait3A = arith.constant 0 : i32
        %dma_wait3A_51 = tpu.memref_slice %arg7[%scan3A_37, %dma_wait3A] : memref<125x80xi32, #tpu.memory_space<vmem>> -> memref<1x80xi32, #tpu.memory_space<vmem>>
        %dma_wait3A_52 = tpu.memref_squeeze %dma_wait3A_51 : memref<1x80xi32, #tpu.memory_space<vmem>> -> memref<80xi32, #tpu.memory_space<vmem>>
        %dma_wait3A_53 = arith.constant 0 : i32
        %dma_wait3A_54 = arith.constant 0 : i32
        %dma_wait3A_55 = tpu.memref_slice %arg2[%dma_wait3A_53, %dma_wait3A_54] : memref<10000x64xf32, #tpu.memory_space<hbm>> -> memref<10000x64xf32, #tpu.memory_space<hbm>>
        tpu.wait_indirect_dma semaphore(%arg13 : memref<!tpu.dma_semaphore, #tpu.memory_space<semaphore_mem>>) src(%dma_wait3A_55 : memref<10000x64xf32, #tpu.memory_space<hbm>>) dst(%arg10 : memref<80x64xf32, #tpu.memory_space<vmem>>)
        "tpu.region"() ({
          %run_scoped3A_63 = tpu.sem_alloc : memref<!tpu.dma_semaphore, #tpu.memory_space<semaphore_mem>>
          %dma_start3A_64 = arith.constant 0 : i32
          %dma_start3A_65 = arith.constant 0 : i32
          %dma_start3A_66 = tpu.memref_slice %arg12[%dma_start3A_64, %dma_start3A_65] : memref<10000x64xf32, #tpu.memory_space<vmem_shared>> -> memref<10000x64xf32, #tpu.memory_space<vmem_shared>>
          tpu.enqueue_indirect_dma source(%arg10 : memref<80x64xf32, #tpu.memory_space<vmem>>) target(%dma_start3A_66 : memref<10000x64xf32, #tpu.memory_space<vmem_shared>>) offsets(%arg8 : memref<80xi32, #tpu.memory_space<vmem>>) semaphore(%run_scoped3A_63 : memref<!tpu.dma_semaphore, #tpu.memory_space<semaphore_mem>>) {add = true}
          %dma_wait3A_67 = arith.constant 0 : i32
          %dma_wait3A_68 = arith.constant 0 : i32
          %dma_wait3A_69 = tpu.memref_slice %arg12[%dma_wait3A_67, %dma_wait3A_68] : memref<10000x64xf32, #tpu.memory_space<vmem_shared>> -> memref<10000x64xf32, #tpu.memory_space<vmem_shared>>
          tpu.wait_indirect_dma semaphore(%run_scoped3A_63 : memref<!tpu.dma_semaphore, #tpu.memory_space<semaphore_mem>>) src(%arg10 : memref<80x64xf32, #tpu.memory_space<vmem>>) dst(%dma_wait3A_69 : memref<10000x64xf32, #tpu.memory_space<vmem_shared>>)
          tpu.yield
        }) : () -> ()
        %add3A_56 = arith.constant 2 : i32
        %add3A_57 = arith.addi %scan3A_37, %add3A_56 : i32
        %lt3A_58 = arith.constant 125 : i32
        %lt3A_59 = arith.cmpi slt, %add3A_57, %lt3A_58 : i32
        %convert_element_type3A_60 = arith.extui %lt3A_59 : i1 to i32
        %cond3A_61 = arith.constant 0 : i32
        %cond3A_62 = arith.cmpi ne, %convert_element_type3A_60, %cond3A_61 : i32
        scf.if %cond3A_62 {
          %add3A_63 = arith.constant 2 : i32
          %add3A_64 = arith.addi %scan3A_37, %add3A_63 : i32
          "tpu.region"() ({
            %run_scoped3A_73 = tpu.sem_alloc : memref<!tpu.dma_semaphore, #tpu.memory_space<semaphore_mem>>
            %dma_start3A_74 = arith.constant 0 : i32
            %dma_start3A_75 = tpu.memref_slice %arg4[%add3A, %add3A_64, %dma_start3A_74] : memref<32x125x80xi32, #tpu.memory_space<hbm>> -> memref<1x1x80xi32, #tpu.memory_space<hbm>>
            %dma_start3A_76 = tpu.memref_squeeze %dma_start3A_75 : memref<1x1x80xi32, #tpu.memory_space<hbm>> -> memref<80xi32, #tpu.memory_space<hbm>>
            %dma_start3A_77 = arith.constant 0 : i32
            %dma_start3A_78 = tpu.memref_slice %arg4[%add3A, %add3A_64, %dma_start3A_77] : memref<32x125x80xi32, #tpu.memory_space<hbm>> -> memref<1x1x80xi32, #tpu.memory_space<hbm>>
            %dma_start3A_79 = tpu.memref_squeeze %dma_start3A_78 : memref<1x1x80xi32, #tpu.memory_space<hbm>> -> memref<80xi32, #tpu.memory_space<hbm>>
            tpu.enqueue_dma source(%dma_start3A_79 : memref<80xi32, #tpu.memory_space<hbm>>) target(%arg8 : memref<80xi32, #tpu.memory_space<vmem>>) target_semaphore(%run_scoped3A_73 : memref<!tpu.dma_semaphore, #tpu.memory_space<semaphore_mem>>)
            %dma_wait3A_80 = arith.constant 0 : i32
            %dma_wait3A_81 = tpu.memref_slice %arg4[%add3A, %add3A_64, %dma_wait3A_80] : memref<32x125x80xi32, #tpu.memory_space<hbm>> -> memref<1x1x80xi32, #tpu.memory_space<hbm>>
            %dma_wait3A_82 = tpu.memref_squeeze %dma_wait3A_81 : memref<1x1x80xi32, #tpu.memory_space<hbm>> -> memref<80xi32, #tpu.memory_space<hbm>>
            %dma_wait3A_83 = arith.constant 0 : i32
            %dma_wait3A_84 = tpu.memref_slice %arg4[%add3A, %add3A_64, %dma_wait3A_83] : memref<32x125x80xi32, #tpu.memory_space<hbm>> -> memref<1x1x80xi32, #tpu.memory_space<hbm>>
            %dma_wait3A_85 = tpu.memref_squeeze %dma_wait3A_84 : memref<1x1x80xi32, #tpu.memory_space<hbm>> -> memref<80xi32, #tpu.memory_space<hbm>>
            tpu.wait_dma2 semaphore(%run_scoped3A_73 : memref<!tpu.dma_semaphore, #tpu.memory_space<semaphore_mem>>) src(%dma_wait3A_85 : memref<80xi32, #tpu.memory_space<hbm>>) dst(%arg8 : memref<80xi32, #tpu.memory_space<vmem>>)
            tpu.yield
          }) : () -> ()
          %add3A_65 = arith.constant 2 : i32
          %add3A_66 = arith.addi %scan3A_37, %add3A_65 : i32
          %dma_start3A_67 = arith.constant 0 : i32
          %dma_start3A_68 = tpu.memref_slice %arg7[%add3A_66, %dma_start3A_67] : memref<125x80xi32, #tpu.memory_space<vmem>> -> memref<1x80xi32, #tpu.memory_space<vmem>>
          %dma_start3A_69 = tpu.memref_squeeze %dma_start3A_68 : memref<1x80xi32, #tpu.memory_space<vmem>> -> memref<80xi32, #tpu.memory_space<vmem>>
          %dma_start3A_70 = arith.constant 0 : i32
          %dma_start3A_71 = arith.constant 0 : i32
          %dma_start3A_72 = tpu.memref_slice %arg2[%dma_start3A_70, %dma_start3A_71] : memref<10000x64xf32, #tpu.memory_space<hbm>> -> memref<10000x64xf32, #tpu.memory_space<hbm>>
          tpu.enqueue_indirect_dma source(%dma_start3A_72 : memref<10000x64xf32, #tpu.memory_space<hbm>>) target(%arg10 : memref<80x64xf32, #tpu.memory_space<vmem>>) offsets(%dma_start3A_69 : memref<80xi32, #tpu.memory_space<vmem>>) semaphore(%arg13 : memref<!tpu.dma_semaphore, #tpu.memory_space<semaphore_mem>>)
        } else {
        }
      } else {
      }
      %rem3A_44 = arith.constant 2 : i32
      %rem3A_45 = arith.remsi %scan3A_37, %rem3A_44 : i32
      %eq3A_46 = arith.constant 1 : i32
      %eq3A_47 = arith.cmpi eq, %rem3A_45, %eq3A_46 : i32
      %convert_element_type3A_48 = arith.extui %eq3A_47 : i1 to i32
      %cond3A_49 = arith.constant 0 : i32
      %cond3A_50 = arith.cmpi ne, %convert_element_type3A_48, %cond3A_49 : i32
      scf.if %cond3A_50 {
        %dma_wait3A = arith.constant 0 : i32
        %dma_wait3A_51 = tpu.memref_slice %arg7[%scan3A_37, %dma_wait3A] : memref<125x80xi32, #tpu.memory_space<vmem>> -> memref<1x80xi32, #tpu.memory_space<vmem>>
        %dma_wait3A_52 = tpu.memref_squeeze %dma_wait3A_51 : memref<1x80xi32, #tpu.memory_space<vmem>> -> memref<80xi32, #tpu.memory_space<vmem>>
        %dma_wait3A_53 = arith.constant 0 : i32
        %dma_wait3A_54 = arith.constant 0 : i32
        %dma_wait3A_55 = tpu.memref_slice %arg2[%dma_wait3A_53, %dma_wait3A_54] : memref<10000x64xf32, #tpu.memory_space<hbm>> -> memref<10000x64xf32, #tpu.memory_space<hbm>>
        tpu.wait_indirect_dma semaphore(%arg14 : memref<!tpu.dma_semaphore, #tpu.memory_space<semaphore_mem>>) src(%dma_wait3A_55 : memref<10000x64xf32, #tpu.memory_space<hbm>>) dst(%arg11 : memref<80x64xf32, #tpu.memory_space<vmem>>)
        "tpu.region"() ({
          %run_scoped3A_63 = tpu.sem_alloc : memref<!tpu.dma_semaphore, #tpu.memory_space<semaphore_mem>>
          %dma_start3A_64 = arith.constant 0 : i32
          %dma_start3A_65 = arith.constant 0 : i32
          %dma_start3A_66 = tpu.memref_slice %arg12[%dma_start3A_64, %dma_start3A_65] : memref<10000x64xf32, #tpu.memory_space<vmem_shared>> -> memref<10000x64xf32, #tpu.memory_space<vmem_shared>>
          tpu.enqueue_indirect_dma source(%arg11 : memref<80x64xf32, #tpu.memory_space<vmem>>) target(%dma_start3A_66 : memref<10000x64xf32, #tpu.memory_space<vmem_shared>>) offsets(%arg9 : memref<80xi32, #tpu.memory_space<vmem>>) semaphore(%run_scoped3A_63 : memref<!tpu.dma_semaphore, #tpu.memory_space<semaphore_mem>>) {add = true}
          %dma_wait3A_67 = arith.constant 0 : i32
          %dma_wait3A_68 = arith.constant 0 : i32
          %dma_wait3A_69 = tpu.memref_slice %arg12[%dma_wait3A_67, %dma_wait3A_68] : memref<10000x64xf32, #tpu.memory_space<vmem_shared>> -> memref<10000x64xf32, #tpu.memory_space<vmem_shared>>
          tpu.wait_indirect_dma semaphore(%run_scoped3A_63 : memref<!tpu.dma_semaphore, #tpu.memory_space<semaphore_mem>>) src(%arg11 : memref<80x64xf32, #tpu.memory_space<vmem>>) dst(%dma_wait3A_69 : memref<10000x64xf32, #tpu.memory_space<vmem_shared>>)
          tpu.yield
        }) : () -> ()
        %add3A_56 = arith.constant 2 : i32
        %add3A_57 = arith.addi %scan3A_37, %add3A_56 : i32
        %lt3A_58 = arith.constant 125 : i32
        %lt3A_59 = arith.cmpi slt, %add3A_57, %lt3A_58 : i32
        %convert_element_type3A_60 = arith.extui %lt3A_59 : i1 to i32
        %cond3A_61 = arith.constant 0 : i32
        %cond3A_62 = arith.cmpi ne, %convert_element_type3A_60, %cond3A_61 : i32
        scf.if %cond3A_62 {
          %add3A_63 = arith.constant 2 : i32
          %add3A_64 = arith.addi %scan3A_37, %add3A_63 : i32
          "tpu.region"() ({
            %run_scoped3A_73 = tpu.sem_alloc : memref<!tpu.dma_semaphore, #tpu.memory_space<semaphore_mem>>
            %dma_start3A_74 = arith.constant 0 : i32
            %dma_start3A_75 = tpu.memref_slice %arg4[%add3A, %add3A_64, %dma_start3A_74] : memref<32x125x80xi32, #tpu.memory_space<hbm>> -> memref<1x1x80xi32, #tpu.memory_space<hbm>>
            %dma_start3A_76 = tpu.memref_squeeze %dma_start3A_75 : memref<1x1x80xi32, #tpu.memory_space<hbm>> -> memref<80xi32, #tpu.memory_space<hbm>>
            %dma_start3A_77 = arith.constant 0 : i32
            %dma_start3A_78 = tpu.memref_slice %arg4[%add3A, %add3A_64, %dma_start3A_77] : memref<32x125x80xi32, #tpu.memory_space<hbm>> -> memref<1x1x80xi32, #tpu.memory_space<hbm>>
            %dma_start3A_79 = tpu.memref_squeeze %dma_start3A_78 : memref<1x1x80xi32, #tpu.memory_space<hbm>> -> memref<80xi32, #tpu.memory_space<hbm>>
            tpu.enqueue_dma source(%dma_start3A_79 : memref<80xi32, #tpu.memory_space<hbm>>) target(%arg9 : memref<80xi32, #tpu.memory_space<vmem>>) target_semaphore(%run_scoped3A_73 : memref<!tpu.dma_semaphore, #tpu.memory_space<semaphore_mem>>)
            %dma_wait3A_80 = arith.constant 0 : i32
            %dma_wait3A_81 = tpu.memref_slice %arg4[%add3A, %add3A_64, %dma_wait3A_80] : memref<32x125x80xi32, #tpu.memory_space<hbm>> -> memref<1x1x80xi32, #tpu.memory_space<hbm>>
            %dma_wait3A_82 = tpu.memref_squeeze %dma_wait3A_81 : memref<1x1x80xi32, #tpu.memory_space<hbm>> -> memref<80xi32, #tpu.memory_space<hbm>>
            %dma_wait3A_83 = arith.constant 0 : i32
            %dma_wait3A_84 = tpu.memref_slice %arg4[%add3A, %add3A_64, %dma_wait3A_83] : memref<32x125x80xi32, #tpu.memory_space<hbm>> -> memref<1x1x80xi32, #tpu.memory_space<hbm>>
            %dma_wait3A_85 = tpu.memref_squeeze %dma_wait3A_84 : memref<1x1x80xi32, #tpu.memory_space<hbm>> -> memref<80xi32, #tpu.memory_space<hbm>>
            tpu.wait_dma2 semaphore(%run_scoped3A_73 : memref<!tpu.dma_semaphore, #tpu.memory_space<semaphore_mem>>) src(%dma_wait3A_85 : memref<80xi32, #tpu.memory_space<hbm>>) dst(%arg9 : memref<80xi32, #tpu.memory_space<vmem>>)
            tpu.yield
          }) : () -> ()
          %add3A_65 = arith.constant 2 : i32
          %add3A_66 = arith.addi %scan3A_37, %add3A_65 : i32
          %dma_start3A_67 = arith.constant 0 : i32
          %dma_start3A_68 = tpu.memref_slice %arg7[%add3A_66, %dma_start3A_67] : memref<125x80xi32, #tpu.memory_space<vmem>> -> memref<1x80xi32, #tpu.memory_space<vmem>>
          %dma_start3A_69 = tpu.memref_squeeze %dma_start3A_68 : memref<1x80xi32, #tpu.memory_space<vmem>> -> memref<80xi32, #tpu.memory_space<vmem>>
          %dma_start3A_70 = arith.constant 0 : i32
          %dma_start3A_71 = arith.constant 0 : i32
          %dma_start3A_72 = tpu.memref_slice %arg2[%dma_start3A_70, %dma_start3A_71] : memref<10000x64xf32, #tpu.memory_space<hbm>> -> memref<10000x64xf32, #tpu.memory_space<hbm>>
          tpu.enqueue_indirect_dma source(%dma_start3A_72 : memref<10000x64xf32, #tpu.memory_space<hbm>>) target(%arg11 : memref<80x64xf32, #tpu.memory_space<vmem>>) offsets(%dma_start3A_69 : memref<80xi32, #tpu.memory_space<vmem>>) semaphore(%arg14 : memref<!tpu.dma_semaphore, #tpu.memory_space<semaphore_mem>>)
        } else {
        }
      } else {
      }
    }
    %scan3A_25 = arith.constant 125 : i32
    %barrier3A_26 = arith.constant 0 : index
    tpu.barrier barrier_id(%barrier3A_26)
    %lt3A_27 = arith.constant 15 : i32
    %lt3A_28 = arith.cmpi slt, %arg1, %lt3A_27 : i32
    %convert_element_type3A_29 = arith.extui %lt3A_28 : i1 to i32
    %cond3A_30 = arith.constant 0 : i32
    %cond3A_31 = arith.cmpi ne, %convert_element_type3A_29, %cond3A_30 : i32
    scf.if %cond3A_31 {
      %mul3A_37 = arith.constant 640 : i32
      %mul3A_38 = arith.muli %arg1, %mul3A_37 : i32
      %mul3A_39 = arith.constant 640 : i32
      %mul3A_40 = arith.muli %arg1, %mul3A_39 : i32
      "tpu.region"() ({
        %run_scoped3A_41 = tpu.sem_alloc : memref<!tpu.dma_semaphore, #tpu.memory_space<semaphore_mem>>
        %dma_start3A_42 = arith.constant 0 : i32
        %dma_start3A_43 = tpu.memref_slice %arg6[%arg0, %mul3A_40, %dma_start3A_42] : memref<2x10000x64xf32, #tpu.memory_space<hbm>> -> memref<1x640x64xf32, #tpu.memory_space<hbm>>
        %dma_start3A_44 = tpu.memref_squeeze %dma_start3A_43 : memref<1x640x64xf32, #tpu.memory_space<hbm>> -> memref<640x64xf32, #tpu.memory_space<hbm>>
        %dma_start3A_45 = arith.constant 0 : i32
        %dma_start3A_46 = tpu.memref_slice %arg12[%mul3A_38, %dma_start3A_45] : memref<10000x64xf32, #tpu.memory_space<vmem_shared>> -> memref<640x64xf32, #tpu.memory_space<vmem_shared>>
        tpu.enqueue_dma source(%dma_start3A_46 : memref<640x64xf32, #tpu.memory_space<vmem_shared>>) target(%dma_start3A_44 : memref<640x64xf32, #tpu.memory_space<hbm>>) target_semaphore(%run_scoped3A_41 : memref<!tpu.dma_semaphore, #tpu.memory_space<semaphore_mem>>)
        %dma_wait3A = arith.constant 0 : i32
        %dma_wait3A_47 = tpu.memref_slice %arg6[%arg0, %mul3A_40, %dma_wait3A] : memref<2x10000x64xf32, #tpu.memory_space<hbm>> -> memref<1x640x64xf32, #tpu.memory_space<hbm>>
        %dma_wait3A_48 = tpu.memref_squeeze %dma_wait3A_47 : memref<1x640x64xf32, #tpu.memory_space<hbm>> -> memref<640x64xf32, #tpu.memory_space<hbm>>
        %dma_wait3A_49 = arith.constant 0 : i32
        %dma_wait3A_50 = tpu.memref_slice %arg12[%mul3A_38, %dma_wait3A_49] : memref<10000x64xf32, #tpu.memory_space<vmem_shared>> -> memref<640x64xf32, #tpu.memory_space<vmem_shared>>
        tpu.wait_dma2 semaphore(%run_scoped3A_41 : memref<!tpu.dma_semaphore, #tpu.memory_space<semaphore_mem>>) src(%dma_wait3A_50 : memref<640x64xf32, #tpu.memory_space<vmem_shared>>) dst(%dma_wait3A_48 : memref<640x64xf32, #tpu.memory_space<hbm>>)
        tpu.yield
      }) : () -> ()
    } else {
    }
    %eq3A_32 = arith.constant 15 : i32
    %eq3A_33 = arith.cmpi eq, %arg1, %eq3A_32 : i32
    %convert_element_type3A_34 = arith.extui %eq3A_33 : i1 to i32
    %cond3A_35 = arith.constant 0 : i32
    %cond3A_36 = arith.cmpi ne, %convert_element_type3A_34, %cond3A_35 : i32
    scf.if %cond3A_36 {
      "tpu.region"() ({
        %run_scoped3A_37 = tpu.sem_alloc : memref<!tpu.dma_semaphore, #tpu.memory_space<semaphore_mem>>
        %dma_start3A_38 = arith.constant 9600 : i32
        %dma_start3A_39 = arith.constant 0 : i32
        %dma_start3A_40 = tpu.memref_slice %arg6[%arg0, %dma_start3A_38, %dma_start3A_39] : memref<2x10000x64xf32, #tpu.memory_space<hbm>> -> memref<1x400x64xf32, #tpu.memory_space<hbm>>
        %dma_start3A_41 = tpu.memref_squeeze %dma_start3A_40 : memref<1x400x64xf32, #tpu.memory_space<hbm>> -> memref<400x64xf32, #tpu.memory_space<hbm>>
        %dma_start3A_42 = arith.constant 9600 : i32
        %dma_start3A_43 = arith.constant 0 : i32
        %dma_start3A_44 = tpu.memref_slice %arg12[%dma_start3A_42, %dma_start3A_43] : memref<10000x64xf32, #tpu.memory_space<vmem_shared>> -> memref<400x64xf32, #tpu.memory_space<vmem_shared>>
        tpu.enqueue_dma source(%dma_start3A_44 : memref<400x64xf32, #tpu.memory_space<vmem_shared>>) target(%dma_start3A_41 : memref<400x64xf32, #tpu.memory_space<hbm>>) target_semaphore(%run_scoped3A_37 : memref<!tpu.dma_semaphore, #tpu.memory_space<semaphore_mem>>)
        %dma_wait3A = arith.constant 9600 : i32
        %dma_wait3A_45 = arith.constant 0 : i32
        %dma_wait3A_46 = tpu.memref_slice %arg6[%arg0, %dma_wait3A, %dma_wait3A_45] : memref<2x10000x64xf32, #tpu.memory_space<hbm>> -> memref<1x400x64xf32, #tpu.memory_space<hbm>>
        %dma_wait3A_47 = tpu.memref_squeeze %dma_wait3A_46 : memref<1x400x64xf32, #tpu.memory_space<hbm>> -> memref<400x64xf32, #tpu.memory_space<hbm>>
        %dma_wait3A_48 = arith.constant 9600 : i32
        %dma_wait3A_49 = arith.constant 0 : i32
        %dma_wait3A_50 = tpu.memref_slice %arg12[%dma_wait3A_48, %dma_wait3A_49] : memref<10000x64xf32, #tpu.memory_space<vmem_shared>> -> memref<400x64xf32, #tpu.memory_space<vmem_shared>>
        tpu.wait_dma2 semaphore(%run_scoped3A_37 : memref<!tpu.dma_semaphore, #tpu.memory_space<semaphore_mem>>) src(%dma_wait3A_50 : memref<400x64xf32, #tpu.memory_space<vmem_shared>>) dst(%dma_wait3A_47 : memref<400x64xf32, #tpu.memory_space<hbm>>)
        tpu.yield
      }) : () -> ()
    } else {
    }
    return
  }
}

#map = affine_map<(d0, d1) -> (0, 0)>
#map1 = affine_map<(d0, d1) -> (0, 0, 0)>
module attributes {stable_mosaic.version = 14 : i64} {
  func.func @_agg_sc(%arg0: i32, %arg1: i32, %arg2: memref<10000x64xf32, #tpu.memory_space<hbm>>, %arg3: memref<32x125x80xi32, #tpu.memory_space<hbm>>, %arg4: memref<32x125x80xi32, #tpu.memory_space<hbm>>, %arg5: memref<640x64xf32, #tpu.memory_space<hbm>>, %arg6: memref<2x10000x64xf32, #tpu.memory_space<hbm>>, %arg7: memref<125x80xi32, #tpu.memory_space<vmem>>, %arg8: memref<80xi32, #tpu.memory_space<vmem>>, %arg9: memref<80xi32, #tpu.memory_space<vmem>>, %arg10: memref<80x64xf32, #tpu.memory_space<vmem>>, %arg11: memref<80x64xf32, #tpu.memory_space<vmem>>, %arg12: memref<10000x64xf32, #tpu.memory_space<vmem_shared>>, %arg13: memref<!tpu.dma_semaphore, #tpu.memory_space<semaphore_mem>>, %arg14: memref<!tpu.dma_semaphore, #tpu.memory_space<semaphore_mem>>) attributes {dimension_semantics = [#tpu.dimension_semantics<core_parallel>, #tpu.dimension_semantics<subcore_parallel>], iteration_bounds = array<i64: 2, 16>, scalar_prefetch = 0 : i64, scratch_operands = 8 : i64, tpu.core_type = #tpu.core_type<sc_vector_subcore>, window_params = [{transform_indices = #map}, {transform_indices = #map1}, {transform_indices = #map1}, {transform_indices = #map}, {transform_indices = #map1}]} {
    %mul3A = arith.constant 16 : i32
    %mul3A_0 = arith.muli %arg0, %mul3A : i32
    %add3A = arith.addi %mul3A_0, %arg1 : i32
    "tpu.region"() ({
      %run_scoped3A_37 = tpu.sem_alloc : memref<!tpu.dma_semaphore, #tpu.memory_space<semaphore_mem>>
      %dma_start3A_38 = arith.constant 0 : i32
      %dma_start3A_39 = arith.constant 0 : i32
      %dma_start3A_40 = tpu.memref_slice %arg3[%add3A, %dma_start3A_38, %dma_start3A_39] : memref<32x125x80xi32, #tpu.memory_space<hbm>> -> memref<1x125x80xi32, #tpu.memory_space<hbm>>
      %dma_start3A_41 = tpu.memref_squeeze %dma_start3A_40 : memref<1x125x80xi32, #tpu.memory_space<hbm>> -> memref<125x80xi32, #tpu.memory_space<hbm>>
      %dma_start3A_42 = arith.constant 0 : i32
      %dma_start3A_43 = arith.constant 0 : i32
      %dma_start3A_44 = tpu.memref_slice %arg3[%add3A, %dma_start3A_42, %dma_start3A_43] : memref<32x125x80xi32, #tpu.memory_space<hbm>> -> memref<1x125x80xi32, #tpu.memory_space<hbm>>
      %dma_start3A_45 = tpu.memref_squeeze %dma_start3A_44 : memref<1x125x80xi32, #tpu.memory_space<hbm>> -> memref<125x80xi32, #tpu.memory_space<hbm>>
      tpu.enqueue_dma source(%dma_start3A_45 : memref<125x80xi32, #tpu.memory_space<hbm>>) target(%arg7 : memref<125x80xi32, #tpu.memory_space<vmem>>) target_semaphore(%run_scoped3A_37 : memref<!tpu.dma_semaphore, #tpu.memory_space<semaphore_mem>>)
      %dma_wait3A = arith.constant 0 : i32
      %dma_wait3A_46 = arith.constant 0 : i32
      %dma_wait3A_47 = tpu.memref_slice %arg3[%add3A, %dma_wait3A, %dma_wait3A_46] : memref<32x125x80xi32, #tpu.memory_space<hbm>> -> memref<1x125x80xi32, #tpu.memory_space<hbm>>
      %dma_wait3A_48 = tpu.memref_squeeze %dma_wait3A_47 : memref<1x125x80xi32, #tpu.memory_space<hbm>> -> memref<125x80xi32, #tpu.memory_space<hbm>>
      %dma_wait3A_49 = arith.constant 0 : i32
      %dma_wait3A_50 = arith.constant 0 : i32
      %dma_wait3A_51 = tpu.memref_slice %arg3[%add3A, %dma_wait3A_49, %dma_wait3A_50] : memref<32x125x80xi32, #tpu.memory_space<hbm>> -> memref<1x125x80xi32, #tpu.memory_space<hbm>>
      %dma_wait3A_52 = tpu.memref_squeeze %dma_wait3A_51 : memref<1x125x80xi32, #tpu.memory_space<hbm>> -> memref<125x80xi32, #tpu.memory_space<hbm>>
      tpu.wait_dma2 semaphore(%run_scoped3A_37 : memref<!tpu.dma_semaphore, #tpu.memory_space<semaphore_mem>>) src(%dma_wait3A_52 : memref<125x80xi32, #tpu.memory_space<hbm>>) dst(%arg7 : memref<125x80xi32, #tpu.memory_space<vmem>>)
      tpu.yield
    }) : () -> ()
    %run_scoped3A = arith.constant 0 : i32
    "tpu.region"() ({
      %run_scoped3A_37 = tpu.sem_alloc : memref<!tpu.dma_semaphore, #tpu.memory_space<semaphore_mem>>
      %dma_start3A_38 = arith.constant 0 : i32
      %dma_start3A_39 = tpu.memref_slice %arg4[%add3A, %run_scoped3A, %dma_start3A_38] : memref<32x125x80xi32, #tpu.memory_space<hbm>> -> memref<1x1x80xi32, #tpu.memory_space<hbm>>
      %dma_start3A_40 = tpu.memref_squeeze %dma_start3A_39 : memref<1x1x80xi32, #tpu.memory_space<hbm>> -> memref<80xi32, #tpu.memory_space<hbm>>
      %dma_start3A_41 = arith.constant 0 : i32
      %dma_start3A_42 = tpu.memref_slice %arg4[%add3A, %run_scoped3A, %dma_start3A_41] : memref<32x125x80xi32, #tpu.memory_space<hbm>> -> memref<1x1x80xi32, #tpu.memory_space<hbm>>
      %dma_start3A_43 = tpu.memref_squeeze %dma_start3A_42 : memref<1x1x80xi32, #tpu.memory_space<hbm>> -> memref<80xi32, #tpu.memory_space<hbm>>
      tpu.enqueue_dma source(%dma_start3A_43 : memref<80xi32, #tpu.memory_space<hbm>>) target(%arg8 : memref<80xi32, #tpu.memory_space<vmem>>) target_semaphore(%run_scoped3A_37 : memref<!tpu.dma_semaphore, #tpu.memory_space<semaphore_mem>>)
      %dma_wait3A = arith.constant 0 : i32
      %dma_wait3A_44 = tpu.memref_slice %arg4[%add3A, %run_scoped3A, %dma_wait3A] : memref<32x125x80xi32, #tpu.memory_space<hbm>> -> memref<1x1x80xi32, #tpu.memory_space<hbm>>
      %dma_wait3A_45 = tpu.memref_squeeze %dma_wait3A_44 : memref<1x1x80xi32, #tpu.memory_space<hbm>> -> memref<80xi32, #tpu.memory_space<hbm>>
      %dma_wait3A_46 = arith.constant 0 : i32
      %dma_wait3A_47 = tpu.memref_slice %arg4[%add3A, %run_scoped3A, %dma_wait3A_46] : memref<32x125x80xi32, #tpu.memory_space<hbm>> -> memref<1x1x80xi32, #tpu.memory_space<hbm>>
      %dma_wait3A_48 = tpu.memref_squeeze %dma_wait3A_47 : memref<1x1x80xi32, #tpu.memory_space<hbm>> -> memref<80xi32, #tpu.memory_space<hbm>>
      tpu.wait_dma2 semaphore(%run_scoped3A_37 : memref<!tpu.dma_semaphore, #tpu.memory_space<semaphore_mem>>) src(%dma_wait3A_48 : memref<80xi32, #tpu.memory_space<hbm>>) dst(%arg8 : memref<80xi32, #tpu.memory_space<vmem>>)
      tpu.yield
    }) : () -> ()
    %dma_start3A = arith.constant 0 : i32
    %dma_start3A_1 = arith.constant 0 : i32
    %dma_start3A_2 = tpu.memref_slice %arg7[%dma_start3A, %dma_start3A_1] : memref<125x80xi32, #tpu.memory_space<vmem>> -> memref<1x80xi32, #tpu.memory_space<vmem>>
    %dma_start3A_3 = tpu.memref_squeeze %dma_start3A_2 : memref<1x80xi32, #tpu.memory_space<vmem>> -> memref<80xi32, #tpu.memory_space<vmem>>
    %dma_start3A_4 = arith.constant 0 : i32
    %dma_start3A_5 = arith.constant 0 : i32
    %dma_start3A_6 = tpu.memref_slice %arg2[%dma_start3A_4, %dma_start3A_5] : memref<10000x64xf32, #tpu.memory_space<hbm>> -> memref<10000x64xf32, #tpu.memory_space<hbm>>
    tpu.enqueue_indirect_dma source(%dma_start3A_6 : memref<10000x64xf32, #tpu.memory_space<hbm>>) target(%arg10 : memref<80x64xf32, #tpu.memory_space<vmem>>) offsets(%dma_start3A_3 : memref<80xi32, #tpu.memory_space<vmem>>) semaphore(%arg13 : memref<!tpu.dma_semaphore, #tpu.memory_space<semaphore_mem>>)
    %run_scoped3A_7 = arith.constant 1 : i32
    "tpu.region"() ({
      %run_scoped3A_37 = tpu.sem_alloc : memref<!tpu.dma_semaphore, #tpu.memory_space<semaphore_mem>>
      %dma_start3A_38 = arith.constant 0 : i32
      %dma_start3A_39 = tpu.memref_slice %arg4[%add3A, %run_scoped3A_7, %dma_start3A_38] : memref<32x125x80xi32, #tpu.memory_space<hbm>> -> memref<1x1x80xi32, #tpu.memory_space<hbm>>
      %dma_start3A_40 = tpu.memref_squeeze %dma_start3A_39 : memref<1x1x80xi32, #tpu.memory_space<hbm>> -> memref<80xi32, #tpu.memory_space<hbm>>
      %dma_start3A_41 = arith.constant 0 : i32
      %dma_start3A_42 = tpu.memref_slice %arg4[%add3A, %run_scoped3A_7, %dma_start3A_41] : memref<32x125x80xi32, #tpu.memory_space<hbm>> -> memref<1x1x80xi32, #tpu.memory_space<hbm>>
      %dma_start3A_43 = tpu.memref_squeeze %dma_start3A_42 : memref<1x1x80xi32, #tpu.memory_space<hbm>> -> memref<80xi32, #tpu.memory_space<hbm>>
      tpu.enqueue_dma source(%dma_start3A_43 : memref<80xi32, #tpu.memory_space<hbm>>) target(%arg9 : memref<80xi32, #tpu.memory_space<vmem>>) target_semaphore(%run_scoped3A_37 : memref<!tpu.dma_semaphore, #tpu.memory_space<semaphore_mem>>)
      %dma_wait3A = arith.constant 0 : i32
      %dma_wait3A_44 = tpu.memref_slice %arg4[%add3A, %run_scoped3A_7, %dma_wait3A] : memref<32x125x80xi32, #tpu.memory_space<hbm>> -> memref<1x1x80xi32, #tpu.memory_space<hbm>>
      %dma_wait3A_45 = tpu.memref_squeeze %dma_wait3A_44 : memref<1x1x80xi32, #tpu.memory_space<hbm>> -> memref<80xi32, #tpu.memory_space<hbm>>
      %dma_wait3A_46 = arith.constant 0 : i32
      %dma_wait3A_47 = tpu.memref_slice %arg4[%add3A, %run_scoped3A_7, %dma_wait3A_46] : memref<32x125x80xi32, #tpu.memory_space<hbm>> -> memref<1x1x80xi32, #tpu.memory_space<hbm>>
      %dma_wait3A_48 = tpu.memref_squeeze %dma_wait3A_47 : memref<1x1x80xi32, #tpu.memory_space<hbm>> -> memref<80xi32, #tpu.memory_space<hbm>>
      tpu.wait_dma2 semaphore(%run_scoped3A_37 : memref<!tpu.dma_semaphore, #tpu.memory_space<semaphore_mem>>) src(%dma_wait3A_48 : memref<80xi32, #tpu.memory_space<hbm>>) dst(%arg9 : memref<80xi32, #tpu.memory_space<vmem>>)
      tpu.yield
    }) : () -> ()
    %dma_start3A_8 = arith.constant 1 : i32
    %dma_start3A_9 = arith.constant 0 : i32
    %dma_start3A_10 = tpu.memref_slice %arg7[%dma_start3A_8, %dma_start3A_9] : memref<125x80xi32, #tpu.memory_space<vmem>> -> memref<1x80xi32, #tpu.memory_space<vmem>>
    %dma_start3A_11 = tpu.memref_squeeze %dma_start3A_10 : memref<1x80xi32, #tpu.memory_space<vmem>> -> memref<80xi32, #tpu.memory_space<vmem>>
    %dma_start3A_12 = arith.constant 0 : i32
    %dma_start3A_13 = arith.constant 0 : i32
    %dma_start3A_14 = tpu.memref_slice %arg2[%dma_start3A_12, %dma_start3A_13] : memref<10000x64xf32, #tpu.memory_space<hbm>> -> memref<10000x64xf32, #tpu.memory_space<hbm>>
    tpu.enqueue_indirect_dma source(%dma_start3A_14 : memref<10000x64xf32, #tpu.memory_space<hbm>>) target(%arg11 : memref<80x64xf32, #tpu.memory_space<vmem>>) offsets(%dma_start3A_11 : memref<80xi32, #tpu.memory_space<vmem>>) semaphore(%arg14 : memref<!tpu.dma_semaphore, #tpu.memory_space<semaphore_mem>>)
    %lt3A = arith.constant 15 : i32
    %lt3A_15 = arith.cmpi slt, %arg1, %lt3A : i32
    %convert_element_type3A = arith.extui %lt3A_15 : i1 to i32
    %cond3A = arith.constant 0 : i32
    %cond3A_16 = arith.cmpi ne, %convert_element_type3A, %cond3A : i32
    scf.if %cond3A_16 {
      %mul3A_37 = arith.constant 640 : i32
      %mul3A_38 = arith.muli %arg1, %mul3A_37 : i32
      "tpu.region"() ({
        %run_scoped3A_39 = tpu.sem_alloc : memref<!tpu.dma_semaphore, #tpu.memory_space<semaphore_mem>>
        %dma_start3A_40 = arith.constant 0 : i32
        %dma_start3A_41 = tpu.memref_slice %arg12[%mul3A_38, %dma_start3A_40] : memref<10000x64xf32, #tpu.memory_space<vmem_shared>> -> memref<640x64xf32, #tpu.memory_space<vmem_shared>>
        tpu.enqueue_dma source(%arg5 : memref<640x64xf32, #tpu.memory_space<hbm>>) target(%dma_start3A_41 : memref<640x64xf32, #tpu.memory_space<vmem_shared>>) target_semaphore(%run_scoped3A_39 : memref<!tpu.dma_semaphore, #tpu.memory_space<semaphore_mem>>)
        %dma_wait3A = arith.constant 0 : i32
        %dma_wait3A_42 = tpu.memref_slice %arg12[%mul3A_38, %dma_wait3A] : memref<10000x64xf32, #tpu.memory_space<vmem_shared>> -> memref<640x64xf32, #tpu.memory_space<vmem_shared>>
        tpu.wait_dma2 semaphore(%run_scoped3A_39 : memref<!tpu.dma_semaphore, #tpu.memory_space<semaphore_mem>>) src(%arg5 : memref<640x64xf32, #tpu.memory_space<hbm>>) dst(%dma_wait3A_42 : memref<640x64xf32, #tpu.memory_space<vmem_shared>>)
        tpu.yield
      }) : () -> ()
    } else {
    }
    %eq3A = arith.constant 15 : i32
    %eq3A_17 = arith.cmpi eq, %arg1, %eq3A : i32
    %convert_element_type3A_18 = arith.extui %eq3A_17 : i1 to i32
    %cond3A_19 = arith.constant 0 : i32
    %cond3A_20 = arith.cmpi ne, %convert_element_type3A_18, %cond3A_19 : i32
    scf.if %cond3A_20 {
      "tpu.region"() ({
        %run_scoped3A_37 = tpu.sem_alloc : memref<!tpu.dma_semaphore, #tpu.memory_space<semaphore_mem>>
        %dma_start3A_38 = arith.constant 9600 : i32
        %dma_start3A_39 = arith.constant 0 : i32
        %dma_start3A_40 = tpu.memref_slice %arg12[%dma_start3A_38, %dma_start3A_39] : memref<10000x64xf32, #tpu.memory_space<vmem_shared>> -> memref<400x64xf32, #tpu.memory_space<vmem_shared>>
        %dma_start3A_41 = arith.constant 0 : i32
        %dma_start3A_42 = arith.constant 0 : i32
        %dma_start3A_43 = tpu.memref_slice %arg5[%dma_start3A_41, %dma_start3A_42] : memref<640x64xf32, #tpu.memory_space<hbm>> -> memref<400x64xf32, #tpu.memory_space<hbm>>
        tpu.enqueue_dma source(%dma_start3A_43 : memref<400x64xf32, #tpu.memory_space<hbm>>) target(%dma_start3A_40 : memref<400x64xf32, #tpu.memory_space<vmem_shared>>) target_semaphore(%run_scoped3A_37 : memref<!tpu.dma_semaphore, #tpu.memory_space<semaphore_mem>>)
        %dma_wait3A = arith.constant 9600 : i32
        %dma_wait3A_44 = arith.constant 0 : i32
        %dma_wait3A_45 = tpu.memref_slice %arg12[%dma_wait3A, %dma_wait3A_44] : memref<10000x64xf32, #tpu.memory_space<vmem_shared>> -> memref<400x64xf32, #tpu.memory_space<vmem_shared>>
        %dma_wait3A_46 = arith.constant 0 : i32
        %dma_wait3A_47 = arith.constant 0 : i32
        %dma_wait3A_48 = tpu.memref_slice %arg5[%dma_wait3A_46, %dma_wait3A_47] : memref<640x64xf32, #tpu.memory_space<hbm>> -> memref<400x64xf32, #tpu.memory_space<hbm>>
        tpu.wait_dma2 semaphore(%run_scoped3A_37 : memref<!tpu.dma_semaphore, #tpu.memory_space<semaphore_mem>>) src(%dma_wait3A_48 : memref<400x64xf32, #tpu.memory_space<hbm>>) dst(%dma_wait3A_45 : memref<400x64xf32, #tpu.memory_space<vmem_shared>>)
        tpu.yield
      }) : () -> ()
    } else {
    }
    %barrier3A = arith.constant 0 : index
    tpu.barrier barrier_id(%barrier3A)
    %scan3A = arith.constant 0 : i32
    %scan3A_21 = arith.constant 0 : i32
    %scan3A_22 = arith.constant 125 : i32
    %scan3A_23 = arith.addi %scan3A_21, %scan3A_22 : i32
    %scan3A_24 = arith.constant 1 : i32
    scf.for %scan3A_37 = %scan3A_21 to %scan3A_23 step %scan3A_24  : i32 {
      %rem3A = arith.constant 2 : i32
      %rem3A_38 = arith.remsi %scan3A_37, %rem3A : i32
      %eq3A_39 = arith.constant 0 : i32
      %eq3A_40 = arith.cmpi eq, %rem3A_38, %eq3A_39 : i32
      %convert_element_type3A_41 = arith.extui %eq3A_40 : i1 to i32
      %cond3A_42 = arith.constant 0 : i32
      %cond3A_43 = arith.cmpi ne, %convert_element_type3A_41, %cond3A_42 : i32
      scf.if %cond3A_43 {
        %dma_wait3A = arith.constant 0 : i32
        %dma_wait3A_51 = tpu.memref_slice %arg7[%scan3A_37, %dma_wait3A] : memref<125x80xi32, #tpu.memory_space<vmem>> -> memref<1x80xi32, #tpu.memory_space<vmem>>
        %dma_wait3A_52 = tpu.memref_squeeze %dma_wait3A_51 : memref<1x80xi32, #tpu.memory_space<vmem>> -> memref<80xi32, #tpu.memory_space<vmem>>
        %dma_wait3A_53 = arith.constant 0 : i32
        %dma_wait3A_54 = arith.constant 0 : i32
        %dma_wait3A_55 = tpu.memref_slice %arg2[%dma_wait3A_53, %dma_wait3A_54] : memref<10000x64xf32, #tpu.memory_space<hbm>> -> memref<10000x64xf32, #tpu.memory_space<hbm>>
        tpu.wait_indirect_dma semaphore(%arg13 : memref<!tpu.dma_semaphore, #tpu.memory_space<semaphore_mem>>) src(%dma_wait3A_55 : memref<10000x64xf32, #tpu.memory_space<hbm>>) dst(%arg10 : memref<80x64xf32, #tpu.memory_space<vmem>>)
        "tpu.region"() ({
          %run_scoped3A_63 = tpu.sem_alloc : memref<!tpu.dma_semaphore, #tpu.memory_space<semaphore_mem>>
          %dma_start3A_64 = arith.constant 0 : i32
          %dma_start3A_65 = arith.constant 0 : i32
          %dma_start3A_66 = tpu.memref_slice %arg12[%dma_start3A_64, %dma_start3A_65] : memref<10000x64xf32, #tpu.memory_space<vmem_shared>> -> memref<10000x64xf32, #tpu.memory_space<vmem_shared>>
          tpu.enqueue_indirect_dma source(%arg10 : memref<80x64xf32, #tpu.memory_space<vmem>>) target(%dma_start3A_66 : memref<10000x64xf32, #tpu.memory_space<vmem_shared>>) offsets(%arg8 : memref<80xi32, #tpu.memory_space<vmem>>) semaphore(%run_scoped3A_63 : memref<!tpu.dma_semaphore, #tpu.memory_space<semaphore_mem>>) {add = true}
          %dma_wait3A_67 = arith.constant 0 : i32
          %dma_wait3A_68 = arith.constant 0 : i32
          %dma_wait3A_69 = tpu.memref_slice %arg12[%dma_wait3A_67, %dma_wait3A_68] : memref<10000x64xf32, #tpu.memory_space<vmem_shared>> -> memref<10000x64xf32, #tpu.memory_space<vmem_shared>>
          tpu.wait_indirect_dma semaphore(%run_scoped3A_63 : memref<!tpu.dma_semaphore, #tpu.memory_space<semaphore_mem>>) src(%arg10 : memref<80x64xf32, #tpu.memory_space<vmem>>) dst(%dma_wait3A_69 : memref<10000x64xf32, #tpu.memory_space<vmem_shared>>)
          tpu.yield
        }) : () -> ()
        %add3A_56 = arith.constant 2 : i32
        %add3A_57 = arith.addi %scan3A_37, %add3A_56 : i32
        %lt3A_58 = arith.constant 125 : i32
        %lt3A_59 = arith.cmpi slt, %add3A_57, %lt3A_58 : i32
        %convert_element_type3A_60 = arith.extui %lt3A_59 : i1 to i32
        %cond3A_61 = arith.constant 0 : i32
        %cond3A_62 = arith.cmpi ne, %convert_element_type3A_60, %cond3A_61 : i32
        scf.if %cond3A_62 {
          %add3A_63 = arith.constant 2 : i32
          %add3A_64 = arith.addi %scan3A_37, %add3A_63 : i32
          "tpu.region"() ({
            %run_scoped3A_73 = tpu.sem_alloc : memref<!tpu.dma_semaphore, #tpu.memory_space<semaphore_mem>>
            %dma_start3A_74 = arith.constant 0 : i32
            %dma_start3A_75 = tpu.memref_slice %arg4[%add3A, %add3A_64, %dma_start3A_74] : memref<32x125x80xi32, #tpu.memory_space<hbm>> -> memref<1x1x80xi32, #tpu.memory_space<hbm>>
            %dma_start3A_76 = tpu.memref_squeeze %dma_start3A_75 : memref<1x1x80xi32, #tpu.memory_space<hbm>> -> memref<80xi32, #tpu.memory_space<hbm>>
            %dma_start3A_77 = arith.constant 0 : i32
            %dma_start3A_78 = tpu.memref_slice %arg4[%add3A, %add3A_64, %dma_start3A_77] : memref<32x125x80xi32, #tpu.memory_space<hbm>> -> memref<1x1x80xi32, #tpu.memory_space<hbm>>
            %dma_start3A_79 = tpu.memref_squeeze %dma_start3A_78 : memref<1x1x80xi32, #tpu.memory_space<hbm>> -> memref<80xi32, #tpu.memory_space<hbm>>
            tpu.enqueue_dma source(%dma_start3A_79 : memref<80xi32, #tpu.memory_space<hbm>>) target(%arg8 : memref<80xi32, #tpu.memory_space<vmem>>) target_semaphore(%run_scoped3A_73 : memref<!tpu.dma_semaphore, #tpu.memory_space<semaphore_mem>>)
            %dma_wait3A_80 = arith.constant 0 : i32
            %dma_wait3A_81 = tpu.memref_slice %arg4[%add3A, %add3A_64, %dma_wait3A_80] : memref<32x125x80xi32, #tpu.memory_space<hbm>> -> memref<1x1x80xi32, #tpu.memory_space<hbm>>
            %dma_wait3A_82 = tpu.memref_squeeze %dma_wait3A_81 : memref<1x1x80xi32, #tpu.memory_space<hbm>> -> memref<80xi32, #tpu.memory_space<hbm>>
            %dma_wait3A_83 = arith.constant 0 : i32
            %dma_wait3A_84 = tpu.memref_slice %arg4[%add3A, %add3A_64, %dma_wait3A_83] : memref<32x125x80xi32, #tpu.memory_space<hbm>> -> memref<1x1x80xi32, #tpu.memory_space<hbm>>
            %dma_wait3A_85 = tpu.memref_squeeze %dma_wait3A_84 : memref<1x1x80xi32, #tpu.memory_space<hbm>> -> memref<80xi32, #tpu.memory_space<hbm>>
            tpu.wait_dma2 semaphore(%run_scoped3A_73 : memref<!tpu.dma_semaphore, #tpu.memory_space<semaphore_mem>>) src(%dma_wait3A_85 : memref<80xi32, #tpu.memory_space<hbm>>) dst(%arg8 : memref<80xi32, #tpu.memory_space<vmem>>)
            tpu.yield
          }) : () -> ()
          %add3A_65 = arith.constant 2 : i32
          %add3A_66 = arith.addi %scan3A_37, %add3A_65 : i32
          %dma_start3A_67 = arith.constant 0 : i32
          %dma_start3A_68 = tpu.memref_slice %arg7[%add3A_66, %dma_start3A_67] : memref<125x80xi32, #tpu.memory_space<vmem>> -> memref<1x80xi32, #tpu.memory_space<vmem>>
          %dma_start3A_69 = tpu.memref_squeeze %dma_start3A_68 : memref<1x80xi32, #tpu.memory_space<vmem>> -> memref<80xi32, #tpu.memory_space<vmem>>
          %dma_start3A_70 = arith.constant 0 : i32
          %dma_start3A_71 = arith.constant 0 : i32
          %dma_start3A_72 = tpu.memref_slice %arg2[%dma_start3A_70, %dma_start3A_71] : memref<10000x64xf32, #tpu.memory_space<hbm>> -> memref<10000x64xf32, #tpu.memory_space<hbm>>
          tpu.enqueue_indirect_dma source(%dma_start3A_72 : memref<10000x64xf32, #tpu.memory_space<hbm>>) target(%arg10 : memref<80x64xf32, #tpu.memory_space<vmem>>) offsets(%dma_start3A_69 : memref<80xi32, #tpu.memory_space<vmem>>) semaphore(%arg13 : memref<!tpu.dma_semaphore, #tpu.memory_space<semaphore_mem>>)
        } else {
        }
      } else {
      }
      %rem3A_44 = arith.constant 2 : i32
      %rem3A_45 = arith.remsi %scan3A_37, %rem3A_44 : i32
      %eq3A_46 = arith.constant 1 : i32
      %eq3A_47 = arith.cmpi eq, %rem3A_45, %eq3A_46 : i32
      %convert_element_type3A_48 = arith.extui %eq3A_47 : i1 to i32
      %cond3A_49 = arith.constant 0 : i32
      %cond3A_50 = arith.cmpi ne, %convert_element_type3A_48, %cond3A_49 : i32
      scf.if %cond3A_50 {
        %dma_wait3A = arith.constant 0 : i32
        %dma_wait3A_51 = tpu.memref_slice %arg7[%scan3A_37, %dma_wait3A] : memref<125x80xi32, #tpu.memory_space<vmem>> -> memref<1x80xi32, #tpu.memory_space<vmem>>
        %dma_wait3A_52 = tpu.memref_squeeze %dma_wait3A_51 : memref<1x80xi32, #tpu.memory_space<vmem>> -> memref<80xi32, #tpu.memory_space<vmem>>
        %dma_wait3A_53 = arith.constant 0 : i32
        %dma_wait3A_54 = arith.constant 0 : i32
        %dma_wait3A_55 = tpu.memref_slice %arg2[%dma_wait3A_53, %dma_wait3A_54] : memref<10000x64xf32, #tpu.memory_space<hbm>> -> memref<10000x64xf32, #tpu.memory_space<hbm>>
        tpu.wait_indirect_dma semaphore(%arg14 : memref<!tpu.dma_semaphore, #tpu.memory_space<semaphore_mem>>) src(%dma_wait3A_55 : memref<10000x64xf32, #tpu.memory_space<hbm>>) dst(%arg11 : memref<80x64xf32, #tpu.memory_space<vmem>>)
        "tpu.region"() ({
          %run_scoped3A_63 = tpu.sem_alloc : memref<!tpu.dma_semaphore, #tpu.memory_space<semaphore_mem>>
          %dma_start3A_64 = arith.constant 0 : i32
          %dma_start3A_65 = arith.constant 0 : i32
          %dma_start3A_66 = tpu.memref_slice %arg12[%dma_start3A_64, %dma_start3A_65] : memref<10000x64xf32, #tpu.memory_space<vmem_shared>> -> memref<10000x64xf32, #tpu.memory_space<vmem_shared>>
          tpu.enqueue_indirect_dma source(%arg11 : memref<80x64xf32, #tpu.memory_space<vmem>>) target(%dma_start3A_66 : memref<10000x64xf32, #tpu.memory_space<vmem_shared>>) offsets(%arg9 : memref<80xi32, #tpu.memory_space<vmem>>) semaphore(%run_scoped3A_63 : memref<!tpu.dma_semaphore, #tpu.memory_space<semaphore_mem>>) {add = true}
          %dma_wait3A_67 = arith.constant 0 : i32
          %dma_wait3A_68 = arith.constant 0 : i32
          %dma_wait3A_69 = tpu.memref_slice %arg12[%dma_wait3A_67, %dma_wait3A_68] : memref<10000x64xf32, #tpu.memory_space<vmem_shared>> -> memref<10000x64xf32, #tpu.memory_space<vmem_shared>>
          tpu.wait_indirect_dma semaphore(%run_scoped3A_63 : memref<!tpu.dma_semaphore, #tpu.memory_space<semaphore_mem>>) src(%arg11 : memref<80x64xf32, #tpu.memory_space<vmem>>) dst(%dma_wait3A_69 : memref<10000x64xf32, #tpu.memory_space<vmem_shared>>)
          tpu.yield
        }) : () -> ()
        %add3A_56 = arith.constant 2 : i32
        %add3A_57 = arith.addi %scan3A_37, %add3A_56 : i32
        %lt3A_58 = arith.constant 125 : i32
        %lt3A_59 = arith.cmpi slt, %add3A_57, %lt3A_58 : i32
        %convert_element_type3A_60 = arith.extui %lt3A_59 : i1 to i32
        %cond3A_61 = arith.constant 0 : i32
        %cond3A_62 = arith.cmpi ne, %convert_element_type3A_60, %cond3A_61 : i32
        scf.if %cond3A_62 {
          %add3A_63 = arith.constant 2 : i32
          %add3A_64 = arith.addi %scan3A_37, %add3A_63 : i32
          "tpu.region"() ({
            %run_scoped3A_73 = tpu.sem_alloc : memref<!tpu.dma_semaphore, #tpu.memory_space<semaphore_mem>>
            %dma_start3A_74 = arith.constant 0 : i32
            %dma_start3A_75 = tpu.memref_slice %arg4[%add3A, %add3A_64, %dma_start3A_74] : memref<32x125x80xi32, #tpu.memory_space<hbm>> -> memref<1x1x80xi32, #tpu.memory_space<hbm>>
            %dma_start3A_76 = tpu.memref_squeeze %dma_start3A_75 : memref<1x1x80xi32, #tpu.memory_space<hbm>> -> memref<80xi32, #tpu.memory_space<hbm>>
            %dma_start3A_77 = arith.constant 0 : i32
            %dma_start3A_78 = tpu.memref_slice %arg4[%add3A, %add3A_64, %dma_start3A_77] : memref<32x125x80xi32, #tpu.memory_space<hbm>> -> memref<1x1x80xi32, #tpu.memory_space<hbm>>
            %dma_start3A_79 = tpu.memref_squeeze %dma_start3A_78 : memref<1x1x80xi32, #tpu.memory_space<hbm>> -> memref<80xi32, #tpu.memory_space<hbm>>
            tpu.enqueue_dma source(%dma_start3A_79 : memref<80xi32, #tpu.memory_space<hbm>>) target(%arg9 : memref<80xi32, #tpu.memory_space<vmem>>) target_semaphore(%run_scoped3A_73 : memref<!tpu.dma_semaphore, #tpu.memory_space<semaphore_mem>>)
            %dma_wait3A_80 = arith.constant 0 : i32
            %dma_wait3A_81 = tpu.memref_slice %arg4[%add3A, %add3A_64, %dma_wait3A_80] : memref<32x125x80xi32, #tpu.memory_space<hbm>> -> memref<1x1x80xi32, #tpu.memory_space<hbm>>
            %dma_wait3A_82 = tpu.memref_squeeze %dma_wait3A_81 : memref<1x1x80xi32, #tpu.memory_space<hbm>> -> memref<80xi32, #tpu.memory_space<hbm>>
            %dma_wait3A_83 = arith.constant 0 : i32
            %dma_wait3A_84 = tpu.memref_slice %arg4[%add3A, %add3A_64, %dma_wait3A_83] : memref<32x125x80xi32, #tpu.memory_space<hbm>> -> memref<1x1x80xi32, #tpu.memory_space<hbm>>
            %dma_wait3A_85 = tpu.memref_squeeze %dma_wait3A_84 : memref<1x1x80xi32, #tpu.memory_space<hbm>> -> memref<80xi32, #tpu.memory_space<hbm>>
            tpu.wait_dma2 semaphore(%run_scoped3A_73 : memref<!tpu.dma_semaphore, #tpu.memory_space<semaphore_mem>>) src(%dma_wait3A_85 : memref<80xi32, #tpu.memory_space<hbm>>) dst(%arg9 : memref<80xi32, #tpu.memory_space<vmem>>)
            tpu.yield
          }) : () -> ()
          %add3A_65 = arith.constant 2 : i32
          %add3A_66 = arith.addi %scan3A_37, %add3A_65 : i32
          %dma_start3A_67 = arith.constant 0 : i32
          %dma_start3A_68 = tpu.memref_slice %arg7[%add3A_66, %dma_start3A_67] : memref<125x80xi32, #tpu.memory_space<vmem>> -> memref<1x80xi32, #tpu.memory_space<vmem>>
          %dma_start3A_69 = tpu.memref_squeeze %dma_start3A_68 : memref<1x80xi32, #tpu.memory_space<vmem>> -> memref<80xi32, #tpu.memory_space<vmem>>
          %dma_start3A_70 = arith.constant 0 : i32
          %dma_start3A_71 = arith.constant 0 : i32
          %dma_start3A_72 = tpu.memref_slice %arg2[%dma_start3A_70, %dma_start3A_71] : memref<10000x64xf32, #tpu.memory_space<hbm>> -> memref<10000x64xf32, #tpu.memory_space<hbm>>
          tpu.enqueue_indirect_dma source(%dma_start3A_72 : memref<10000x64xf32, #tpu.memory_space<hbm>>) target(%arg11 : memref<80x64xf32, #tpu.memory_space<vmem>>) offsets(%dma_start3A_69 : memref<80xi32, #tpu.memory_space<vmem>>) semaphore(%arg14 : memref<!tpu.dma_semaphore, #tpu.memory_space<semaphore_mem>>)
        } else {
        }
      } else {
      }
    }
    %scan3A_25 = arith.constant 125 : i32
    %barrier3A_26 = arith.constant 0 : index
    tpu.barrier barrier_id(%barrier3A_26)
    %lt3A_27 = arith.constant 15 : i32
    %lt3A_28 = arith.cmpi slt, %arg1, %lt3A_27 : i32
    %convert_element_type3A_29 = arith.extui %lt3A_28 : i1 to i32
    %cond3A_30 = arith.constant 0 : i32
    %cond3A_31 = arith.cmpi ne, %convert_element_type3A_29, %cond3A_30 : i32
    scf.if %cond3A_31 {
      %mul3A_37 = arith.constant 640 : i32
      %mul3A_38 = arith.muli %arg1, %mul3A_37 : i32
      %mul3A_39 = arith.constant 640 : i32
      %mul3A_40 = arith.muli %arg1, %mul3A_39 : i32
      "tpu.region"() ({
        %run_scoped3A_41 = tpu.sem_alloc : memref<!tpu.dma_semaphore, #tpu.memory_space<semaphore_mem>>
        %dma_start3A_42 = arith.constant 0 : i32
        %dma_start3A_43 = tpu.memref_slice %arg6[%arg0, %mul3A_40, %dma_start3A_42] : memref<2x10000x64xf32, #tpu.memory_space<hbm>> -> memref<1x640x64xf32, #tpu.memory_space<hbm>>
        %dma_start3A_44 = tpu.memref_squeeze %dma_start3A_43 : memref<1x640x64xf32, #tpu.memory_space<hbm>> -> memref<640x64xf32, #tpu.memory_space<hbm>>
        %dma_start3A_45 = arith.constant 0 : i32
        %dma_start3A_46 = tpu.memref_slice %arg12[%mul3A_38, %dma_start3A_45] : memref<10000x64xf32, #tpu.memory_space<vmem_shared>> -> memref<640x64xf32, #tpu.memory_space<vmem_shared>>
        tpu.enqueue_dma source(%dma_start3A_46 : memref<640x64xf32, #tpu.memory_space<vmem_shared>>) target(%dma_start3A_44 : memref<640x64xf32, #tpu.memory_space<hbm>>) target_semaphore(%run_scoped3A_41 : memref<!tpu.dma_semaphore, #tpu.memory_space<semaphore_mem>>)
        %dma_wait3A = arith.constant 0 : i32
        %dma_wait3A_47 = tpu.memref_slice %arg6[%arg0, %mul3A_40, %dma_wait3A] : memref<2x10000x64xf32, #tpu.memory_space<hbm>> -> memref<1x640x64xf32, #tpu.memory_space<hbm>>
        %dma_wait3A_48 = tpu.memref_squeeze %dma_wait3A_47 : memref<1x640x64xf32, #tpu.memory_space<hbm>> -> memref<640x64xf32, #tpu.memory_space<hbm>>
        %dma_wait3A_49 = arith.constant 0 : i32
        %dma_wait3A_50 = tpu.memref_slice %arg12[%mul3A_38, %dma_wait3A_49] : memref<10000x64xf32, #tpu.memory_space<vmem_shared>> -> memref<640x64xf32, #tpu.memory_space<vmem_shared>>
        tpu.wait_dma2 semaphore(%run_scoped3A_41 : memref<!tpu.dma_semaphore, #tpu.memory_space<semaphore_mem>>) src(%dma_wait3A_50 : memref<640x64xf32, #tpu.memory_space<vmem_shared>>) dst(%dma_wait3A_48 : memref<640x64xf32, #tpu.memory_space<hbm>>)
        tpu.yield
      }) : () -> ()
    } else {
    }
    %eq3A_32 = arith.constant 15 : i32
    %eq3A_33 = arith.cmpi eq, %arg1, %eq3A_32 : i32
    %convert_element_type3A_34 = arith.extui %eq3A_33 : i1 to i32
    %cond3A_35 = arith.constant 0 : i32
    %cond3A_36 = arith.cmpi ne, %convert_element_type3A_34, %cond3A_35 : i32
    scf.if %cond3A_36 {
      "tpu.region"() ({
        %run_scoped3A_37 = tpu.sem_alloc : memref<!tpu.dma_semaphore, #tpu.memory_space<semaphore_mem>>
        %dma_start3A_38 = arith.constant 9600 : i32
        %dma_start3A_39 = arith.constant 0 : i32
        %dma_start3A_40 = tpu.memref_slice %arg6[%arg0, %dma_start3A_38, %dma_start3A_39] : memref<2x10000x64xf32, #tpu.memory_space<hbm>> -> memref<1x400x64xf32, #tpu.memory_space<hbm>>
        %dma_start3A_41 = tpu.memref_squeeze %dma_start3A_40 : memref<1x400x64xf32, #tpu.memory_space<hbm>> -> memref<400x64xf32, #tpu.memory_space<hbm>>
        %dma_start3A_42 = arith.constant 9600 : i32
        %dma_start3A_43 = arith.constant 0 : i32
        %dma_start3A_44 = tpu.memref_slice %arg12[%dma_start3A_42, %dma_start3A_43] : memref<10000x64xf32, #tpu.memory_space<vmem_shared>> -> memref<400x64xf32, #tpu.memory_space<vmem_shared>>
        tpu.enqueue_dma source(%dma_start3A_44 : memref<400x64xf32, #tpu.memory_space<vmem_shared>>) target(%dma_start3A_41 : memref<400x64xf32, #tpu.memory_space<hbm>>) target_semaphore(%run_scoped3A_37 : memref<!tpu.dma_semaphore, #tpu.memory_space<semaphore_mem>>)
        %dma_wait3A = arith.constant 9600 : i32
        %dma_wait3A_45 = arith.constant 0 : i32
        %dma_wait3A_46 = tpu.memref_slice %arg6[%arg0, %dma_wait3A, %dma_wait3A_45] : memref<2x10000x64xf32, #tpu.memory_space<hbm>> -> memref<1x400x64xf32, #tpu.memory_space<hbm>>
        %dma_wait3A_47 = tpu.memref_squeeze %dma_wait3A_46 : memref<1x400x64xf32, #tpu.memory_space<hbm>> -> memref<400x64xf32, #tpu.memory_space<hbm>>
        %dma_wait3A_48 = arith.constant 9600 : i32
        %dma_wait3A_49 = arith.constant 0 : i32
        %dma_wait3A_50 = tpu.memref_slice %arg12[%dma_wait3A_48, %dma_wait3A_49] : memref<10000x64xf32, #tpu.memory_space<vmem_shared>> -> memref<400x64xf32, #tpu.memory_space<vmem_shared>>
        tpu.wait_dma2 semaphore(%run_scoped3A_37 : memref<!tpu.dma_semaphore, #tpu.memory_space<semaphore_mem>>) src(%dma_wait3A_50 : memref<400x64xf32, #tpu.memory_space<vmem_shared>>) dst(%dma_wait3A_47 : memref<400x64xf32, #tpu.memory_space<hbm>>)
        tpu.yield
      }) : () -> ()
    } else {
    }
    return
  }
}

module attributes {stable_mosaic.version = 14 : i64} {
  func.func @_prep_body(%arg0: memref<10000x1xf32, #tpu.memory_space<vmem>>, %arg1: memref<10000x128xf32, #tpu.memory_space<vmem>>, %arg2: memref<128x64xf32, #tpu.memory_space<vmem>>, %arg3: memref<10000x64xf32, #tpu.memory_space<vmem>>, %arg4: memref<10000x1xf32, #tpu.memory_space<vmem>>) attributes {dimension_semantics = [], scalar_prefetch = 0 : i64, scratch_operands = 0 : i64, tpu.core_type = #tpu.core_type<tc>} {
    %get3A = arith.constant 0 : index
    %get3A_0 = arith.constant 0 : index
    %get3A_1 = vector.load %arg0[%get3A, %get3A_0] : memref<10000x1xf32, #tpu.memory_space<vmem>>, vector<10000x1xf32>
    %rsqrt3A = math.rsqrt %get3A_1 : vector<10000x1xf32>
    %swap3A = arith.constant 0 : index
    %swap3A_2 = arith.constant 0 : index
    %swap3A_3 = vector.load %arg4[%swap3A, %swap3A_2] : memref<10000x1xf32, #tpu.memory_space<vmem>>, vector<10000x1xf32>
    tpu.vector_store %arg4[%swap3A, %swap3A_2], %rsqrt3A {strides = array<i32>} : memref<10000x1xf32, #tpu.memory_space<vmem>>, vector<10000x1xf32>,
    %get3A_4 = arith.constant 0 : index
    %get3A_5 = arith.constant 0 : index
    %get3A_6 = vector.load %arg1[%get3A_4, %get3A_5] : memref<10000x128xf32, #tpu.memory_space<vmem>>, vector<10000x128xf32>
    %get3A_7 = arith.constant 0 : index
    %get3A_8 = arith.constant 0 : index
    %get3A_9 = vector.load %arg2[%get3A_7, %get3A_8] : memref<128x64xf32, #tpu.memory_space<vmem>>, vector<128x64xf32>
    %dot_general3A = arith.constant dense<0.000000e+00> : vector<10000x64xf32>
    %dot_general3A_10 = tpu.matmul %get3A_6, %get3A_9, %dot_general3A {dimension_numbers = #tpu.dot_dimension_numbers<[1], [0], [0], [1], [0, 0, 1, 1], [], []>, transpose_lhs_hint = false} : vector<10000x128xf32>, vector<128x64xf32>, vector<10000x64xf32> -> vector<10000x64xf32>
    %mul3A = vector.broadcast %rsqrt3A : vector<10000x1xf32> to vector<10000x64xf32>
    %mul3A_11 = arith.mulf %dot_general3A_10, %mul3A : vector<10000x64xf32>
    %swap3A_12 = arith.constant 0 : index
    %swap3A_13 = arith.constant 0 : index
    %swap3A_14 = vector.load %arg3[%swap3A_12, %swap3A_13] : memref<10000x64xf32, #tpu.memory_space<vmem>>, vector<10000x64xf32>
    tpu.vector_store %arg3[%swap3A_12, %swap3A_13], %mul3A_11 {strides = array<i32>} : memref<10000x64xf32, #tpu.memory_space<vmem>>, vector<10000x64xf32>,
    return
  }
}

module attributes {stable_mosaic.version = 14 : i64} {
  func.func @_mid_body(%arg0: memref<2x10000x64xf32, #tpu.memory_space<vmem>>, %arg1: memref<10000x64xf32, #tpu.memory_space<vmem>>, %arg2: memref<10000x1xf32, #tpu.memory_space<vmem>>, %arg3: memref<1x64xf32, #tpu.memory_space<vmem>>, %arg4: memref<64x64xf32, #tpu.memory_space<vmem>>, %arg5: memref<10000x64xf32, #tpu.memory_space<vmem>>) attributes {dimension_semantics = [], scalar_prefetch = 0 : i64, scratch_operands = 0 : i64, tpu.core_type = #tpu.core_type<tc>} {
    %get3A = arith.constant 0 : index
    %get3A_0 = arith.constant 0 : index
    %get3A_1 = vector.load %arg2[%get3A, %get3A_0] : memref<10000x1xf32, #tpu.memory_space<vmem>>, vector<10000x1xf32>
    %get3A_2 = arith.constant 0 : index
    %get3A_3 = arith.constant 0 : index
    %get3A_4 = arith.constant 0 : index
    %get3A_5 = vector.load %arg0[%get3A_2, %get3A_3, %get3A_4] : memref<2x10000x64xf32, #tpu.memory_space<vmem>>, vector<1x10000x64xf32>
    %get3A_6 = vector.shape_cast %get3A_5 : vector<1x10000x64xf32> to vector<10000x64xf32>
    %get3A_7 = arith.constant 1 : index
    %get3A_8 = arith.constant 0 : index
    %get3A_9 = arith.constant 0 : index
    %get3A_10 = vector.load %arg0[%get3A_7, %get3A_8, %get3A_9] : memref<2x10000x64xf32, #tpu.memory_space<vmem>>, vector<1x10000x64xf32>
    %get3A_11 = vector.shape_cast %get3A_10 : vector<1x10000x64xf32> to vector<10000x64xf32>
    %add3A = arith.addf %get3A_6, %get3A_11 : vector<10000x64xf32>
    %get3A_12 = arith.constant 0 : index
    %get3A_13 = arith.constant 0 : index
    %get3A_14 = vector.load %arg1[%get3A_12, %get3A_13] : memref<10000x64xf32, #tpu.memory_space<vmem>>, vector<10000x64xf32>
    %add3A_15 = arith.addf %add3A, %get3A_14 : vector<10000x64xf32>
    %mul3A = vector.broadcast %get3A_1 : vector<10000x1xf32> to vector<10000x64xf32>
    %mul3A_16 = arith.mulf %mul3A, %add3A_15 : vector<10000x64xf32>
    %get3A_17 = arith.constant 0 : index
    %get3A_18 = arith.constant 0 : index
    %get3A_19 = vector.load %arg3[%get3A_17, %get3A_18] : memref<1x64xf32, #tpu.memory_space<vmem>>, vector<1x64xf32>
    %add3A_20 = vector.broadcast %get3A_19 : vector<1x64xf32> to vector<10000x64xf32>
    %add3A_21 = arith.addf %mul3A_16, %add3A_20 : vector<10000x64xf32>
    %max3A = arith.constant 0.000000e+00 : f32
    %max3A_22 = vector.broadcast %max3A : f32 to vector<10000x64xf32>
    %max3A_23 = arith.maximumf %add3A_21, %max3A_22 : vector<10000x64xf32>
    %get3A_24 = arith.constant 0 : index
    %get3A_25 = arith.constant 0 : index
    %get3A_26 = vector.load %arg4[%get3A_24, %get3A_25] : memref<64x64xf32, #tpu.memory_space<vmem>>, vector<64x64xf32>
    %dot_general3A = arith.constant dense<0.000000e+00> : vector<10000x64xf32>
    %dot_general3A_27 = tpu.matmul %max3A_23, %get3A_26, %dot_general3A {dimension_numbers = #tpu.dot_dimension_numbers<[1], [0], [0], [1], [0, 0, 1, 1], [], []>, transpose_lhs_hint = false} : vector<10000x64xf32>, vector<64x64xf32>, vector<10000x64xf32> -> vector<10000x64xf32>
    %mul3A_28 = vector.broadcast %get3A_1 : vector<10000x1xf32> to vector<10000x64xf32>
    %mul3A_29 = arith.mulf %dot_general3A_27, %mul3A_28 : vector<10000x64xf32>
    %swap3A = arith.constant 0 : index
    %swap3A_30 = arith.constant 0 : index
    %swap3A_31 = vector.load %arg5[%swap3A, %swap3A_30] : memref<10000x64xf32, #tpu.memory_space<vmem>>, vector<10000x64xf32>
    tpu.vector_store %arg5[%swap3A, %swap3A_30], %mul3A_29 {strides = array<i32>} : memref<10000x64xf32, #tpu.memory_space<vmem>>, vector<10000x64xf32>,
    return
  }
}

module attributes {stable_mosaic.version = 14 : i64} {
  func.func @_mid3_body(%arg0: memref<2x10000x64xf32, #tpu.memory_space<vmem>>, %arg1: memref<10000x64xf32, #tpu.memory_space<vmem>>, %arg2: memref<10000x1xf32, #tpu.memory_space<vmem>>, %arg3: memref<1x64xf32, #tpu.memory_space<vmem>>, %arg4: memref<10000x64xf32, #tpu.memory_space<vmem>>) attributes {dimension_semantics = [], scalar_prefetch = 0 : i64, scratch_operands = 0 : i64, tpu.core_type = #tpu.core_type<tc>} {
    %get3A = arith.constant 0 : index
    %get3A_0 = arith.constant 0 : index
    %get3A_1 = vector.load %arg2[%get3A, %get3A_0] : memref<10000x1xf32, #tpu.memory_space<vmem>>, vector<10000x1xf32>
    %get3A_2 = arith.constant 0 : index
    %get3A_3 = arith.constant 0 : index
    %get3A_4 = arith.constant 0 : index
    %get3A_5 = vector.load %arg0[%get3A_2, %get3A_3, %get3A_4] : memref<2x10000x64xf32, #tpu.memory_space<vmem>>, vector<1x10000x64xf32>
    %get3A_6 = vector.shape_cast %get3A_5 : vector<1x10000x64xf32> to vector<10000x64xf32>
    %get3A_7 = arith.constant 1 : index
    %get3A_8 = arith.constant 0 : index
    %get3A_9 = arith.constant 0 : index
    %get3A_10 = vector.load %arg0[%get3A_7, %get3A_8, %get3A_9] : memref<2x10000x64xf32, #tpu.memory_space<vmem>>, vector<1x10000x64xf32>
    %get3A_11 = vector.shape_cast %get3A_10 : vector<1x10000x64xf32> to vector<10000x64xf32>
    %add3A = arith.addf %get3A_6, %get3A_11 : vector<10000x64xf32>
    %get3A_12 = arith.constant 0 : index
    %get3A_13 = arith.constant 0 : index
    %get3A_14 = vector.load %arg1[%get3A_12, %get3A_13] : memref<10000x64xf32, #tpu.memory_space<vmem>>, vector<10000x64xf32>
    %add3A_15 = arith.addf %add3A, %get3A_14 : vector<10000x64xf32>
    %mul3A = vector.broadcast %get3A_1 : vector<10000x1xf32> to vector<10000x64xf32>
    %mul3A_16 = arith.mulf %mul3A, %add3A_15 : vector<10000x64xf32>
    %get3A_17 = arith.constant 0 : index
    %get3A_18 = arith.constant 0 : index
    %get3A_19 = vector.load %arg3[%get3A_17, %get3A_18] : memref<1x64xf32, #tpu.memory_space<vmem>>, vector<1x64xf32>
    %add3A_20 = vector.broadcast %get3A_19 : vector<1x64xf32> to vector<10000x64xf32>
    %add3A_21 = arith.addf %mul3A_16, %add3A_20 : vector<10000x64xf32>
    %max3A = arith.constant 0.000000e+00 : f32
    %max3A_22 = vector.broadcast %max3A : f32 to vector<10000x64xf32>
    %max3A_23 = arith.maximumf %add3A_21, %max3A_22 : vector<10000x64xf32>
    %mul3A_24 = vector.broadcast %get3A_1 : vector<10000x1xf32> to vector<10000x64xf32>
    %mul3A_25 = arith.mulf %max3A_23, %mul3A_24 : vector<10000x64xf32>
    %swap3A = arith.constant 0 : index
    %swap3A_26 = arith.constant 0 : index
    %swap3A_27 = vector.load %arg4[%swap3A, %swap3A_26] : memref<10000x64xf32, #tpu.memory_space<vmem>>, vector<10000x64xf32>
    tpu.vector_store %arg4[%swap3A, %swap3A_26], %mul3A_25 {strides = array<i32>} : memref<10000x64xf32, #tpu.memory_space<vmem>>, vector<10000x64xf32>,
    return
  }
}

module attributes {stable_mosaic.version = 14 : i64} {
  func.func @_final_body(%arg0: memref<2x10000x64xf32, #tpu.memory_space<vmem>>, %arg1: memref<10000x64xf32, #tpu.memory_space<vmem>>, %arg2: memref<10000x1xf32, #tpu.memory_space<vmem>>, %arg3: memref<1x10000xi32, #tpu.memory_space<vmem>>, %arg4: memref<64x10xf32, #tpu.memory_space<vmem>>, %arg5: memref<1x10xf32, #tpu.memory_space<vmem>>, %arg6: memref<64x10xf32, #tpu.memory_space<vmem>>) attributes {dimension_semantics = [], scalar_prefetch = 0 : i64, scratch_operands = 0 : i64, tpu.core_type = #tpu.core_type<tc>} {
    %get3A = arith.constant 0 : index
    %get3A_0 = arith.constant 0 : index
    %get3A_1 = vector.load %arg2[%get3A, %get3A_0] : memref<10000x1xf32, #tpu.memory_space<vmem>>, vector<10000x1xf32>
    %get3A_2 = arith.constant 0 : index
    %get3A_3 = arith.constant 0 : index
    %get3A_4 = arith.constant 0 : index
    %get3A_5 = vector.load %arg0[%get3A_2, %get3A_3, %get3A_4] : memref<2x10000x64xf32, #tpu.memory_space<vmem>>, vector<1x10000x64xf32>
    %get3A_6 = vector.shape_cast %get3A_5 : vector<1x10000x64xf32> to vector<10000x64xf32>
    %get3A_7 = arith.constant 1 : index
    %get3A_8 = arith.constant 0 : index
    %get3A_9 = arith.constant 0 : index
    %get3A_10 = vector.load %arg0[%get3A_7, %get3A_8, %get3A_9] : memref<2x10000x64xf32, #tpu.memory_space<vmem>>, vector<1x10000x64xf32>
    %get3A_11 = vector.shape_cast %get3A_10 : vector<1x10000x64xf32> to vector<10000x64xf32>
    %add3A = arith.addf %get3A_6, %get3A_11 : vector<10000x64xf32>
    %get3A_12 = arith.constant 0 : index
    %get3A_13 = arith.constant 0 : index
    %get3A_14 = vector.load %arg1[%get3A_12, %get3A_13] : memref<10000x64xf32, #tpu.memory_space<vmem>>, vector<10000x64xf32>
    %add3A_15 = arith.addf %add3A, %get3A_14 : vector<10000x64xf32>
    %mul3A = vector.broadcast %get3A_1 : vector<10000x1xf32> to vector<10000x64xf32>
    %mul3A_16 = arith.mulf %mul3A, %add3A_15 : vector<10000x64xf32>
    %iota3A = tpu.iota {dimensions = array<i32: 0>} : vector<64x10000xi32>
    %get3A_17 = arith.constant 0 : index
    %get3A_18 = arith.constant 0 : index
    %get3A_19 = vector.load %arg3[%get3A_17, %get3A_18] : memref<1x10000xi32, #tpu.memory_space<vmem>>, vector<1x10000xi32>
    %eq3A = vector.broadcast %get3A_19 : vector<1x10000xi32> to vector<64x10000xi32>
    %eq3A_20 = arith.cmpi eq, %eq3A, %iota3A : vector<64x10000xi32>
    %convert_element_type3A = arith.extui %eq3A_20 : vector<64x10000xi1> to vector<64x10000xi32>
    %convert_element_type3A_21 = arith.sitofp %convert_element_type3A : vector<64x10000xi32> to vector<64x10000xf32>
    %dot_general3A = arith.constant dense<0.000000e+00> : vector<64x64xf32>
    %dot_general3A_22 = tpu.matmul %convert_element_type3A_21, %mul3A_16, %dot_general3A {dimension_numbers = #tpu.dot_dimension_numbers<[1], [0], [0], [1], [0, 0, 1, 1], [], []>, transpose_lhs_hint = false} : vector<64x10000xf32>, vector<10000x64xf32>, vector<64x64xf32> -> vector<64x64xf32>
    %reduce_sum3A = arith.constant dense<0.000000e+00> : vector<64xf32>
    %reduce_sum3A_23 = vector.multi_reduction <add>, %convert_element_type3A_21, %reduce_sum3A [1] : vector<64x10000xf32> to vector<64xf32>
    %broadcast_in_dim3A = vector.shape_cast %reduce_sum3A_23 : vector<64xf32> to vector<64x1xf32>
    %get3A_24 = arith.constant 0 : index
    %get3A_25 = arith.constant 0 : index
    %get3A_26 = vector.load %arg4[%get3A_24, %get3A_25] : memref<64x10xf32, #tpu.memory_space<vmem>>, vector<64x10xf32>
    %dot_general3A_27 = arith.constant dense<0.000000e+00> : vector<64x10xf32>
    %dot_general3A_28 = tpu.matmul %dot_general3A_22, %get3A_26, %dot_general3A_27 {dimension_numbers = #tpu.dot_dimension_numbers<[1], [0], [0], [1], [0, 0, 1, 1], [], []>, transpose_lhs_hint = false} : vector<64x64xf32>, vector<64x10xf32>, vector<64x10xf32> -> vector<64x10xf32>
    %get3A_29 = arith.constant 0 : index
    %get3A_30 = arith.constant 0 : index
    %get3A_31 = vector.load %arg5[%get3A_29, %get3A_30] : memref<1x10xf32, #tpu.memory_space<vmem>>, vector<1x10xf32>
    %mul3A_32 = vector.broadcast %broadcast_in_dim3A : vector<64x1xf32> to vector<64x10xf32>
    %mul3A_33 = vector.broadcast %get3A_31 : vector<1x10xf32> to vector<64x10xf32>
    %mul3A_34 = arith.mulf %mul3A_32, %mul3A_33 : vector<64x10xf32>
    %add3A_35 = arith.addf %dot_general3A_28, %mul3A_34 : vector<64x10xf32>
    %max3A = arith.constant 1.000000e+00 : f32
    %max3A_36 = vector.broadcast %max3A : f32 to vector<64x1xf32>
    %max3A_37 = arith.maximumf %broadcast_in_dim3A, %max3A_36 : vector<64x1xf32>
    %div3A = vector.broadcast %max3A_37 : vector<64x1xf32> to vector<64x10xf32>
    %div3A_38 = arith.divf %add3A_35, %div3A : vector<64x10xf32>
    %swap3A = arith.constant 0 : index
    %swap3A_39 = arith.constant 0 : index
    %swap3A_40 = vector.load %arg6[%swap3A, %swap3A_39] : memref<64x10xf32, #tpu.memory_space<vmem>>, vector<64x10xf32>
    tpu.vector_store %arg6[%swap3A, %swap3A_39], %div3A_38 {strides = array<i32>} : memref<64x10xf32, #tpu.memory_space<vmem>>, vector<64x10xf32>,
    return
  }
}

</mosaic_0001>

<sc_bundles>
// kernel: kernel.12.cloned.1.call-start
scs
__scs_entry_jumppad:
0x0: {  	(pc) =	sbr.rel $0x88, $3  }
0x1: {  	(tag) =	ssettag $0x0;
	lr =	simm.s32 $0x1  }
0x2: {  	[smem:$0x3F96] =	sst lr;
	_ =	strace $0xD0000000  }
0x3: {  	_ = 	snop  }
0x4: {  	_ = 	snop  }
0x5: {  	_ = 	snop  }
0x6: {  	_ = 	snop  }
0x7: {  	_ = 	snop  }
__scs_overlays_trampoline_lowered:
0x8: {  	[smem:$0x3FA5] =	sst s0  }
0x9: {  	[smem:$0x3FA6] =	sst s1  }
0xa: {  	[smem:$0x3FA7] =	sst s2  }
0xb: {  	[smem:$0x3FA8] =	sst s3  }
0xc: {  	[smem:$0x3FA9] =	sst s4  }
0xd: {  	[smem:$0x3FAA] =	sst s5  }
0xe: {  	[smem:$0x3FAB] =	sst s6  }
0xf: {  	[smem:$0x3FAC] =	sst s7  }
0x10: {  	[smem:$0x3FAD] =	sst s8  }
0x11: {  	[smem:$0x3FAE] =	sst s9;
	s0 =	simm.s32 @!p0 $0x0  }
0x12: {  	s1 =	sld [smem:$0x3F94];
	s0 =	simm.s32 @p0 $0x1  }
0x13: {  	[smem:$0x3FAF] =	sst s0;
	s0 =	simm.s32 @!p1 $0x0  }
0x14: {  	s2 =	sld [smem:$0x3F93];
	s0 =	simm.s32 @p1 $0x1  }
0x15: {  	[smem:$0x3FB0] =	sst s0;
	s0 =	simm.s32 @!p2 $0x0  }
0x16: {  	s3 =	sld [smem:$0x3FDB];
	s0 =	simm.s32 @p2 $0x1  }
0x17: {  	s4 =	simm.s32 $0x1BF5;
	[smem:$0x3FB2] =	sst s0  }
0x18: {  	s0 =	sld [smem:$0x3F95];
	_ =	swait.ge [sflag:s4], $0x0  }
0x19: {  	s7 =	sld [smem:$0x3F96]  }
0x1a: {  	s8 =	sadd.s32 $0xFFFFE003, lr  }
0x1b: {  	s9 =	sadd.s32 $0xFFFFFEF7, lr;
	s5 =	simm.s32 $0xFFFFFFFF;
	p2 =	slt.u32 s8, $0xFFFFF086  }
0x1c: {  	p1 =	slt.u32 s9, $0xF7A;
	s5 =	simm.s32 @!p2 $0x0  }
0x1d: {  	s5 =	simm.s32 @p1 $0x1;
	p0 =	seq.s32 s7, s2  }
0x1e: {  	s7 =	smul.u32 @!p0 $0xF7A, s2;
	p2 =	seq.s32 @!p0 s5, $0x0  }
0x1f: {  	s9 =	smul.u32 $0xF7A, s1;
	s8 =	simm.s32 @!p0 $0x1BF5;
	p2 =	por !p2, p0  }
0x20: {  	[sflag:s8] =	ssyncset.s32 @!p0 $0xFFFFF086;
	s6 =	sadd.s32 @!p0 s3, s7;
	s7 =	simm.s32 @!p0 $0x108  }
0x21: {  	s3 =	sadd.s32 s3, s9;
	s6 =	sadd.s32 @!p0 $0x88, s6;
	s7 =	simm.s32 @p2 $0x1082  }
0x22: {  	[simem:s7], [sflag:s8] =	dma.local @!p0 [hbm:s6], $0xF7A  }
0x23: {  	s9 =	sor.u32 $0xD0000000, s2;
	s6 =	simm.s32 $0x108;
	_ =	swait.ge @!p0 [sflag:s8], $0x0  }
0x24: {  	s3 =	sadd.s32 $0x88, s3;
	s6 =	simm.s32 @!p1 $0x1082;
	[sflag:s4] =	ssyncset.s32 $0xFFFFF086  }
0x25: {  	[simem:s6], [sflag:s4] =	dma.local [hbm:s3], $0xF7A  }
0x26: {  	[smem:$0x3F96] =	sst s1;
	(tag) =	ssettag s2;
	_ =	strace s9  }
0x27: {  	s1 =	sld [smem:$0x3FA6]  }
0x28: {  	s2 =	sld [smem:$0x3FA7]  }
0x29: {  	s4 =	sld [smem:$0x3FA9]  }
0x2a: {  	p0 =	seq.s32 s5, $0x0;
	s5 =	sld [smem:$0x3FAA]  }
0x2b: {  	s6 =	sld [smem:$0x3FAB]  }
0x2c: {  	s7 =	sld [smem:$0x3FAC]  }
0x2d: {  	s3 =	simm.s32 $0x108;
	s8 =	sld [smem:$0x3FAD]  }
0x2e: {  	s3 =	simm.s32 @!p0 $0x1082;
	s9 =	sld [smem:$0x3FAE]  }
0x2f: {  	lr =	sadd.s32 s0, s3;
	s0 =	sld [smem:$0x3FA5]  }
0x30: {  	s3 =	sld [smem:$0x3FA8]  }
0x31: {  	[smem:$0x3FB1] =	sst s10  }
0x32: {  	s10 =	sld [smem:$0x3FAF];
	_ =	sdelay $0x3  }
0x33: {  	p0 =	seq.s32 s10, $0x1;
	s10 =	sld [smem:$0x3FB1];
	_ =	sdelay $0x3  }
0x34: {  	[smem:$0x3FB1] =	sst s10  }
0x35: {  	s10 =	sld [smem:$0x3FB0];
	_ =	sdelay $0x3  }
0x36: {  	p1 =	seq.s32 s10, $0x1;
	s10 =	sld [smem:$0x3FB1];
	_ =	sdelay $0x3  }
0x37: {  	[smem:$0x3FB1] =	sst s10  }
0x38: {  	s10 =	sld [smem:$0x3FB2]  }
0x39: {  	_ = 	snop;
	(pc) =	sbr.ind lr, $3  }
0x3a: {  	_ = 	snop  }
0x3b: {  	_ = 	snop  }
0x3c: {  	p2 =	seq.s32 s10, $0x1;
	s10 =	sld [smem:$0x3FB1]  }
0x3d: {  	_ =	shalt  }
0x3e: {  	_ =	shalt  }
0x3f: {  	_ =	shalt  }
0x40: {  	_ =	shalt  }
0x41: {  	_ =	shalt  }
0x42: {  	_ =	shalt  }
0x43: {  	_ =	shalt  }
0x44: {  	_ =	shalt  }
0x45: {  	_ =	shalt  }
0x46: {  	_ =	shalt  }
0x47: {  	_ =	shalt  }
0x48: {  	_ =	shalt  }
0x49: {  	_ =	shalt  }
0x4a: {  	_ =	shalt  }
0x4b: {  	_ =	shalt  }
0x4c: {  	_ =	shalt  }
0x4d: {  	_ =	shalt  }
0x4e: {  	_ =	shalt  }
0x4f: {  	_ =	shalt  }
0x50: {  	_ =	shalt  }
0x51: {  	_ =	shalt  }
0x52: {  	_ =	shalt  }
0x53: {  	_ =	shalt  }
0x54: {  	_ =	shalt  }
0x55: {  	_ =	shalt  }
0x56: {  	_ =	shalt  }
0x57: {  	_ =	shalt  }
0x58: {  	_ =	shalt  }
0x59: {  	_ =	shalt  }
0x5a: {  	_ =	shalt  }
0x5b: {  	_ =	shalt  }
0x5c: {  	_ =	shalt  }
0x5d: {  	_ =	shalt  }
0x5e: {  	_ =	shalt  }
0x5f: {  	_ =	shalt  }
0x60: {  	_ =	shalt  }
0x61: {  	_ =	shalt  }
0x62: {  	_ =	shalt  }
0x63: {  	_ =	shalt  }
0x64: {  	_ =	shalt  }
0x65: {  	_ =	shalt  }
0x66: {  	_ =	shalt  }
0x67: {  	_ =	shalt  }
0x68: {  	_ =	shalt  }
0x69: {  	_ =	shalt  }
0x6a: {  	_ =	shalt  }
0x6b: {  	_ =	shalt  }
0x6c: {  	_ =	shalt  }
0x6d: {  	_ =	shalt  }
0x6e: {  	_ =	shalt  }
0x6f: {  	_ =	shalt  }
0x70: {  	_ =	shalt  }
0x71: {  	_ =	shalt  }
0x72: {  	_ =	shalt  }
0x73: {  	_ =	shalt  }
0x74: {  	_ =	shalt  }
0x75: {  	_ =	shalt  }
0x76: {  	_ =	shalt  }
0x77: {  	_ =	shalt  }
0x78: {  	_ =	shalt  }
0x79: {  	_ =	shalt  }
0x7a: {  	_ =	shalt  }
0x7b: {  	_ =	shalt  }
0x7c: {  	_ =	shalt  }
0x7d: {  	_ =	shalt  }
0x7e: {  	_ =	shalt  }
0x7f: {  	_ =	shalt  }
0x80: {  	_ =	shalt  }
0x81: {  	_ =	shalt  }
0x82: {  	_ =	shalt  }
0x83: {  	_ =	shalt  }
0x84: {  	_ =	shalt  }
0x85: {  	_ =	shalt  }
0x86: {  	_ =	shalt  }
0x87: {  	_ =	shalt  }
.Lfunc_end0:
.L_simem_size_0:
called_computation_lowered:
.L_overlay_start_0:
0x88: {  	s2 =	sld [smem:$0x3FD9]  }
0x89: {  	s3 =	sld [smem:$0x3FFE];
	_ =	sdelay $0x1  }
0x8a: {  	s1 =	srdreg.scid  }
0x8b: {  	s0 =	sand.u32 $0x1, s1  }
0x8c: {  	s17 =	sshll.u32 s0, $0xA;
	s2 =	sadd.s32 s3, s2  }
0x8d: {  	s2 =	sadd.s32 s2, s17  }
0x8e: {  	[smem:$0x3FBD] =	sst s2  }
0x8f: {  	_ = 	snop  }
0x90: {  	s2 =	sld [smem:$0x3FD0];
	(tm) =	ssettm $0x1  }
0x91: {  	s18 =	sld [smem:$0x3FFB];
	_ =	sdelay $0x3  }
0x92: {  	_ =	strace s18  }
0x93: {  	s3 =	sld [smem:$0x3FFC];
	_ =	sdelay $0x3  }
0x94: {  	_ =	strace s3  }
0x95: {  	s3 =	sld [smem:$0x3FFD];
	_ =	sdelay $0x3  }
0x96: {  	_ =	strace s3  }
0x97: {  	_ =	strace $0x8FFFFFFF  }
0x98: {  	s19 =	sld [smem:$0x3FDB];
	_ =	sdelay $0x1  }
0x99: {  	s4 =	simm.s32 $_scs_section_size  }
0x9a: {  	s5 =	simm.s32 $_size__tile_overlayer_lowered;
	s6 =	simm.s32 $_tile_overlayer_lowered  }
0x9b: {  	s22 =	simm.s32 $0x1BFF;
	s21 =	sshll.u32 s6, $0x1;
	s3 =	sadd.s32 s4, s19  }
0x9c: {  	s7 =	simm.s32 $0x0;
	s20 =	sshll.u32 s5, $0x1;
	s5 =	sadd.s32 s21, s3  }
0x9d: {  	[timem:s7], [sflag:s22] =	dma.local [hbm:s5], s20  }
0x9e: {  	_ =	swait.ge [sflag:s22], s20  }
0x9f: {  	s4 =	ssub.s32 $0x0, s20;
	[sflag:s22] =	ssyncset.done $0x0  }
0xa0: {  	[sflag:s22] =	ssyncadd.s32 s4;
	_ =	sdelay $0x1  }
0xa1: {  	s23 =	simm.s32 $0x1B8B  }
0xa2: {  	_ =	swait.ge [sflag:s23], $0x1  }
0xa3: {  	[sflag:s23] =	ssyncset.done $0x0  }
0xa4: {  	s25 =	simm.s32 $0x1B8E;
	s24 =	sld [smem:$0x3FFE];
	[sflag:s23] =	ssyncadd.s32 $0xFFFFFFFF  }
0xa5: {  	s26 =	simm.s32 $execute0_lowered;
	[smem:$0x3FD2] =	sst s25  }
0xa6: {  	s5 =	sshll.u32 s26, $0x1;
	_ =	strace $0x80000046;
	[dreg:$0x1] =	wrdreg $0xFFFFFFFF  }
0xa7: {  	s28 =	simm.s32 $_size_execute0_lowered;
	s3 =	sadd.s32 s3, s5;
	[dreg:$0x0] =	wrdreg $0x0  }
0xa8: {  	s5 =	sshll.u32 s28, $0x1;
	[dreg:$0x2] =	wrdreg s3  }
0xa9: {  	[dreg:$0x3] =	wrdreg s5  }
0xaa: {  	[dreg:$0x4] =	wrdreg $0xC0  }
0xab: {  	_ =	task [dreg:s7], $0x5FFFF  }
0xac: {  	[dreg:$0x1] =	wrdreg $0xFFFFFFFF  }
0xad: {  	[dreg:$0x0] =	wrdreg $0x60  }
0xae: {  	[dreg:$0x2] =	wrdreg s24  }
0xaf: {  	[dreg:$0x3] =	wrdreg s2  }
0xb0: {  	[dreg:$0x4] =	wrdreg $0x1000  }
0xb1: {  	[dreg:$0x5] =	wrdreg $0x9  }
0xb2: {  	_ =	task.clear_ibuf [dreg:s7], $0x6FFFF;
	_ =	strace $0x90000046  }
0xb3: {  	s29 =	simm.s32 $0x9;
	_ =	strace $0x80000048  }
0xb4: {  	_ =	swait.ge [sflag:s29], $0x1  }
0xb5: {  	[sflag:s29] =	ssyncadd.s32 $0xFFFFFFFF  }
0xb6: {  	_ =	strace $0x90000048  }
0xb7: {  	_ =	sfence  }
0xb8: {  	s30 =	sld [smem:$0x0];
	_ =	sdelay $0x2  }
0xb9: {  	s31 =	sshll.u32 s1, $0xD;
	s1 =	sshrl.u32 s1, $0x2  }
0xba: {  	s3 =	sand.u32 $0x4000, s31;
	s1 =	sadd.s32 s1, s30  }
0xbb: {  	s0 =	sor.u32 s3, s0;
	s1 =	sshll.u32 s1, $0x11  }
0xbc: {  	s0 =	sor.u32 s1, s0  }
0xbd: {  	s0 =	sadd.s32 $0x8F2B, s0  }
0xbe: {  	[sflag:s0] =	ssyncadd.remote.s32 $0x1  }
0xbf: {  	_ =	sfence.sel $0xFFFF  }
0xc0: {  	[dreg:$0x0] =	wrdreg $0xFFFFFFFF;
	(pc) =	sbr.abs _section_cstart, $3  }
0xc1: {  	[dreg:$0x1] =	wrdreg $0xFFFFFFFF  }
0xc2: {  	_ =	task.clear_ibuf [dreg:s7], $0x2FFFF;
	_ =	strace $0x9FFFFFFF  }
0xc3: {  	(tm) =	ssettm $0x7FFFFFFF  }
tec
execute0_lowered:
.L_overlay_start_1:
0x0: {  	(tag) =	ssettag $0x1  }
0x1: {  	s6 =	rddreg [dreg:$0x0]  }
0x2: {  	s2 =	rddreg [dreg:$0x1]  }
0x3: {  	s0 =	srdreg.scid;
	s3 =	rddreg [dreg:$0x2]  }
0x4: {  	s1 =	rddreg [dreg:$0x3];
	s5 =	sand.u32 $0x1, s0  }
0x5: {  	s0 =	stileid.u32;
	s7 =	smul.u32 $0x27100, s5  }
0x6: {  	s4 =	simm.s32 $0x0;
	s12 =	simm.s32 $0x80;
	s8 =	smul.u32 $0x2710, s0  }
0x7: {  	s13 =	simm.s32 $0x50;
	[smem:$0x7FF] =	sst s4;
	s9 =	smul.u32 $0x280, s0  }
0x8: {  	s14 =	simm.s32 $0x0;
	s10 =	smul.u32 $0x2800, s5;
	_ =	strace $0x80000047  }
0x9: {  	s29 =	ssub.s32 $0x2, s5;
	s5 =	sadd.s32 $0x16400, s6;
	s31 =	sshll.u32 s0, $0x6  }
0xa: {  	s30 =	sshrl.u32 s29, $0x1;
	s7 =	sadd.s32 s8, s7;
	s25 =	sadd.s32 s9, s10  }
0xb: {  	s8 =	ssub.s32 s29, s30;
	s11 =	sadd.s32 s9, s3;
	s7 =	sshrl.u32 s7, $0x3  }
0xc: {  	s28 =	sshrl.u32 s25, $0x3;
	s8 =	smax.u32 s8, $0x1;
	s10 =	sshrl.u32 s11, $0x3  }
0xd: {  	s11 =	simm.s32 $0x1;
	s26 =	sadd.s32 s7, s6;
	s7 =	sadd.s32 s28, s6  }
0xe: {  	s6 =	sor.u32 $0x1C01, s31;
	s7 =	sadd.s32 $0x16600, s7;
	s9 =	sadd.s32 $0xC600, s26  }
.LBB2_1:
0xf: {  	[spmem:s10], [sflag:s6] =	dma.local [hbm:s2], $0x50  }
0x10: {  	_ =	swait.ge [sflag:s11], $0x50  }
0x11: {  	[sflag:s11] =	ssyncset.done $0x0  }
0x12: {  	[sflag:s11] =	ssyncadd.s32 $0xFFFFFFB0  }
0x13: {  	[tilespmem:s12], [sflag:$0x1] =	stream.linear.gather [hbm4b:s5+s4], $0x80, $0x38;
	[tilespmem:$0x380] =	vst v63  }
0x14: {  	_ =	swait.ge [sflag:s11], $0x80  }
0x15: {  	[sflag:s11] =	ssyncset.done $0x0  }
0x16: {  	[sflag:s11] =	ssyncadd.s32 $0xFFFFFF80  }
0x17: {  	s15 =	sadd.s32 $0x0, s9;
	[bflag:$0x0] =	sbarrier.arrive $0xFFFF  }
0x18: {  	[tilespmem:s4], [sflag:$0x1] =	stream.linear.gather [hbm4b:s15+s4], $0x50, $0x38;
	[tilespmem:$0x380] =	vst v63  }
0x19: {  	_ =	swait.ge [sflag:s11], $0x50  }
0x1a: {  	[sflag:s11] =	ssyncset.done $0x0  }
0x1b: {  	[sflag:s11] =	ssyncadd.s32 $0xFFFFFFB0  }
0x1c: {  	[spmem:s3] =	stream.indirect.scatter.add.f32 [tilespmem:s12], [sflag:$0x1], $0x1, s4, s13, $0xb8;
	[tilespmem:$0x380] =	vst v63  }
0x1d: {  	_ =	swait.ge [sflag:s11], $0x50  }
0x1e: {  	s16 =	simm.s32 $0x14;
	s15 =	simm.s32 $0xA;
	[sflag:s11] =	ssyncset.done $0x0  }
.LBB2_2:
0x1f: {  	s17 =	sadd.s32 s15, s9  }
0x20: {  	[sflag:s11] =	ssyncadd.s32 $0xFFFFFFB0;
	s15 =	smov.u32 s16;
	s18 =	sadd.s32 $0xA, s16  }
0x21: {  	[tilespmem:s4], [sflag:$0x1] =	stream.linear.gather [hbm4b:s17+s4], $0x50, $0x38;
	[tilespmem:$0x380] =	vst v63  }
0x22: {  	p0 =	sne.s32 s16, $0x4D8;
	_ =	swait.ge [sflag:s11], $0x50  }
.Ltmp0:
0x23: {  	[sflag:s11] =	ssyncset.done $0x0;
	(pc) =	sbr.rel @p0 .LBB2_2-.Ltmp0, $4  }
0x24: {  	[sflag:s11] =	ssyncadd.s32 $0xFFFFFFB0  }
0x25: {  	[spmem:s3] =	stream.indirect.scatter.add.f32 [tilespmem:s12], [sflag:$0x1], $0x1, s4, s13, $0xb8;
	[tilespmem:$0x380] =	vst v63  }
0x26: {  	_ =	swait.ge [sflag:s11], $0x50  }
0x27: {  	s16 =	smov.u32 s18;
	[sflag:s11] =	ssyncset.done $0x0  }
0x28: {  	s15 =	sadd.s32 s15, s9;
	[sflag:s11] =	ssyncadd.s32 $0xFFFFFFB0  }
0x29: {  	[tilespmem:s4], [sflag:$0x1] =	stream.linear.gather [hbm4b:s15+s4], $0x50, $0x38;
	[tilespmem:$0x380] =	vst v63  }
0x2a: {  	_ =	swait.ge [sflag:s11], $0x50  }
0x2b: {  	[sflag:s11] =	ssyncset.done $0x0  }
0x2c: {  	[sflag:s11] =	ssyncadd.s32 $0xFFFFFFB0  }
0x2d: {  	[spmem:s3] =	stream.indirect.scatter.add.f32 [tilespmem:s12], [sflag:$0x1], $0x1, s4, s13, $0xb8;
	[tilespmem:$0x380] =	vst v63  }
0x2e: {  	_ =	swait.ge [sflag:s11], $0x50  }
0x2f: {  	s14 =	sadd.s32 $0x1, s14;
	[sflag:s11] =	ssyncset.done $0x0  }
0x30: {  	p0 =	sne.s32 s14, s8;
	[sflag:s11] =	ssyncadd.s32 $0xFFFFFFB0  }
.Ltmp1:
0x31: {  	[bflag:$0x0] =	sbarrier.arrive $0xFFFF;
	(pc) =	sbr.rel @p0 .LBB2_1-.Ltmp1, $4  }
0x32: {  	[hbm:s7], [sflag:s6] =	dma.local [spmem:s10], $0x50  }
0x33: {  	_ =	swait.ge [sflag:s11], $0x50  }
0x34: {  	[sflag:s11] =	ssyncset.done $0x0  }
0x35: {  	[sflag:s11] =	ssyncadd.s32 $0xFFFFFFB0  }
0x36: {  	_ =	sfence.sel $0x180000  }
0x37: {  	[bflag:$0x0] =	sbarrier.arrive $0xFFFF  }
0x38: {  	p0 =	sne.s32 s0, $0x0;
	_ =	strace $0x90000047  }
0x39: {  	s0 =	sadd.s32 @!p0 $0x100000, s1;
	[bflag:$0x2] =	sbarrier.arrive $0xFFFF  }
0x3a: {  	[sflag:s0] =	ssyncadd.tile.s32 @!p0 $0x1;
	_ =	shalt  }
.Lfunc_end2:
_tile_overlayer_lowered:
.L_overlay_start_2:
0x3b: {  	(tag) =	ssettag $0x2  }
0x3c: {  	s0 =	rddreg [dreg:$0x0];
	s2 =	stileid.u32  }
0x3d: {  	s1 =	rddreg [dreg:$0x1];
	p0 =	sne.s32 s2, $0x0  }
0x3e: {  	s3 =	rddreg [dreg:$0x2];
	[bflag:$0x3] =	sbarrier.arrive $0xFFFF;
	s2 =	simm.s32 @!p0 $0x1C01  }
0x3f: {  	[timem:s3], [sflag:s2] =	dma.local @!p0 [hbm:s0], s1  }
0x40: {  	s0 =	simm.s32 @!p0 $0x1  }
0x41: {  	_ =	swait.ge @!p0 [sflag:s0], s1  }
0x42: {  	s1 =	ssub.s32 @!p0 $0x0, s1;
	[sflag:s0] =	ssyncset.done @!p0 $0x0  }
0x43: {  	[sflag:s0] =	ssyncadd.s32 @!p0 s1  }
0x44: {  	[bflag:$0x3] =	sbarrier.arrive $0xFFFF  }
0x45: {  	_ =	shalt  }

// kernel: kernel.15.cloned.1.call-start
scs
__scs_entry_jumppad:
0x0: {  	(pc) =	sbr.rel $0x88, $3  }
0x1: {  	(tag) =	ssettag $0x0;
	lr =	simm.s32 $0x1  }
0x2: {  	[smem:$0x3F96] =	sst lr;
	_ =	strace $0xD0000000  }
0x3: {  	_ = 	snop  }
0x4: {  	_ = 	snop  }
0x5: {  	_ = 	snop  }
0x6: {  	_ = 	snop  }
0x7: {  	_ = 	snop  }
__scs_overlays_trampoline_lowered:
0x8: {  	[smem:$0x3FA5] =	sst s0  }
0x9: {  	[smem:$0x3FA6] =	sst s1  }
0xa: {  	[smem:$0x3FA7] =	sst s2  }
0xb: {  	[smem:$0x3FA8] =	sst s3  }
0xc: {  	[smem:$0x3FA9] =	sst s4  }
0xd: {  	[smem:$0x3FAA] =	sst s5  }
0xe: {  	[smem:$0x3FAB] =	sst s6  }
0xf: {  	[smem:$0x3FAC] =	sst s7  }
0x10: {  	[smem:$0x3FAD] =	sst s8  }
0x11: {  	[smem:$0x3FAE] =	sst s9;
	s0 =	simm.s32 @!p0 $0x0  }
0x12: {  	s1 =	sld [smem:$0x3F94];
	s0 =	simm.s32 @p0 $0x1  }
0x13: {  	[smem:$0x3FAF] =	sst s0;
	s0 =	simm.s32 @!p1 $0x0  }
0x14: {  	s2 =	sld [smem:$0x3F93];
	s0 =	simm.s32 @p1 $0x1  }
0x15: {  	[smem:$0x3FB0] =	sst s0;
	s0 =	simm.s32 @!p2 $0x0  }
0x16: {  	s3 =	sld [smem:$0x3FDB];
	s0 =	simm.s32 @p2 $0x1  }
0x17: {  	s4 =	simm.s32 $0x1BF5;
	[smem:$0x3FB2] =	sst s0  }
0x18: {  	s0 =	sld [smem:$0x3F95];
	_ =	swait.ge [sflag:s4], $0x0  }
0x19: {  	s7 =	sld [smem:$0x3F96]  }
0x1a: {  	s8 =	sadd.s32 $0xFFFFE003, lr  }
0x1b: {  	s9 =	sadd.s32 $0xFFFFFEF7, lr;
	s5 =	simm.s32 $0xFFFFFFFF;
	p2 =	slt.u32 s8, $0xFFFFF086  }
0x1c: {  	p1 =	slt.u32 s9, $0xF7A;
	s5 =	simm.s32 @!p2 $0x0  }
0x1d: {  	s5 =	simm.s32 @p1 $0x1;
	p0 =	seq.s32 s7, s2  }
0x1e: {  	s7 =	smul.u32 @!p0 $0xF7A, s2;
	p2 =	seq.s32 @!p0 s5, $0x0  }
0x1f: {  	s9 =	smul.u32 $0xF7A, s1;
	s8 =	simm.s32 @!p0 $0x1BF5;
	p2 =	por !p2, p0  }
0x20: {  	[sflag:s8] =	ssyncset.s32 @!p0 $0xFFFFF086;
	s6 =	sadd.s32 @!p0 s3, s7;
	s7 =	simm.s32 @!p0 $0x108  }
0x21: {  	s3 =	sadd.s32 s3, s9;
	s6 =	sadd.s32 @!p0 $0x88, s6;
	s7 =	simm.s32 @p2 $0x1082  }
0x22: {  	[simem:s7], [sflag:s8] =	dma.local @!p0 [hbm:s6], $0xF7A  }
0x23: {  	s9 =	sor.u32 $0xD0000000, s2;
	s6 =	simm.s32 $0x108;
	_ =	swait.ge @!p0 [sflag:s8], $0x0  }
0x24: {  	s3 =	sadd.s32 $0x88, s3;
	s6 =	simm.s32 @!p1 $0x1082;
	[sflag:s4] =	ssyncset.s32 $0xFFFFF086  }
0x25: {  	[simem:s6], [sflag:s4] =	dma.local [hbm:s3], $0xF7A  }
0x26: {  	[smem:$0x3F96] =	sst s1;
	(tag) =	ssettag s2;
	_ =	strace s9  }
0x27: {  	s1 =	sld [smem:$0x3FA6]  }
0x28: {  	s2 =	sld [smem:$0x3FA7]  }
0x29: {  	s4 =	sld [smem:$0x3FA9]  }
0x2a: {  	p0 =	seq.s32 s5, $0x0;
	s5 =	sld [smem:$0x3FAA]  }
0x2b: {  	s6 =	sld [smem:$0x3FAB]  }
0x2c: {  	s7 =	sld [smem:$0x3FAC]  }
0x2d: {  	s3 =	simm.s32 $0x108;
	s8 =	sld [smem:$0x3FAD]  }
0x2e: {  	s3 =	simm.s32 @!p0 $0x1082;
	s9 =	sld [smem:$0x3FAE]  }
0x2f: {  	lr =	sadd.s32 s0, s3;
	s0 =	sld [smem:$0x3FA5]  }
0x30: {  	s3 =	sld [smem:$0x3FA8]  }
0x31: {  	[smem:$0x3FB1] =	sst s10  }
0x32: {  	s10 =	sld [smem:$0x3FAF];
	_ =	sdelay $0x3  }
0x33: {  	p0 =	seq.s32 s10, $0x1;
	s10 =	sld [smem:$0x3FB1];
	_ =	sdelay $0x3  }
0x34: {  	[smem:$0x3FB1] =	sst s10  }
0x35: {  	s10 =	sld [smem:$0x3FB0];
	_ =	sdelay $0x3  }
0x36: {  	p1 =	seq.s32 s10, $0x1;
	s10 =	sld [smem:$0x3FB1];
	_ =	sdelay $0x3  }
0x37: {  	[smem:$0x3FB1] =	sst s10  }
0x38: {  	s10 =	sld [smem:$0x3FB2]  }
0x39: {  	_ = 	snop;
	(pc) =	sbr.ind lr, $3  }
0x3a: {  	_ = 	snop  }
0x3b: {  	_ = 	snop  }
0x3c: {  	p2 =	seq.s32 s10, $0x1;
	s10 =	sld [smem:$0x3FB1]  }
0x3d: {  	_ =	shalt  }
0x3e: {  	_ =	shalt  }
0x3f: {  	_ =	shalt  }
0x40: {  	_ =	shalt  }
0x41: {  	_ =	shalt  }
0x42: {  	_ =	shalt  }
0x43: {  	_ =	shalt  }
0x44: {  	_ =	shalt  }
0x45: {  	_ =	shalt  }
0x46: {  	_ =	shalt  }
0x47: {  	_ =	shalt  }
0x48: {  	_ =	shalt  }
0x49: {  	_ =	shalt  }
0x4a: {  	_ =	shalt  }
0x4b: {  	_ =	shalt  }
0x4c: {  	_ =	shalt  }
0x4d: {  	_ =	shalt  }
0x4e: {  	_ =	shalt  }
0x4f: {  	_ =	shalt  }
0x50: {  	_ =	shalt  }
0x51: {  	_ =	shalt  }
0x52: {  	_ =	shalt  }
0x53: {  	_ =	shalt  }
0x54: {  	_ =	shalt  }
0x55: {  	_ =	shalt  }
0x56: {  	_ =	shalt  }
0x57: {  	_ =	shalt  }
0x58: {  	_ =	shalt  }
0x59: {  	_ =	shalt  }
0x5a: {  	_ =	shalt  }
0x5b: {  	_ =	shalt  }
0x5c: {  	_ =	shalt  }
0x5d: {  	_ =	shalt  }
0x5e: {  	_ =	shalt  }
0x5f: {  	_ =	shalt  }
0x60: {  	_ =	shalt  }
0x61: {  	_ =	shalt  }
0x62: {  	_ =	shalt  }
0x63: {  	_ =	shalt  }
0x64: {  	_ =	shalt  }
0x65: {  	_ =	shalt  }
0x66: {  	_ =	shalt  }
0x67: {  	_ =	shalt  }
0x68: {  	_ =	shalt  }
0x69: {  	_ =	shalt  }
0x6a: {  	_ =	shalt  }
0x6b: {  	_ =	shalt  }
0x6c: {  	_ =	shalt  }
0x6d: {  	_ =	shalt  }
0x6e: {  	_ =	shalt  }
0x6f: {  	_ =	shalt  }
0x70: {  	_ =	shalt  }
0x71: {  	_ =	shalt  }
0x72: {  	_ =	shalt  }
0x73: {  	_ =	shalt  }
0x74: {  	_ =	shalt  }
0x75: {  	_ =	shalt  }
0x76: {  	_ =	shalt  }
0x77: {  	_ =	shalt  }
0x78: {  	_ =	shalt  }
0x79: {  	_ =	shalt  }
0x7a: {  	_ =	shalt  }
0x7b: {  	_ =	shalt  }
0x7c: {  	_ =	shalt  }
0x7d: {  	_ =	shalt  }
0x7e: {  	_ =	shalt  }
0x7f: {  	_ =	shalt  }
0x80: {  	_ =	shalt  }
0x81: {  	_ =	shalt  }
0x82: {  	_ =	shalt  }
0x83: {  	_ =	shalt  }
0x84: {  	_ =	shalt  }
0x85: {  	_ =	shalt  }
0x86: {  	_ =	shalt  }
0x87: {  	_ =	shalt  }
.Lfunc_end0:
.L_simem_size_0:
called_computation.1_lowered:
.L_overlay_start_0:
0x88: {  	s2 =	sld [smem:$0x3FD9]  }
0x89: {  	s3 =	sld [smem:$0x3FFE];
	_ =	sdelay $0x1  }
0x8a: {  	s1 =	srdreg.scid  }
0x8b: {  	s0 =	sand.u32 $0x1, s1  }
0x8c: {  	s16 =	sshll.u32 s0, $0xA;
	s2 =	sadd.s32 s3, s2  }
0x8d: {  	s2 =	sadd.s32 s2, s16  }
0x8e: {  	[smem:$0x3FBD] =	sst s2  }
0x8f: {  	_ = 	snop  }
0x90: {  	(tm) =	ssettm $0x1  }
0x91: {  	s17 =	sld [smem:$0x3FFB];
	_ =	sdelay $0x3  }
0x92: {  	_ =	strace s17  }
0x93: {  	s2 =	sld [smem:$0x3FFC];
	_ =	sdelay $0x3  }
0x94: {  	_ =	strace s2  }
0x95: {  	s2 =	sld [smem:$0x3FFD];
	_ =	sdelay $0x3  }
0x96: {  	_ =	strace s2  }
0x97: {  	_ =	strace $0x8FFFFFFF  }
0x98: {  	s18 =	sld [smem:$0x3FDB];
	_ =	sdelay $0x1  }
0x99: {  	s19 =	simm.s32 $_scs_section_size  }
0x9a: {  	s4 =	simm.s32 $_size__tile_overlayer_lowered;
	s5 =	simm.s32 $_tile_overlayer_lowered  }
0x9b: {  	s22 =	simm.s32 $0x1BFF;
	s21 =	sshll.u32 s5, $0x1;
	s2 =	sadd.s32 s19, s18  }
0x9c: {  	s6 =	simm.s32 $0x0;
	s20 =	sshll.u32 s4, $0x1;
	s4 =	sadd.s32 s21, s2  }
0x9d: {  	[timem:s6], [sflag:s22] =	dma.local [hbm:s4], s20  }
0x9e: {  	_ =	swait.ge [sflag:s22], s20  }
0x9f: {  	s3 =	ssub.s32 $0x0, s20;
	[sflag:s22] =	ssyncset.done $0x0  }
0xa0: {  	[sflag:s22] =	ssyncadd.s32 s3;
	_ =	sdelay $0x1  }
0xa1: {  	s23 =	simm.s32 $0x1B8B  }
0xa2: {  	_ =	swait.ge [sflag:s23], $0x1  }
0xa3: {  	[sflag:s23] =	ssyncset.done $0x0  }
0xa4: {  	s25 =	simm.s32 $0x1B8E;
	s24 =	sld [smem:$0x3FFE];
	[sflag:s23] =	ssyncadd.s32 $0xFFFFFFFF  }
0xa5: {  	s26 =	simm.s32 $execute0_lowered;
	[smem:$0x3FD2] =	sst s25  }
0xa6: {  	s4 =	sshll.u32 s26, $0x1;
	_ =	strace $0x80000049;
	[dreg:$0x1] =	wrdreg $0xFFFFFFFF  }
0xa7: {  	s28 =	simm.s32 $_size_execute0_lowered;
	s2 =	sadd.s32 s2, s4;
	[dreg:$0x0] =	wrdreg $0x0  }
0xa8: {  	s4 =	sshll.u32 s28, $0x1;
	[dreg:$0x2] =	wrdreg s2  }
0xa9: {  	[dreg:$0x3] =	wrdreg s4  }
0xaa: {  	[dreg:$0x4] =	wrdreg $0xC0  }
0xab: {  	_ =	task [dreg:s6], $0x5FFFF  }
0xac: {  	[dreg:$0x1] =	wrdreg $0xFFFFFFFF  }
0xad: {  	[dreg:$0x0] =	wrdreg $0x60  }
0xae: {  	[dreg:$0x2] =	wrdreg s24  }
0xaf: {  	[dreg:$0x3] =	wrdreg $0x4FB00  }
0xb0: {  	[dreg:$0x4] =	wrdreg $0x9  }
0xb1: {  	_ =	task.clear_ibuf [dreg:s6], $0x5FFFF;
	_ =	strace $0x90000049  }
0xb2: {  	s29 =	simm.s32 $0x9;
	_ =	strace $0x8000004B  }
0xb3: {  	_ =	swait.ge [sflag:s29], $0x1  }
0xb4: {  	[sflag:s29] =	ssyncadd.s32 $0xFFFFFFFF  }
0xb5: {  	_ =	strace $0x9000004B  }
0xb6: {  	_ =	sfence  }
0xb7: {  	s30 =	sld [smem:$0x0];
	_ =	sdelay $0x2  }
0xb8: {  	s31 =	sshll.u32 s1, $0xD;
	s1 =	sshrl.u32 s1, $0x2  }
0xb9: {  	s3 =	sand.u32 $0x4000, s31;
	s1 =	sadd.s32 s1, s30  }
0xba: {  	s0 =	sor.u32 s3, s0;
	s1 =	sshll.u32 s1, $0x11  }
0xbb: {  	s0 =	sor.u32 s1, s0  }
0xbc: {  	s0 =	sadd.s32 $0x8F2B, s0  }
0xbd: {  	[sflag:s0] =	ssyncadd.remote.s32 $0x1  }
0xbe: {  	_ =	sfence.sel $0xFFFF  }
0xbf: {  	[dreg:$0x0] =	wrdreg $0xFFFFFFFF;
	(pc) =	sbr.abs _section_cstart, $3  }
0xc0: {  	[dreg:$0x1] =	wrdreg $0xFFFFFFFF  }
0xc1: {  	_ =	task.clear_ibuf [dreg:s6], $0x2FFFF;
	_ =	strace $0x9FFFFFFF  }
0xc2: {  	(tm) =	ssettm $0x7FFFFFFF  }
0xc3: {  	_ =	shalt  }
tec
execute0_lowered:
.L_overlay_start_1:
0x0: {  	(tag) =	ssettag $0x1  }
0x1: {  	s0 =	srdreg.scid  }
0x2: {  	s6 =	rddreg [dreg:$0x0];
	s25 =	stileid.u32  }
0x3: {  	s2 =	rddreg [dreg:$0x1];
	s18 =	simm.s32 $0x3BB0;
	s22 =	simm.s32 $0x0  }
0x4: {  	s1 =	sand.u32 $0x1, s0;
	s12 =	sadd.s32 $0xC600, s6;
	s10 =	smul.u32 $0x28000, s25  }
0x5: {  	s5 =	sadd.s32 $0x29E00, s6;
	s11 =	sadd.s32 $0x2B200, s6;
	s15 =	smul.u32 $0xA000, s25  }
0x6: {  	s16 =	smul.u32 $0x2710, s25;
	s19 =	sadd.s32 $0x96000, s2;
	p0 =	seq.s32 s25, $0xF  }
0x7: {  	s3 =	sshll.u32 s1, $0x4;
	s9 =	ssub.s32 $0x2, s1;
	s13 =	smul.u32 $0x9C400, s1  }
0x8: {  	s1 =	smul.u32 $0x27100, s1;
	s19 =	sshrl.u32 @p0 s19, $0x3;
	s4 =	sor.u32 s25, s3  }
0x9: {  	s3 =	simm.s32 $0x0;
	s26 =	sshrl.u32 s9, $0x1;
	s28 =	sshrl.u32 s10, $0x2  }
0xa: {  	s21 =	sadd.s32 s15, s2;
	s4 =	smul.u32 $0x2710, s4;
	[smem:$0x7FF] =	sst s3  }
0xb: {  	s14 =	ssub.s32 s9, s26;
	s29 =	sadd.s32 s15, s13;
	s20 =	sadd.s32 s28, s2  }
0xc: {  	s31 =	sshrl.u32 s13, $0x3;
	s1 =	sadd.s32 s16, s1;
	s13 =	simm.s32 $0x3  }
0xd: {  	s15 =	simm.s32 $0x50;
	s21 =	sshrl.u32 @!p0 s21, $0x3;
	_ =	strace $0x8000004A  }
0xe: {  	s30 =	sshrl.u32 s29, $0x3;
	s10 =	sadd.s32 s11, s31;
	s1 =	sadd.s32 $0xA0, s1  }
0xf: {  	s20 =	sshrl.u32 @!p0 s20, $0x3;
	s7 =	sshrl.u32 s4, $0x3;
	s4 =	sadd.s32 $0x16400, s6  }
0x10: {  	s9 =	sadd.s32 s11, s30;
	s10 =	sadd.s32 $0x12C00, s10;
	s11 =	smax.u32 s14, $0x1  }
0x11: {  	s1 =	sshrl.u32 s1, $0x3;
	s8 =	sadd.s32 s7, s6;
	s6 =	sadd.s32 s12, s7  }
0x12: {  	s12 =	sadd.s32 s1, s12;
	s7 =	sadd.s32 $0x2800, s8;
	s8 =	sadd.s32 $0xA, s6  }
.LBB2_1:
0x13: {  	[tilespmem:s3], [sflag:$0x3] =	stream.linear.gather [hbm4b:s7+s3], $0x2710, $0x38;
	[tilespmem:$0xEBF0] =	vst v63  }
0x14: {  	_ =	swait.ge [sflag:s13], $0x2710  }
0x15: {  	[sflag:s13] =	ssyncset.done $0x0  }
0x16: {  	s0 =	simm.s32 $0x2710;
	[sflag:s13] =	ssyncadd.s32 $0xFFFFD8F0  }
0x17: {  	[tilespmem:s0], [sflag:$0x3] =	stream.linear.gather [hbm4b:s6+s3], $0x50, $0x38;
	[tilespmem:$0xEBF0] =	vst v63  }
0x18: {  	_ =	swait.ge [sflag:s13], $0x50  }
0x19: {  	[sflag:s13] =	ssyncset.done $0x0  }
0x1a: {  	s24 =	simm.s32 $0x27B0;
	[sflag:s13] =	ssyncadd.s32 $0xFFFFFFB0  }
0x1b: {  	[tilespmem:s24], [sflag:$0x1] =	stream.indirect.gather [hbm4b:s4+s15], $0x40, s3, s15, $0xb8;
	[tilespmem:$0xEBF0] =	vst v63  }
0x1c: {  	s25 =	simm.s32 $0x2760  }
0x1d: {  	[tilespmem:s25], [sflag:$0x3] =	stream.linear.gather [hbm4b:s8+s3], $0x50, $0x38;
	[tilespmem:$0xEBF0] =	vst v63  }
0x1e: {  	_ =	swait.ge [sflag:s13], $0x50  }
0x1f: {  	[sflag:s13] =	ssyncset.done $0x0  }
0x20: {  	s1 =	simm.s32 @p0 $0x1FC3;
	[sflag:s13] =	ssyncadd.s32 $0xFFFFFFB0  }
0x21: {  	[tilespmem:s18], [sflag:$0x2] =	stream.indirect.gather [hbm4b:s4+s15], $0x40, s15, s15, $0xb8;
	[tilespmem:$0xEBF0] =	vst v63  }
0x22: {  	[spmem:s19], [sflag:s1] =	dma.local @p0 [hbm:s5], $0xC80  }
0x23: {  	s1 =	simm.s32 @p0 $0x3  }
0x24: {  	s0 =	stileid.u32;
	_ =	swait.ge @p0 [sflag:s1], $0xC80  }
0x25: {  	s14 =	sshll.u32 @!p0 s0, $0x6;
	[sflag:s1] =	ssyncset.done @p0 $0x0  }
0x26: {  	s23 =	sor.u32 @!p0 $0x1C03, s14;
	[sflag:s1] =	ssyncadd.s32 @p0 $0xFFFFF380;
	s1 =	simm.s32 @!p0 $0x3  }
0x27: {  	[spmem:s20], [sflag:s23] =	dma.local @!p0 [hbm:s5], $0x1400  }
0x28: {  	_ =	swait.ge @!p0 [sflag:s1], $0x1400  }
0x29: {  	s26 =	sand.u32 $0x1, s3;
	[sflag:s1] =	ssyncset.done @!p0 $0x0  }
0x2a: {  	p1 =	seq.s32 s26, $0x1;
	[sflag:s1] =	ssyncadd.s32 @!p0 $0xFFFFEC00  }
0x2b: {  	s1 =	simm.s32 @p1 $0x2;
	[bflag:$0x0] =	sbarrier.arrive $0xFFFF  }
0x2c: {  	s26 =	simm.s32 @p1 $0x2760;
	_ =	swait.ge @p1 [sflag:s1], $0x1400  }
0x2d: {  	p2 =	por @p1 $0x0, $0x0;
	s14 =	simm.s32 @p1 $0x3BB0;
	[sflag:s1] =	ssyncset.done @p1 $0x0  }
0x2e: {  	s24 =	simm.s32 @p1 $0x3;
	s25 =	simm.s32 @p1 $0x50;
	[sflag:s1] =	ssyncadd.s32 @p1 $0xFFFFEC00  }
0x2f: {  	[spmem:s2] =	stream.indirect.scatter.add.f32 @p1 [tilespmem:s14], [sflag:$0x3], $0x40, s26, s25, $0xb8;
	[tilespmem:$0xEBF0] =	vst v63  }
0x30: {  	p2 =	por p2, !p1;
	_ =	swait.ge @p1 [sflag:s24], $0x1400  }
0x31: {  	s1 =	simm.s32 @!p2 $0x0;
	[sflag:s24] =	ssyncset.done @p1 $0x0  }
0x32: {  	s14 =	simm.s32 @!p2 $0x2760;
	[sflag:s24] =	ssyncadd.s32 @p1 $0xFFFFEC00;
	s24 =	simm.s32 @!p2 $0x3  }
0x33: {  	[tilespmem:s14], [sflag:$0x3] =	stream.linear.gather @!p2 [hbm4b:s12+s1], $0x50, $0x38;
	[tilespmem:$0xEBF0] =	vst v63  }
0x34: {  	_ =	swait.ge @!p2 [sflag:s24], $0x50  }
0x35: {  	s28 =	simm.s32 $0xA0;
	s1 =	simm.s32 @!p2 $0x50;
	[sflag:s24] =	ssyncset.done @!p2 $0x0  }
0x36: {  	s14 =	simm.s32 @!p2 $0x3BB0;
	[sflag:s24] =	ssyncadd.s32 @!p2 $0xFFFFFFB0;
	s24 =	simm.s32 @!p1 $0x1  }
0x37: {  	[tilespmem:s14], [sflag:$0x2] =	stream.indirect.gather @!p2 [hbm4b:s4+s1], $0x40, s28, s1, $0xb8;
	[tilespmem:$0xEBF0] =	vst v63  }
0x38: {  	s29 =	simm.s32 $0x2;
	s30 =	simm.s32 @!p1 $0x3;
	_ =	swait.ge @!p1 [sflag:s24], $0x1400  }
0x39: {  	s26 =	simm.s32 @!p1 $0x2710;
	s1 =	simm.s32 @!p1 $0x27B0;
	[sflag:s24] =	ssyncset.done @!p1 $0x0  }
0x3a: {  	s14 =	simm.s32 @!p1 $0x50;
	p2 =	por @!p1 $0x0, $0x0;
	[sflag:s24] =	ssyncadd.s32 @!p1 $0xFFFFEC00  }
0x3b: {  	[spmem:s2] =	stream.indirect.scatter.add.f32 @!p1 [tilespmem:s1], [sflag:$0x3], $0x40, s26, s14, $0xb8;
	[tilespmem:$0xEBF0] =	vst v63  }
0x3c: {  	s25 =	simm.s32 $0x1;
	p3 =	por p2, p1;
	_ =	swait.ge @!p1 [sflag:s30], $0x1400  }
0x3d: {  	s31 =	simm.s32 @!p3 $0x50;
	s24 =	simm.s32 $0xF0;
	[sflag:s30] =	ssyncset.done @!p1 $0x0  }
0x3e: {  	s1 =	simm.s32 @!p3 $0x0;
	s14 =	simm.s32 @!p3 $0x2710;
	[sflag:s30] =	ssyncadd.s32 @!p1 $0xFFFFEC00  }
0x3f: {  	[tilespmem:s14], [sflag:$0x3] =	stream.linear.gather @!p3 [hbm4b:s12+s1], $0x50, $0x38;
	[tilespmem:$0xEBF0] =	vst v63  }
0x40: {  	s26 =	sadd.s32 $0xA, s12;
	s30 =	sand.u32 $0x1, s25;
	s1 =	simm.s32 @!p3 $0x3  }
0x41: {  	p1 =	seq.s32 s30, $0x1;
	s14 =	simm.s32 @!p3 $0x27B0;
	_ =	swait.ge @!p3 [sflag:s1], $0x50  }
.LBB2_2:
0x42: {  	s0 =	simm.s32 @p1 $0x2;
	[sflag:s1] =	ssyncset.done @!p3 $0x0;
	s16 =	smov.u32 s25  }
0x43: {  	s25 =	smov.u32 s29;
	s29 =	sadd.s32 $0x1, s29;
	s30 =	smov.u32 s26  }
0x44: {  	p2 =	sne.s32 s29, $0x7D;
	[sflag:s1] =	ssyncadd.s32 @!p3 $0xFFFFFFB0  }
0x45: {  	[tilespmem:s14], [sflag:$0x1] =	stream.indirect.gather @!p3 [hbm4b:s4+s31], $0x40, s28, s31, $0xb8;
	[tilespmem:$0xEBF0] =	vst v63  }
0x46: {  	s1 =	simm.s32 @p1 $0x3BB0;
	s14 =	simm.s32 @p1 $0x3;
	_ =	swait.ge @p1 [sflag:s0], $0x1400  }
0x47: {  	s17 =	simm.s32 @p1 $0x2760;
	s31 =	simm.s32 @p1 $0x50;
	[sflag:s0] =	ssyncset.done @p1 $0x0  }
0x48: {  	p3 =	sgt.u32 @p1 s16, $0x7A;
	s28 =	smov.u32 s24;
	[sflag:s0] =	ssyncadd.s32 @p1 $0xFFFFEC00  }
0x49: {  	[spmem:s2] =	stream.indirect.scatter.add.f32 @p1 [tilespmem:s1], [sflag:$0x3], $0x40, s17, s31, $0xb8;
	[tilespmem:$0xEBF0] =	vst v63  }
0x4a: {  	p3 =	por p3, !p1;
	_ =	swait.ge @p1 [sflag:s14], $0x1400  }
0x4b: {  	s0 =	simm.s32 @!p3 $0x0;
	s1 =	simm.s32 @!p3 $0x2760;
	[sflag:s14] =	ssyncset.done @p1 $0x0  }
0x4c: {  	[sflag:s14] =	ssyncadd.s32 @p1 $0xFFFFEC00;
	s14 =	simm.s32 @!p3 $0x3  }
0x4d: {  	[tilespmem:s1], [sflag:$0x3] =	stream.linear.gather @!p3 [hbm4b:s26+s0], $0x50, $0x38;
	[tilespmem:$0xEBF0] =	vst v63  }
0x4e: {  	s24 =	sadd.s32 $0x50, s24;
	_ =	swait.ge @!p3 [sflag:s14], $0x50  }
0x4f: {  	s0 =	simm.s32 @!p3 $0x50;
	s1 =	simm.s32 @!p3 $0x3BB0;
	[sflag:s14] =	ssyncset.done @!p3 $0x0  }
0x50: {  	s26 =	sadd.s32 $0xA, s26;
	[sflag:s14] =	ssyncadd.s32 @!p3 $0xFFFFFFB0;
	s14 =	simm.s32 @!p1 $0x1  }
0x51: {  	[tilespmem:s1], [sflag:$0x2] =	stream.indirect.gather @!p3 [hbm4b:s4+s0], $0x40, s28, s0, $0xb8;
	[tilespmem:$0xEBF0] =	vst v63  }
0x52: {  	s0 =	sand.u32 $0x1, s25;
	s1 =	simm.s32 @!p1 $0x27B0;
	_ =	swait.ge @!p1 [sflag:s14], $0x1400  }
0x53: {  	s17 =	simm.s32 @!p1 $0x50;
	s31 =	simm.s32 @!p1 $0x2710;
	[sflag:s14] =	ssyncset.done @!p1 $0x0  }
0x54: {  	p3 =	sgt.u32 @!p1 s16, $0x7A;
	[sflag:s14] =	ssyncadd.s32 @!p1 $0xFFFFEC00;
	s14 =	simm.s32 @!p1 $0x3  }
0x55: {  	[spmem:s2] =	stream.indirect.scatter.add.f32 @!p1 [tilespmem:s1], [sflag:$0x3], $0x40, s31, s17, $0xb8;
	[tilespmem:$0xEBF0] =	vst v63  }
.Ltmp0:
0x56: {  	p3 =	por p3, p1;
	_ =	swait.ge @!p1 [sflag:s14], $0x1400;
	(pc) =	sbr.rel @p2 .LBB2_2-.Ltmp0, $4  }
0x57: {  	s16 =	simm.s32 @!p3 $0x0;
	s17 =	simm.s32 @!p3 $0x2710;
	[sflag:s14] =	ssyncset.done @!p1 $0x0  }
0x58: {  	s1 =	simm.s32 @!p3 $0x3;
	s31 =	simm.s32 @!p3 $0x50;
	[sflag:s14] =	ssyncadd.s32 @!p1 $0xFFFFEC00  }
0x59: {  	[tilespmem:s17], [sflag:$0x3] =	stream.linear.gather @!p3 [hbm4b:s30+s16], $0x50, $0x38;
	[tilespmem:$0xEBF0] =	vst v63  }
0x5a: {  	p1 =	seq.s32 s0, $0x1;
	s14 =	simm.s32 @!p3 $0x27B0;
	_ =	swait.ge @!p3 [sflag:s1], $0x50  }
0x5b: {  	[sflag:s1] =	ssyncset.done @!p3 $0x0  }
0x5c: {  	s0 =	simm.s32 @p1 $0x2;
	[sflag:s1] =	ssyncadd.s32 @!p3 $0xFFFFFFB0  }
0x5d: {  	[tilespmem:s14], [sflag:$0x1] =	stream.indirect.gather @!p3 [hbm4b:s4+s31], $0x40, s28, s31, $0xb8;
	[tilespmem:$0xEBF0] =	vst v63  }
0x5e: {  	s16 =	simm.s32 @p1 $0x50;
	_ =	swait.ge @p1 [sflag:s0], $0x1400  }
0x5f: {  	s17 =	simm.s32 @p1 $0x2760;
	p2 =	sgt.u32 @p1 s25, $0x7A;
	[sflag:s0] =	ssyncset.done @p1 $0x0  }
0x60: {  	s1 =	simm.s32 @p1 $0x3BB0;
	s14 =	simm.s32 @p1 $0x3;
	[sflag:s0] =	ssyncadd.s32 @p1 $0xFFFFEC00  }
0x61: {  	[spmem:s2] =	stream.indirect.scatter.add.f32 @p1 [tilespmem:s1], [sflag:$0x3], $0x40, s17, s16, $0xb8;
	[tilespmem:$0xEBF0] =	vst v63  }
0x62: {  	p2 =	por p2, !p1;
	_ =	swait.ge @p1 [sflag:s14], $0x1400  }
0x63: {  	s0 =	simm.s32 @!p2 $0x0;
	[sflag:s14] =	ssyncset.done @p1 $0x0  }
0x64: {  	s1 =	simm.s32 @!p2 $0x2760;
	[sflag:s14] =	ssyncadd.s32 @p1 $0xFFFFEC00;
	s14 =	simm.s32 @!p2 $0x3  }
0x65: {  	[tilespmem:s1], [sflag:$0x3] =	stream.linear.gather @!p2 [hbm4b:s26+s0], $0x50, $0x38;
	[tilespmem:$0xEBF0] =	vst v63  }
0x66: {  	_ =	swait.ge @!p2 [sflag:s14], $0x50  }
0x67: {  	s0 =	simm.s32 @!p2 $0x50;
	[sflag:s14] =	ssyncset.done @!p2 $0x0  }
0x68: {  	s1 =	simm.s32 @!p2 $0x3BB0;
	[sflag:s14] =	ssyncadd.s32 @!p2 $0xFFFFFFB0;
	s14 =	simm.s32 @!p1 $0x1  }
0x69: {  	[tilespmem:s1], [sflag:$0x2] =	stream.indirect.gather @!p2 [hbm4b:s4+s0], $0x40, s24, s0, $0xb8;
	[tilespmem:$0xEBF0] =	vst v63  }
0x6a: {  	s16 =	simm.s32 @!p1 $0x2710;
	_ =	swait.ge @!p1 [sflag:s14], $0x1400  }
0x6b: {  	s0 =	simm.s32 @!p1 $0x27B0;
	s1 =	simm.s32 @!p1 $0x50;
	[sflag:s14] =	ssyncset.done @!p1 $0x0  }
0x6c: {  	p2 =	sgt.u32 @!p1 s25, $0x7A;
	[sflag:s14] =	ssyncadd.s32 @!p1 $0xFFFFEC00;
	s14 =	simm.s32 @!p1 $0x3  }
0x6d: {  	[spmem:s2] =	stream.indirect.scatter.add.f32 @!p1 [tilespmem:s0], [sflag:$0x3], $0x40, s16, s1, $0xb8;
	[tilespmem:$0xEBF0] =	vst v63  }
0x6e: {  	p2 =	por p2, p1;
	_ =	swait.ge @!p1 [sflag:s14], $0x1400  }
0x6f: {  	s0 =	simm.s32 @!p2 $0x0;
	[sflag:s14] =	ssyncset.done @!p1 $0x0  }
0x70: {  	s1 =	simm.s32 @!p2 $0x2710;
	[sflag:s14] =	ssyncadd.s32 @!p1 $0xFFFFEC00;
	s14 =	simm.s32 @!p2 $0x3  }
0x71: {  	[tilespmem:s1], [sflag:$0x3] =	stream.linear.gather @!p2 [hbm4b:s26+s0], $0x50, $0x38;
	[tilespmem:$0xEBF0] =	vst v63  }
0x72: {  	_ =	swait.ge @!p2 [sflag:s14], $0x50  }
0x73: {  	[sflag:s14] =	ssyncset.done @!p2 $0x0  }
0x74: {  	s0 =	simm.s32 @!p2 $0x50;
	s1 =	simm.s32 @!p2 $0x27B0;
	[sflag:s14] =	ssyncadd.s32 @!p2 $0xFFFFFFB0  }
0x75: {  	[tilespmem:s1], [sflag:$0x1] =	stream.indirect.gather @!p2 [hbm4b:s4+s0], $0x40, s24, s0, $0xb8;
	[tilespmem:$0xEBF0] =	vst v63  }
0x76: {  	s0 =	simm.s32 @p0 $0x1FC3;
	[bflag:$0x0] =	sbarrier.arrive $0xFFFF  }
0x77: {  	[hbm:s10], [sflag:s0] =	dma.local @p0 [spmem:s19], $0xC80  }
0x78: {  	s0 =	simm.s32 @p0 $0x3  }
0x79: {  	s22 =	sadd.s32 $0x1, s22;
	_ =	swait.ge @p0 [sflag:s0], $0xC80  }
0x7a: {  	p1 =	sne.s32 s22, s11;
	[sflag:s0] =	ssyncset.done @p0 $0x0  }
.Ltmp1:
0x7b: {  	[sflag:s0] =	ssyncadd.s32 @p0 $0xFFFFF380;
	s0 =	simm.s32 @!p0 $0x3;
	(pc) =	sbr.rel @p1 .LBB2_1-.Ltmp1, $4  }
0x7c: {  	[hbm:s9], [sflag:s23] =	dma.local @!p0 [spmem:s21], $0x1400  }
0x7d: {  	_ =	swait.ge @!p0 [sflag:s0], $0x1400  }
0x7e: {  	[sflag:s0] =	ssyncset.done @!p0 $0x0  }
0x7f: {  	[sflag:s0] =	ssyncadd.s32 @!p0 $0xFFFFEC00  }
0x80: {  	_ =	sfence.sel $0x180000  }
0x81: {  	[bflag:$0x0] =	sbarrier.arrive $0xFFFF  }
0x82: {  	_ =	strace $0x9000004A  }
0x83: {  	s0 =	stileid.u32;
	[bflag:$0x2] =	sbarrier.arrive $0xFFFF  }
0x84: {  	p0 =	sne.s32 s0, $0x0;
	s0 =	rddreg [dreg:$0x2]  }
0x85: {  	s0 =	sadd.s32 @!p0 $0x100000, s0  }
0x86: {  	[sflag:s0] =	ssyncadd.tile.s32 @!p0 $0x1;
	_ =	shalt  }
.Lfunc_end2:
_tile_overlayer_lowered:
.L_overlay_start_2:
0x87: {  	(tag) =	ssettag $0x2  }
0x88: {  	s0 =	rddreg [dreg:$0x0];
	s2 =	stileid.u32  }
0x89: {  	s1 =	rddreg [dreg:$0x1];
	p0 =	sne.s32 s2, $0x0  }
0x8a: {  	s3 =	rddreg [dreg:$0x2];
	[bflag:$0x3] =	sbarrier.arrive $0xFFFF;
	s2 =	simm.s32 @!p0 $0x1C03  }
0x8b: {  	[timem:s3], [sflag:s2] =	dma.local @!p0 [hbm:s0], s1  }
0x8c: {  	s0 =	simm.s32 @!p0 $0x3  }
0x8d: {  	_ =	swait.ge @!p0 [sflag:s0], s1  }
0x8e: {  	s1 =	ssub.s32 @!p0 $0x0, s1;
	[sflag:s0] =	ssyncset.done @!p0 $0x0  }
0x8f: {  	[sflag:s0] =	ssyncadd.s32 @!p0 s1  }
0x90: {  	[bflag:$0x3] =	sbarrier.arrive $0xFFFF  }
0x91: {  	_ =	shalt  }

// kernel: kernel.18.cloned.1.call-start
scs
__scs_entry_jumppad:
0x0: {  	(pc) =	sbr.rel $0x88, $3  }
0x1: {  	(tag) =	ssettag $0x0;
	lr =	simm.s32 $0x1  }
0x2: {  	[smem:$0x3F96] =	sst lr;
	_ =	strace $0xD0000000  }
0x3: {  	_ = 	snop  }
0x4: {  	_ = 	snop  }
0x5: {  	_ = 	snop  }
0x6: {  	_ = 	snop  }
0x7: {  	_ = 	snop  }
__scs_overlays_trampoline_lowered:
0x8: {  	[smem:$0x3FA5] =	sst s0  }
0x9: {  	[smem:$0x3FA6] =	sst s1  }
0xa: {  	[smem:$0x3FA7] =	sst s2  }
0xb: {  	[smem:$0x3FA8] =	sst s3  }
0xc: {  	[smem:$0x3FA9] =	sst s4  }
0xd: {  	[smem:$0x3FAA] =	sst s5  }
0xe: {  	[smem:$0x3FAB] =	sst s6  }
0xf: {  	[smem:$0x3FAC] =	sst s7  }
0x10: {  	[smem:$0x3FAD] =	sst s8  }
0x11: {  	[smem:$0x3FAE] =	sst s9;
	s0 =	simm.s32 @!p0 $0x0  }
0x12: {  	s1 =	sld [smem:$0x3F94];
	s0 =	simm.s32 @p0 $0x1  }
0x13: {  	[smem:$0x3FAF] =	sst s0;
	s0 =	simm.s32 @!p1 $0x0  }
0x14: {  	s2 =	sld [smem:$0x3F93];
	s0 =	simm.s32 @p1 $0x1  }
0x15: {  	[smem:$0x3FB0] =	sst s0;
	s0 =	simm.s32 @!p2 $0x0  }
0x16: {  	s3 =	sld [smem:$0x3FDB];
	s0 =	simm.s32 @p2 $0x1  }
0x17: {  	s4 =	simm.s32 $0x1BF5;
	[smem:$0x3FB2] =	sst s0  }
0x18: {  	s0 =	sld [smem:$0x3F95];
	_ =	swait.ge [sflag:s4], $0x0  }
0x19: {  	s7 =	sld [smem:$0x3F96]  }
0x1a: {  	s8 =	sadd.s32 $0xFFFFE003, lr  }
0x1b: {  	s9 =	sadd.s32 $0xFFFFFEF7, lr;
	s5 =	simm.s32 $0xFFFFFFFF;
	p2 =	slt.u32 s8, $0xFFFFF086  }
0x1c: {  	p1 =	slt.u32 s9, $0xF7A;
	s5 =	simm.s32 @!p2 $0x0  }
0x1d: {  	s5 =	simm.s32 @p1 $0x1;
	p0 =	seq.s32 s7, s2  }
0x1e: {  	s7 =	smul.u32 @!p0 $0xF7A, s2;
	p2 =	seq.s32 @!p0 s5, $0x0  }
0x1f: {  	s9 =	smul.u32 $0xF7A, s1;
	s8 =	simm.s32 @!p0 $0x1BF5;
	p2 =	por !p2, p0  }
0x20: {  	[sflag:s8] =	ssyncset.s32 @!p0 $0xFFFFF086;
	s6 =	sadd.s32 @!p0 s3, s7;
	s7 =	simm.s32 @!p0 $0x108  }
0x21: {  	s3 =	sadd.s32 s3, s9;
	s6 =	sadd.s32 @!p0 $0x88, s6;
	s7 =	simm.s32 @p2 $0x1082  }
0x22: {  	[simem:s7], [sflag:s8] =	dma.local @!p0 [hbm:s6], $0xF7A  }
0x23: {  	s9 =	sor.u32 $0xD0000000, s2;
	s6 =	simm.s32 $0x108;
	_ =	swait.ge @!p0 [sflag:s8], $0x0  }
0x24: {  	s3 =	sadd.s32 $0x88, s3;
	s6 =	simm.s32 @!p1 $0x1082;
	[sflag:s4] =	ssyncset.s32 $0xFFFFF086  }
0x25: {  	[simem:s6], [sflag:s4] =	dma.local [hbm:s3], $0xF7A  }
0x26: {  	[smem:$0x3F96] =	sst s1;
	(tag) =	ssettag s2;
	_ =	strace s9  }
0x27: {  	s1 =	sld [smem:$0x3FA6]  }
0x28: {  	s2 =	sld [smem:$0x3FA7]  }
0x29: {  	s4 =	sld [smem:$0x3FA9]  }
0x2a: {  	p0 =	seq.s32 s5, $0x0;
	s5 =	sld [smem:$0x3FAA]  }
0x2b: {  	s6 =	sld [smem:$0x3FAB]  }
0x2c: {  	s7 =	sld [smem:$0x3FAC]  }
0x2d: {  	s3 =	simm.s32 $0x108;
	s8 =	sld [smem:$0x3FAD]  }
0x2e: {  	s3 =	simm.s32 @!p0 $0x1082;
	s9 =	sld [smem:$0x3FAE]  }
0x2f: {  	lr =	sadd.s32 s0, s3;
	s0 =	sld [smem:$0x3FA5]  }
0x30: {  	s3 =	sld [smem:$0x3FA8]  }
0x31: {  	[smem:$0x3FB1] =	sst s10  }
0x32: {  	s10 =	sld [smem:$0x3FAF];
	_ =	sdelay $0x3  }
0x33: {  	p0 =	seq.s32 s10, $0x1;
	s10 =	sld [smem:$0x3FB1];
	_ =	sdelay $0x3  }
0x34: {  	[smem:$0x3FB1] =	sst s10  }
0x35: {  	s10 =	sld [smem:$0x3FB0];
	_ =	sdelay $0x3  }
0x36: {  	p1 =	seq.s32 s10, $0x1;
	s10 =	sld [smem:$0x3FB1];
	_ =	sdelay $0x3  }
0x37: {  	[smem:$0x3FB1] =	sst s10  }
0x38: {  	s10 =	sld [smem:$0x3FB2]  }
0x39: {  	_ = 	snop;
	(pc) =	sbr.ind lr, $3  }
0x3a: {  	_ = 	snop  }
0x3b: {  	_ = 	snop  }
0x3c: {  	p2 =	seq.s32 s10, $0x1;
	s10 =	sld [smem:$0x3FB1]  }
0x3d: {  	_ =	shalt  }
0x3e: {  	_ =	shalt  }
0x3f: {  	_ =	shalt  }
0x40: {  	_ =	shalt  }
0x41: {  	_ =	shalt  }
0x42: {  	_ =	shalt  }
0x43: {  	_ =	shalt  }
0x44: {  	_ =	shalt  }
0x45: {  	_ =	shalt  }
0x46: {  	_ =	shalt  }
0x47: {  	_ =	shalt  }
0x48: {  	_ =	shalt  }
0x49: {  	_ =	shalt  }
0x4a: {  	_ =	shalt  }
0x4b: {  	_ =	shalt  }
0x4c: {  	_ =	shalt  }
0x4d: {  	_ =	shalt  }
0x4e: {  	_ =	shalt  }
0x4f: {  	_ =	shalt  }
0x50: {  	_ =	shalt  }
0x51: {  	_ =	shalt  }
0x52: {  	_ =	shalt  }
0x53: {  	_ =	shalt  }
0x54: {  	_ =	shalt  }
0x55: {  	_ =	shalt  }
0x56: {  	_ =	shalt  }
0x57: {  	_ =	shalt  }
0x58: {  	_ =	shalt  }
0x59: {  	_ =	shalt  }
0x5a: {  	_ =	shalt  }
0x5b: {  	_ =	shalt  }
0x5c: {  	_ =	shalt  }
0x5d: {  	_ =	shalt  }
0x5e: {  	_ =	shalt  }
0x5f: {  	_ =	shalt  }
0x60: {  	_ =	shalt  }
0x61: {  	_ =	shalt  }
0x62: {  	_ =	shalt  }
0x63: {  	_ =	shalt  }
0x64: {  	_ =	shalt  }
0x65: {  	_ =	shalt  }
0x66: {  	_ =	shalt  }
0x67: {  	_ =	shalt  }
0x68: {  	_ =	shalt  }
0x69: {  	_ =	shalt  }
0x6a: {  	_ =	shalt  }
0x6b: {  	_ =	shalt  }
0x6c: {  	_ =	shalt  }
0x6d: {  	_ =	shalt  }
0x6e: {  	_ =	shalt  }
0x6f: {  	_ =	shalt  }
0x70: {  	_ =	shalt  }
0x71: {  	_ =	shalt  }
0x72: {  	_ =	shalt  }
0x73: {  	_ =	shalt  }
0x74: {  	_ =	shalt  }
0x75: {  	_ =	shalt  }
0x76: {  	_ =	shalt  }
0x77: {  	_ =	shalt  }
0x78: {  	_ =	shalt  }
0x79: {  	_ =	shalt  }
0x7a: {  	_ =	shalt  }
0x7b: {  	_ =	shalt  }
0x7c: {  	_ =	shalt  }
0x7d: {  	_ =	shalt  }
0x7e: {  	_ =	shalt  }
0x7f: {  	_ =	shalt  }
0x80: {  	_ =	shalt  }
0x81: {  	_ =	shalt  }
0x82: {  	_ =	shalt  }
0x83: {  	_ =	shalt  }
0x84: {  	_ =	shalt  }
0x85: {  	_ =	shalt  }
0x86: {  	_ =	shalt  }
0x87: {  	_ =	shalt  }
.Lfunc_end0:
.L_simem_size_0:
called_computation.2_lowered:
.L_overlay_start_0:
0x88: {  	s2 =	sld [smem:$0x3FD9]  }
0x89: {  	s3 =	sld [smem:$0x3FFE];
	_ =	sdelay $0x1  }
0x8a: {  	s1 =	srdreg.scid  }
0x8b: {  	s0 =	sand.u32 $0x1, s1  }
0x8c: {  	s16 =	sshll.u32 s0, $0xA;
	s2 =	sadd.s32 s3, s2  }
0x8d: {  	s2 =	sadd.s32 s2, s16  }
0x8e: {  	[smem:$0x3FBD] =	sst s2  }
0x8f: {  	_ = 	snop  }
0x90: {  	(tm) =	ssettm $0x1  }
0x91: {  	s17 =	sld [smem:$0x3FFB];
	_ =	sdelay $0x3  }
0x92: {  	_ =	strace s17  }
0x93: {  	s2 =	sld [smem:$0x3FFC];
	_ =	sdelay $0x3  }
0x94: {  	_ =	strace s2  }
0x95: {  	s2 =	sld [smem:$0x3FFD];
	_ =	sdelay $0x3  }
0x96: {  	_ =	strace s2  }
0x97: {  	_ =	strace $0x8FFFFFFF  }
0x98: {  	s18 =	sld [smem:$0x3FDB];
	_ =	sdelay $0x1  }
0x99: {  	s19 =	simm.s32 $_scs_section_size  }
0x9a: {  	s4 =	simm.s32 $_size__tile_overlayer_lowered;
	s5 =	simm.s32 $_tile_overlayer_lowered  }
0x9b: {  	s22 =	simm.s32 $0x1BFF;
	s21 =	sshll.u32 s5, $0x1;
	s2 =	sadd.s32 s19, s18  }
0x9c: {  	s6 =	simm.s32 $0x0;
	s20 =	sshll.u32 s4, $0x1;
	s4 =	sadd.s32 s21, s2  }
0x9d: {  	[timem:s6], [sflag:s22] =	dma.local [hbm:s4], s20  }
0x9e: {  	_ =	swait.ge [sflag:s22], s20  }
0x9f: {  	s3 =	ssub.s32 $0x0, s20;
	[sflag:s22] =	ssyncset.done $0x0  }
0xa0: {  	[sflag:s22] =	ssyncadd.s32 s3;
	_ =	sdelay $0x1  }
0xa1: {  	s23 =	simm.s32 $0x1B8B  }
0xa2: {  	_ =	swait.ge [sflag:s23], $0x1  }
0xa3: {  	[sflag:s23] =	ssyncset.done $0x0  }
0xa4: {  	s25 =	simm.s32 $0x1B8E;
	s24 =	sld [smem:$0x3FFE];
	[sflag:s23] =	ssyncadd.s32 $0xFFFFFFFF  }
0xa5: {  	s26 =	simm.s32 $execute0_lowered;
	[smem:$0x3FD2] =	sst s25  }
0xa6: {  	s4 =	sshll.u32 s26, $0x1;
	_ =	strace $0x8000004C;
	[dreg:$0x1] =	wrdreg $0xFFFFFFFF  }
0xa7: {  	s28 =	simm.s32 $_size_execute0_lowered;
	s2 =	sadd.s32 s2, s4;
	[dreg:$0x0] =	wrdreg $0x0  }
0xa8: {  	s4 =	sshll.u32 s28, $0x1;
	[dreg:$0x2] =	wrdreg s2  }
0xa9: {  	[dreg:$0x3] =	wrdreg s4  }
0xaa: {  	[dreg:$0x4] =	wrdreg $0xC0  }
0xab: {  	_ =	task [dreg:s6], $0x5FFFF  }
0xac: {  	[dreg:$0x1] =	wrdreg $0xFFFFFFFF  }
0xad: {  	[dreg:$0x0] =	wrdreg $0x60  }
0xae: {  	[dreg:$0x2] =	wrdreg s24  }
0xaf: {  	[dreg:$0x3] =	wrdreg $0x4FB00  }
0xb0: {  	[dreg:$0x4] =	wrdreg $0x9  }
0xb1: {  	_ =	task.clear_ibuf [dreg:s6], $0x5FFFF;
	_ =	strace $0x9000004C  }
0xb2: {  	s29 =	simm.s32 $0x9;
	_ =	strace $0x8000004E  }
0xb3: {  	_ =	swait.ge [sflag:s29], $0x1  }
0xb4: {  	[sflag:s29] =	ssyncadd.s32 $0xFFFFFFFF  }
0xb5: {  	_ =	strace $0x9000004E  }
0xb6: {  	_ =	sfence  }
0xb7: {  	s30 =	sld [smem:$0x0];
	_ =	sdelay $0x2  }
0xb8: {  	s31 =	sshll.u32 s1, $0xD;
	s1 =	sshrl.u32 s1, $0x2  }
0xb9: {  	s3 =	sand.u32 $0x4000, s31;
	s1 =	sadd.s32 s1, s30  }
0xba: {  	s0 =	sor.u32 s3, s0;
	s1 =	sshll.u32 s1, $0x11  }
0xbb: {  	s0 =	sor.u32 s1, s0  }
0xbc: {  	s0 =	sadd.s32 $0x8F2B, s0  }
0xbd: {  	[sflag:s0] =	ssyncadd.remote.s32 $0x1  }
0xbe: {  	_ =	sfence.sel $0xFFFF  }
0xbf: {  	[dreg:$0x0] =	wrdreg $0xFFFFFFFF;
	(pc) =	sbr.abs _section_cstart, $3  }
0xc0: {  	[dreg:$0x1] =	wrdreg $0xFFFFFFFF  }
0xc1: {  	_ =	task.clear_ibuf [dreg:s6], $0x2FFFF;
	_ =	strace $0x9FFFFFFF  }
0xc2: {  	(tm) =	ssettm $0x7FFFFFFF  }
0xc3: {  	_ =	shalt  }
tec
execute0_lowered:
.L_overlay_start_1:
0x0: {  	(tag) =	ssettag $0x1  }
0x1: {  	s0 =	srdreg.scid  }
0x2: {  	s6 =	rddreg [dreg:$0x0];
	s25 =	stileid.u32  }
0x3: {  	s2 =	rddreg [dreg:$0x1];
	s18 =	simm.s32 $0x3BB0;
	s22 =	simm.s32 $0x0  }
0x4: {  	s1 =	sand.u32 $0x1, s0;
	s12 =	sadd.s32 $0xC600, s6;
	s10 =	smul.u32 $0x28000, s25  }
0x5: {  	s5 =	sadd.s32 $0x29E00, s6;
	s11 =	sadd.s32 $0x2B200, s6;
	s15 =	smul.u32 $0xA000, s25  }
0x6: {  	s16 =	smul.u32 $0x2710, s25;
	s19 =	sadd.s32 $0x96000, s2;
	p0 =	seq.s32 s25, $0xF  }
0x7: {  	s3 =	sshll.u32 s1, $0x4;
	s9 =	ssub.s32 $0x2, s1;
	s13 =	smul.u32 $0x9C400, s1  }
0x8: {  	s1 =	smul.u32 $0x27100, s1;
	s19 =	sshrl.u32 @p0 s19, $0x3;
	s4 =	sor.u32 s25, s3  }
0x9: {  	s3 =	simm.s32 $0x0;
	s26 =	sshrl.u32 s9, $0x1;
	s28 =	sshrl.u32 s10, $0x2  }
0xa: {  	s21 =	sadd.s32 s15, s2;
	s4 =	smul.u32 $0x2710, s4;
	[smem:$0x7FF] =	sst s3  }
0xb: {  	s14 =	ssub.s32 s9, s26;
	s29 =	sadd.s32 s15, s13;
	s20 =	sadd.s32 s28, s2  }
0xc: {  	s31 =	sshrl.u32 s13, $0x3;
	s1 =	sadd.s32 s16, s1;
	s13 =	simm.s32 $0x3  }
0xd: {  	s15 =	simm.s32 $0x50;
	s21 =	sshrl.u32 @!p0 s21, $0x3;
	_ =	strace $0x8000004D  }
0xe: {  	s30 =	sshrl.u32 s29, $0x3;
	s10 =	sadd.s32 s11, s31;
	s1 =	sadd.s32 $0xA0, s1  }
0xf: {  	s20 =	sshrl.u32 @!p0 s20, $0x3;
	s7 =	sshrl.u32 s4, $0x3;
	s4 =	sadd.s32 $0x16400, s6  }
0x10: {  	s9 =	sadd.s32 s11, s30;
	s10 =	sadd.s32 $0x12C00, s10;
	s11 =	smax.u32 s14, $0x1  }
0x11: {  	s1 =	sshrl.u32 s1, $0x3;
	s8 =	sadd.s32 s7, s6;
	s6 =	sadd.s32 s12, s7  }
0x12: {  	s12 =	sadd.s32 s1, s12;
	s7 =	sadd.s32 $0x2800, s8;
	s8 =	sadd.s32 $0xA, s6  }
.LBB2_1:
0x13: {  	[tilespmem:s3], [sflag:$0x3] =	stream.linear.gather [hbm4b:s7+s3], $0x2710, $0x38;
	[tilespmem:$0xEBF0] =	vst v63  }
0x14: {  	_ =	swait.ge [sflag:s13], $0x2710  }
0x15: {  	[sflag:s13] =	ssyncset.done $0x0  }
0x16: {  	s0 =	simm.s32 $0x2710;
	[sflag:s13] =	ssyncadd.s32 $0xFFFFD8F0  }
0x17: {  	[tilespmem:s0], [sflag:$0x3] =	stream.linear.gather [hbm4b:s6+s3], $0x50, $0x38;
	[tilespmem:$0xEBF0] =	vst v63  }
0x18: {  	_ =	swait.ge [sflag:s13], $0x50  }
0x19: {  	[sflag:s13] =	ssyncset.done $0x0  }
0x1a: {  	s24 =	simm.s32 $0x27B0;
	[sflag:s13] =	ssyncadd.s32 $0xFFFFFFB0  }
0x1b: {  	[tilespmem:s24], [sflag:$0x1] =	stream.indirect.gather [hbm4b:s4+s15], $0x40, s3, s15, $0xb8;
	[tilespmem:$0xEBF0] =	vst v63  }
0x1c: {  	s25 =	simm.s32 $0x2760  }
0x1d: {  	[tilespmem:s25], [sflag:$0x3] =	stream.linear.gather [hbm4b:s8+s3], $0x50, $0x38;
	[tilespmem:$0xEBF0] =	vst v63  }
0x1e: {  	_ =	swait.ge [sflag:s13], $0x50  }
0x1f: {  	[sflag:s13] =	ssyncset.done $0x0  }
0x20: {  	s1 =	simm.s32 @p0 $0x1FC3;
	[sflag:s13] =	ssyncadd.s32 $0xFFFFFFB0  }
0x21: {  	[tilespmem:s18], [sflag:$0x2] =	stream.indirect.gather [hbm4b:s4+s15], $0x40, s15, s15, $0xb8;
	[tilespmem:$0xEBF0] =	vst v63  }
0x22: {  	[spmem:s19], [sflag:s1] =	dma.local @p0 [hbm:s5], $0xC80  }
0x23: {  	s1 =	simm.s32 @p0 $0x3  }
0x24: {  	s0 =	stileid.u32;
	_ =	swait.ge @p0 [sflag:s1], $0xC80  }
0x25: {  	s14 =	sshll.u32 @!p0 s0, $0x6;
	[sflag:s1] =	ssyncset.done @p0 $0x0  }
0x26: {  	s23 =	sor.u32 @!p0 $0x1C03, s14;
	[sflag:s1] =	ssyncadd.s32 @p0 $0xFFFFF380;
	s1 =	simm.s32 @!p0 $0x3  }
0x27: {  	[spmem:s20], [sflag:s23] =	dma.local @!p0 [hbm:s5], $0x1400  }
0x28: {  	_ =	swait.ge @!p0 [sflag:s1], $0x1400  }
0x29: {  	s26 =	sand.u32 $0x1, s3;
	[sflag:s1] =	ssyncset.done @!p0 $0x0  }
0x2a: {  	p1 =	seq.s32 s26, $0x1;
	[sflag:s1] =	ssyncadd.s32 @!p0 $0xFFFFEC00  }
0x2b: {  	s1 =	simm.s32 @p1 $0x2;
	[bflag:$0x0] =	sbarrier.arrive $0xFFFF  }
0x2c: {  	s26 =	simm.s32 @p1 $0x2760;
	_ =	swait.ge @p1 [sflag:s1], $0x1400  }
0x2d: {  	p2 =	por @p1 $0x0, $0x0;
	s14 =	simm.s32 @p1 $0x3BB0;
	[sflag:s1] =	ssyncset.done @p1 $0x0  }
0x2e: {  	s24 =	simm.s32 @p1 $0x3;
	s25 =	simm.s32 @p1 $0x50;
	[sflag:s1] =	ssyncadd.s32 @p1 $0xFFFFEC00  }
0x2f: {  	[spmem:s2] =	stream.indirect.scatter.add.f32 @p1 [tilespmem:s14], [sflag:$0x3], $0x40, s26, s25, $0xb8;
	[tilespmem:$0xEBF0] =	vst v63  }
0x30: {  	p2 =	por p2, !p1;
	_ =	swait.ge @p1 [sflag:s24], $0x1400  }
0x31: {  	s1 =	simm.s32 @!p2 $0x0;
	[sflag:s24] =	ssyncset.done @p1 $0x0  }
0x32: {  	s14 =	simm.s32 @!p2 $0x2760;
	[sflag:s24] =	ssyncadd.s32 @p1 $0xFFFFEC00;
	s24 =	simm.s32 @!p2 $0x3  }
0x33: {  	[tilespmem:s14], [sflag:$0x3] =	stream.linear.gather @!p2 [hbm4b:s12+s1], $0x50, $0x38;
	[tilespmem:$0xEBF0] =	vst v63  }
0x34: {  	_ =	swait.ge @!p2 [sflag:s24], $0x50  }
0x35: {  	s28 =	simm.s32 $0xA0;
	s1 =	simm.s32 @!p2 $0x50;
	[sflag:s24] =	ssyncset.done @!p2 $0x0  }
0x36: {  	s14 =	simm.s32 @!p2 $0x3BB0;
	[sflag:s24] =	ssyncadd.s32 @!p2 $0xFFFFFFB0;
	s24 =	simm.s32 @!p1 $0x1  }
0x37: {  	[tilespmem:s14], [sflag:$0x2] =	stream.indirect.gather @!p2 [hbm4b:s4+s1], $0x40, s28, s1, $0xb8;
	[tilespmem:$0xEBF0] =	vst v63  }
0x38: {  	s29 =	simm.s32 $0x2;
	s30 =	simm.s32 @!p1 $0x3;
	_ =	swait.ge @!p1 [sflag:s24], $0x1400  }
0x39: {  	s26 =	simm.s32 @!p1 $0x2710;
	s1 =	simm.s32 @!p1 $0x27B0;
	[sflag:s24] =	ssyncset.done @!p1 $0x0  }
0x3a: {  	s14 =	simm.s32 @!p1 $0x50;
	p2 =	por @!p1 $0x0, $0x0;
	[sflag:s24] =	ssyncadd.s32 @!p1 $0xFFFFEC00  }
0x3b: {  	[spmem:s2] =	stream.indirect.scatter.add.f32 @!p1 [tilespmem:s1], [sflag:$0x3], $0x40, s26, s14, $0xb8;
	[tilespmem:$0xEBF0] =	vst v63  }
0x3c: {  	s25 =	simm.s32 $0x1;
	p3 =	por p2, p1;
	_ =	swait.ge @!p1 [sflag:s30], $0x1400  }
0x3d: {  	s31 =	simm.s32 @!p3 $0x50;
	s24 =	simm.s32 $0xF0;
	[sflag:s30] =	ssyncset.done @!p1 $0x0  }
0x3e: {  	s1 =	simm.s32 @!p3 $0x0;
	s14 =	simm.s32 @!p3 $0x2710;
	[sflag:s30] =	ssyncadd.s32 @!p1 $0xFFFFEC00  }
0x3f: {  	[tilespmem:s14], [sflag:$0x3] =	stream.linear.gather @!p3 [hbm4b:s12+s1], $0x50, $0x38;
	[tilespmem:$0xEBF0] =	vst v63  }
0x40: {  	s26 =	sadd.s32 $0xA, s12;
	s30 =	sand.u32 $0x1, s25;
	s1 =	simm.s32 @!p3 $0x3  }
0x41: {  	p1 =	seq.s32 s30, $0x1;
	s14 =	simm.s32 @!p3 $0x27B0;
	_ =	swait.ge @!p3 [sflag:s1], $0x50  }
.LBB2_2:
0x42: {  	s0 =	simm.s32 @p1 $0x2;
	[sflag:s1] =	ssyncset.done @!p3 $0x0;
	s16 =	smov.u32 s25  }
0x43: {  	s25 =	smov.u32 s29;
	s29 =	sadd.s32 $0x1, s29;
	s30 =	smov.u32 s26  }
0x44: {  	p2 =	sne.s32 s29, $0x7D;
	[sflag:s1] =	ssyncadd.s32 @!p3 $0xFFFFFFB0  }
0x45: {  	[tilespmem:s14], [sflag:$0x1] =	stream.indirect.gather @!p3 [hbm4b:s4+s31], $0x40, s28, s31, $0xb8;
	[tilespmem:$0xEBF0] =	vst v63  }
0x46: {  	s1 =	simm.s32 @p1 $0x3BB0;
	s14 =	simm.s32 @p1 $0x3;
	_ =	swait.ge @p1 [sflag:s0], $0x1400  }
0x47: {  	s17 =	simm.s32 @p1 $0x2760;
	s31 =	simm.s32 @p1 $0x50;
	[sflag:s0] =	ssyncset.done @p1 $0x0  }
0x48: {  	p3 =	sgt.u32 @p1 s16, $0x7A;
	s28 =	smov.u32 s24;
	[sflag:s0] =	ssyncadd.s32 @p1 $0xFFFFEC00  }
0x49: {  	[spmem:s2] =	stream.indirect.scatter.add.f32 @p1 [tilespmem:s1], [sflag:$0x3], $0x40, s17, s31, $0xb8;
	[tilespmem:$0xEBF0] =	vst v63  }
0x4a: {  	p3 =	por p3, !p1;
	_ =	swait.ge @p1 [sflag:s14], $0x1400  }
0x4b: {  	s0 =	simm.s32 @!p3 $0x0;
	s1 =	simm.s32 @!p3 $0x2760;
	[sflag:s14] =	ssyncset.done @p1 $0x0  }
0x4c: {  	[sflag:s14] =	ssyncadd.s32 @p1 $0xFFFFEC00;
	s14 =	simm.s32 @!p3 $0x3  }
0x4d: {  	[tilespmem:s1], [sflag:$0x3] =	stream.linear.gather @!p3 [hbm4b:s26+s0], $0x50, $0x38;
	[tilespmem:$0xEBF0] =	vst v63  }
0x4e: {  	s24 =	sadd.s32 $0x50, s24;
	_ =	swait.ge @!p3 [sflag:s14], $0x50  }
0x4f: {  	s0 =	simm.s32 @!p3 $0x50;
	s1 =	simm.s32 @!p3 $0x3BB0;
	[sflag:s14] =	ssyncset.done @!p3 $0x0  }
0x50: {  	s26 =	sadd.s32 $0xA, s26;
	[sflag:s14] =	ssyncadd.s32 @!p3 $0xFFFFFFB0;
	s14 =	simm.s32 @!p1 $0x1  }
0x51: {  	[tilespmem:s1], [sflag:$0x2] =	stream.indirect.gather @!p3 [hbm4b:s4+s0], $0x40, s28, s0, $0xb8;
	[tilespmem:$0xEBF0] =	vst v63  }
0x52: {  	s0 =	sand.u32 $0x1, s25;
	s1 =	simm.s32 @!p1 $0x27B0;
	_ =	swait.ge @!p1 [sflag:s14], $0x1400  }
0x53: {  	s17 =	simm.s32 @!p1 $0x50;
	s31 =	simm.s32 @!p1 $0x2710;
	[sflag:s14] =	ssyncset.done @!p1 $0x0  }
0x54: {  	p3 =	sgt.u32 @!p1 s16, $0x7A;
	[sflag:s14] =	ssyncadd.s32 @!p1 $0xFFFFEC00;
	s14 =	simm.s32 @!p1 $0x3  }
0x55: {  	[spmem:s2] =	stream.indirect.scatter.add.f32 @!p1 [tilespmem:s1], [sflag:$0x3], $0x40, s31, s17, $0xb8;
	[tilespmem:$0xEBF0] =	vst v63  }
.Ltmp0:
0x56: {  	p3 =	por p3, p1;
	_ =	swait.ge @!p1 [sflag:s14], $0x1400;
	(pc) =	sbr.rel @p2 .LBB2_2-.Ltmp0, $4  }
0x57: {  	s16 =	simm.s32 @!p3 $0x0;
	s17 =	simm.s32 @!p3 $0x2710;
	[sflag:s14] =	ssyncset.done @!p1 $0x0  }
0x58: {  	s1 =	simm.s32 @!p3 $0x3;
	s31 =	simm.s32 @!p3 $0x50;
	[sflag:s14] =	ssyncadd.s32 @!p1 $0xFFFFEC00  }
0x59: {  	[tilespmem:s17], [sflag:$0x3] =	stream.linear.gather @!p3 [hbm4b:s30+s16], $0x50, $0x38;
	[tilespmem:$0xEBF0] =	vst v63  }
0x5a: {  	p1 =	seq.s32 s0, $0x1;
	s14 =	simm.s32 @!p3 $0x27B0;
	_ =	swait.ge @!p3 [sflag:s1], $0x50  }
0x5b: {  	[sflag:s1] =	ssyncset.done @!p3 $0x0  }
0x5c: {  	s0 =	simm.s32 @p1 $0x2;
	[sflag:s1] =	ssyncadd.s32 @!p3 $0xFFFFFFB0  }
0x5d: {  	[tilespmem:s14], [sflag:$0x1] =	stream.indirect.gather @!p3 [hbm4b:s4+s31], $0x40, s28, s31, $0xb8;
	[tilespmem:$0xEBF0] =	vst v63  }
0x5e: {  	s16 =	simm.s32 @p1 $0x50;
	_ =	swait.ge @p1 [sflag:s0], $0x1400  }
0x5f: {  	s17 =	simm.s32 @p1 $0x2760;
	p2 =	sgt.u32 @p1 s25, $0x7A;
	[sflag:s0] =	ssyncset.done @p1 $0x0  }
0x60: {  	s1 =	simm.s32 @p1 $0x3BB0;
	s14 =	simm.s32 @p1 $0x3;
	[sflag:s0] =	ssyncadd.s32 @p1 $0xFFFFEC00  }
0x61: {  	[spmem:s2] =	stream.indirect.scatter.add.f32 @p1 [tilespmem:s1], [sflag:$0x3], $0x40, s17, s16, $0xb8;
	[tilespmem:$0xEBF0] =	vst v63  }
0x62: {  	p2 =	por p2, !p1;
	_ =	swait.ge @p1 [sflag:s14], $0x1400  }
0x63: {  	s0 =	simm.s32 @!p2 $0x0;
	[sflag:s14] =	ssyncset.done @p1 $0x0  }
0x64: {  	s1 =	simm.s32 @!p2 $0x2760;
	[sflag:s14] =	ssyncadd.s32 @p1 $0xFFFFEC00;
	s14 =	simm.s32 @!p2 $0x3  }
0x65: {  	[tilespmem:s1], [sflag:$0x3] =	stream.linear.gather @!p2 [hbm4b:s26+s0], $0x50, $0x38;
	[tilespmem:$0xEBF0] =	vst v63  }
0x66: {  	_ =	swait.ge @!p2 [sflag:s14], $0x50  }
0x67: {  	s0 =	simm.s32 @!p2 $0x50;
	[sflag:s14] =	ssyncset.done @!p2 $0x0  }
0x68: {  	s1 =	simm.s32 @!p2 $0x3BB0;
	[sflag:s14] =	ssyncadd.s32 @!p2 $0xFFFFFFB0;
	s14 =	simm.s32 @!p1 $0x1  }
0x69: {  	[tilespmem:s1], [sflag:$0x2] =	stream.indirect.gather @!p2 [hbm4b:s4+s0], $0x40, s24, s0, $0xb8;
	[tilespmem:$0xEBF0] =	vst v63  }
0x6a: {  	s16 =	simm.s32 @!p1 $0x2710;
	_ =	swait.ge @!p1 [sflag:s14], $0x1400  }
0x6b: {  	s0 =	simm.s32 @!p1 $0x27B0;
	s1 =	simm.s32 @!p1 $0x50;
	[sflag:s14] =	ssyncset.done @!p1 $0x0  }
0x6c: {  	p2 =	sgt.u32 @!p1 s25, $0x7A;
	[sflag:s14] =	ssyncadd.s32 @!p1 $0xFFFFEC00;
	s14 =	simm.s32 @!p1 $0x3  }
0x6d: {  	[spmem:s2] =	stream.indirect.scatter.add.f32 @!p1 [tilespmem:s0], [sflag:$0x3], $0x40, s16, s1, $0xb8;
	[tilespmem:$0xEBF0] =	vst v63  }
0x6e: {  	p2 =	por p2, p1;
	_ =	swait.ge @!p1 [sflag:s14], $0x1400  }
0x6f: {  	s0 =	simm.s32 @!p2 $0x0;
	[sflag:s14] =	ssyncset.done @!p1 $0x0  }
0x70: {  	s1 =	simm.s32 @!p2 $0x2710;
	[sflag:s14] =	ssyncadd.s32 @!p1 $0xFFFFEC00;
	s14 =	simm.s32 @!p2 $0x3  }
0x71: {  	[tilespmem:s1], [sflag:$0x3] =	stream.linear.gather @!p2 [hbm4b:s26+s0], $0x50, $0x38;
	[tilespmem:$0xEBF0] =	vst v63  }
0x72: {  	_ =	swait.ge @!p2 [sflag:s14], $0x50  }
0x73: {  	[sflag:s14] =	ssyncset.done @!p2 $0x0  }
0x74: {  	s0 =	simm.s32 @!p2 $0x50;
	s1 =	simm.s32 @!p2 $0x27B0;
	[sflag:s14] =	ssyncadd.s32 @!p2 $0xFFFFFFB0  }
0x75: {  	[tilespmem:s1], [sflag:$0x1] =	stream.indirect.gather @!p2 [hbm4b:s4+s0], $0x40, s24, s0, $0xb8;
	[tilespmem:$0xEBF0] =	vst v63  }
0x76: {  	s0 =	simm.s32 @p0 $0x1FC3;
	[bflag:$0x0] =	sbarrier.arrive $0xFFFF  }
0x77: {  	[hbm:s10], [sflag:s0] =	dma.local @p0 [spmem:s19], $0xC80  }
0x78: {  	s0 =	simm.s32 @p0 $0x3  }
0x79: {  	s22 =	sadd.s32 $0x1, s22;
	_ =	swait.ge @p0 [sflag:s0], $0xC80  }
0x7a: {  	p1 =	sne.s32 s22, s11;
	[sflag:s0] =	ssyncset.done @p0 $0x0  }
.Ltmp1:
0x7b: {  	[sflag:s0] =	ssyncadd.s32 @p0 $0xFFFFF380;
	s0 =	simm.s32 @!p0 $0x3;
	(pc) =	sbr.rel @p1 .LBB2_1-.Ltmp1, $4  }
0x7c: {  	[hbm:s9], [sflag:s23] =	dma.local @!p0 [spmem:s21], $0x1400  }
0x7d: {  	_ =	swait.ge @!p0 [sflag:s0], $0x1400  }
0x7e: {  	[sflag:s0] =	ssyncset.done @!p0 $0x0  }
0x7f: {  	[sflag:s0] =	ssyncadd.s32 @!p0 $0xFFFFEC00  }
0x80: {  	_ =	sfence.sel $0x180000  }
0x81: {  	[bflag:$0x0] =	sbarrier.arrive $0xFFFF  }
0x82: {  	_ =	strace $0x9000004D  }
0x83: {  	s0 =	stileid.u32;
	[bflag:$0x2] =	sbarrier.arrive $0xFFFF  }
0x84: {  	p0 =	sne.s32 s0, $0x0;
	s0 =	rddreg [dreg:$0x2]  }
0x85: {  	s0 =	sadd.s32 @!p0 $0x100000, s0  }
0x86: {  	[sflag:s0] =	ssyncadd.tile.s32 @!p0 $0x1;
	_ =	shalt  }
.Lfunc_end2:
_tile_overlayer_lowered:
.L_overlay_start_2:
0x87: {  	(tag) =	ssettag $0x2  }
0x88: {  	s0 =	rddreg [dreg:$0x0];
	s2 =	stileid.u32  }
0x89: {  	s1 =	rddreg [dreg:$0x1];
	p0 =	sne.s32 s2, $0x0  }
0x8a: {  	s3 =	rddreg [dreg:$0x2];
	[bflag:$0x3] =	sbarrier.arrive $0xFFFF;
	s2 =	simm.s32 @!p0 $0x1C03  }
0x8b: {  	[timem:s3], [sflag:s2] =	dma.local @!p0 [hbm:s0], s1  }
0x8c: {  	s0 =	simm.s32 @!p0 $0x3  }
0x8d: {  	_ =	swait.ge @!p0 [sflag:s0], s1  }
0x8e: {  	s1 =	ssub.s32 @!p0 $0x0, s1;
	[sflag:s0] =	ssyncset.done @!p0 $0x0  }
0x8f: {  	[sflag:s0] =	ssyncadd.s32 @!p0 s1  }
0x90: {  	[bflag:$0x3] =	sbarrier.arrive $0xFFFF  }
0x91: {  	_ =	shalt  }

// kernel: kernel.21.cloned.1.call-start
scs
__scs_entry_jumppad:
0x0: {  	(pc) =	sbr.rel $0x88, $3  }
0x1: {  	(tag) =	ssettag $0x0;
	lr =	simm.s32 $0x1  }
0x2: {  	[smem:$0x3F96] =	sst lr;
	_ =	strace $0xD0000000  }
0x3: {  	_ = 	snop  }
0x4: {  	_ = 	snop  }
0x5: {  	_ = 	snop  }
0x6: {  	_ = 	snop  }
0x7: {  	_ = 	snop  }
__scs_overlays_trampoline_lowered:
0x8: {  	[smem:$0x3FA5] =	sst s0  }
0x9: {  	[smem:$0x3FA6] =	sst s1  }
0xa: {  	[smem:$0x3FA7] =	sst s2  }
0xb: {  	[smem:$0x3FA8] =	sst s3  }
0xc: {  	[smem:$0x3FA9] =	sst s4  }
0xd: {  	[smem:$0x3FAA] =	sst s5  }
0xe: {  	[smem:$0x3FAB] =	sst s6  }
0xf: {  	[smem:$0x3FAC] =	sst s7  }
0x10: {  	[smem:$0x3FAD] =	sst s8  }
0x11: {  	[smem:$0x3FAE] =	sst s9;
	s0 =	simm.s32 @!p0 $0x0  }
0x12: {  	s1 =	sld [smem:$0x3F94];
	s0 =	simm.s32 @p0 $0x1  }
0x13: {  	[smem:$0x3FAF] =	sst s0;
	s0 =	simm.s32 @!p1 $0x0  }
0x14: {  	s2 =	sld [smem:$0x3F93];
	s0 =	simm.s32 @p1 $0x1  }
0x15: {  	[smem:$0x3FB0] =	sst s0;
	s0 =	simm.s32 @!p2 $0x0  }
0x16: {  	s3 =	sld [smem:$0x3FDB];
	s0 =	simm.s32 @p2 $0x1  }
0x17: {  	s4 =	simm.s32 $0x1BF5;
	[smem:$0x3FB2] =	sst s0  }
0x18: {  	s0 =	sld [smem:$0x3F95];
	_ =	swait.ge [sflag:s4], $0x0  }
0x19: {  	s7 =	sld [smem:$0x3F96]  }
0x1a: {  	s8 =	sadd.s32 $0xFFFFE003, lr  }
0x1b: {  	s9 =	sadd.s32 $0xFFFFFEF7, lr;
	s5 =	simm.s32 $0xFFFFFFFF;
	p2 =	slt.u32 s8, $0xFFFFF086  }
0x1c: {  	p1 =	slt.u32 s9, $0xF7A;
	s5 =	simm.s32 @!p2 $0x0  }
0x1d: {  	s5 =	simm.s32 @p1 $0x1;
	p0 =	seq.s32 s7, s2  }
0x1e: {  	s7 =	smul.u32 @!p0 $0xF7A, s2;
	p2 =	seq.s32 @!p0 s5, $0x0  }
0x1f: {  	s9 =	smul.u32 $0xF7A, s1;
	s8 =	simm.s32 @!p0 $0x1BF5;
	p2 =	por !p2, p0  }
0x20: {  	[sflag:s8] =	ssyncset.s32 @!p0 $0xFFFFF086;
	s6 =	sadd.s32 @!p0 s3, s7;
	s7 =	simm.s32 @!p0 $0x108  }
0x21: {  	s3 =	sadd.s32 s3, s9;
	s6 =	sadd.s32 @!p0 $0x88, s6;
	s7 =	simm.s32 @p2 $0x1082  }
0x22: {  	[simem:s7], [sflag:s8] =	dma.local @!p0 [hbm:s6], $0xF7A  }
0x23: {  	s9 =	sor.u32 $0xD0000000, s2;
	s6 =	simm.s32 $0x108;
	_ =	swait.ge @!p0 [sflag:s8], $0x0  }
0x24: {  	s3 =	sadd.s32 $0x88, s3;
	s6 =	simm.s32 @!p1 $0x1082;
	[sflag:s4] =	ssyncset.s32 $0xFFFFF086  }
0x25: {  	[simem:s6], [sflag:s4] =	dma.local [hbm:s3], $0xF7A  }
0x26: {  	[smem:$0x3F96] =	sst s1;
	(tag) =	ssettag s2;
	_ =	strace s9  }
0x27: {  	s1 =	sld [smem:$0x3FA6]  }
0x28: {  	s2 =	sld [smem:$0x3FA7]  }
0x29: {  	s4 =	sld [smem:$0x3FA9]  }
0x2a: {  	p0 =	seq.s32 s5, $0x0;
	s5 =	sld [smem:$0x3FAA]  }
0x2b: {  	s6 =	sld [smem:$0x3FAB]  }
0x2c: {  	s7 =	sld [smem:$0x3FAC]  }
0x2d: {  	s3 =	simm.s32 $0x108;
	s8 =	sld [smem:$0x3FAD]  }
0x2e: {  	s3 =	simm.s32 @!p0 $0x1082;
	s9 =	sld [smem:$0x3FAE]  }
0x2f: {  	lr =	sadd.s32 s0, s3;
	s0 =	sld [smem:$0x3FA5]  }
0x30: {  	s3 =	sld [smem:$0x3FA8]  }
0x31: {  	[smem:$0x3FB1] =	sst s10  }
0x32: {  	s10 =	sld [smem:$0x3FAF];
	_ =	sdelay $0x3  }
0x33: {  	p0 =	seq.s32 s10, $0x1;
	s10 =	sld [smem:$0x3FB1];
	_ =	sdelay $0x3  }
0x34: {  	[smem:$0x3FB1] =	sst s10  }
0x35: {  	s10 =	sld [smem:$0x3FB0];
	_ =	sdelay $0x3  }
0x36: {  	p1 =	seq.s32 s10, $0x1;
	s10 =	sld [smem:$0x3FB1];
	_ =	sdelay $0x3  }
0x37: {  	[smem:$0x3FB1] =	sst s10  }
0x38: {  	s10 =	sld [smem:$0x3FB2]  }
0x39: {  	_ = 	snop;
	(pc) =	sbr.ind lr, $3  }
0x3a: {  	_ = 	snop  }
0x3b: {  	_ = 	snop  }
0x3c: {  	p2 =	seq.s32 s10, $0x1;
	s10 =	sld [smem:$0x3FB1]  }
0x3d: {  	_ =	shalt  }
0x3e: {  	_ =	shalt  }
0x3f: {  	_ =	shalt  }
0x40: {  	_ =	shalt  }
0x41: {  	_ =	shalt  }
0x42: {  	_ =	shalt  }
0x43: {  	_ =	shalt  }
0x44: {  	_ =	shalt  }
0x45: {  	_ =	shalt  }
0x46: {  	_ =	shalt  }
0x47: {  	_ =	shalt  }
0x48: {  	_ =	shalt  }
0x49: {  	_ =	shalt  }
0x4a: {  	_ =	shalt  }
0x4b: {  	_ =	shalt  }
0x4c: {  	_ =	shalt  }
0x4d: {  	_ =	shalt  }
0x4e: {  	_ =	shalt  }
0x4f: {  	_ =	shalt  }
0x50: {  	_ =	shalt  }
0x51: {  	_ =	shalt  }
0x52: {  	_ =	shalt  }
0x53: {  	_ =	shalt  }
0x54: {  	_ =	shalt  }
0x55: {  	_ =	shalt  }
0x56: {  	_ =	shalt  }
0x57: {  	_ =	shalt  }
0x58: {  	_ =	shalt  }
0x59: {  	_ =	shalt  }
0x5a: {  	_ =	shalt  }
0x5b: {  	_ =	shalt  }
0x5c: {  	_ =	shalt  }
0x5d: {  	_ =	shalt  }
0x5e: {  	_ =	shalt  }
0x5f: {  	_ =	shalt  }
0x60: {  	_ =	shalt  }
0x61: {  	_ =	shalt  }
0x62: {  	_ =	shalt  }
0x63: {  	_ =	shalt  }
0x64: {  	_ =	shalt  }
0x65: {  	_ =	shalt  }
0x66: {  	_ =	shalt  }
0x67: {  	_ =	shalt  }
0x68: {  	_ =	shalt  }
0x69: {  	_ =	shalt  }
0x6a: {  	_ =	shalt  }
0x6b: {  	_ =	shalt  }
0x6c: {  	_ =	shalt  }
0x6d: {  	_ =	shalt  }
0x6e: {  	_ =	shalt  }
0x6f: {  	_ =	shalt  }
0x70: {  	_ =	shalt  }
0x71: {  	_ =	shalt  }
0x72: {  	_ =	shalt  }
0x73: {  	_ =	shalt  }
0x74: {  	_ =	shalt  }
0x75: {  	_ =	shalt  }
0x76: {  	_ =	shalt  }
0x77: {  	_ =	shalt  }
0x78: {  	_ =	shalt  }
0x79: {  	_ =	shalt  }
0x7a: {  	_ =	shalt  }
0x7b: {  	_ =	shalt  }
0x7c: {  	_ =	shalt  }
0x7d: {  	_ =	shalt  }
0x7e: {  	_ =	shalt  }
0x7f: {  	_ =	shalt  }
0x80: {  	_ =	shalt  }
0x81: {  	_ =	shalt  }
0x82: {  	_ =	shalt  }
0x83: {  	_ =	shalt  }
0x84: {  	_ =	shalt  }
0x85: {  	_ =	shalt  }
0x86: {  	_ =	shalt  }
0x87: {  	_ =	shalt  }
.Lfunc_end0:
.L_simem_size_0:
called_computation.3_lowered:
.L_overlay_start_0:
0x88: {  	s2 =	sld [smem:$0x3FD9]  }
0x89: {  	s3 =	sld [smem:$0x3FFE];
	_ =	sdelay $0x1  }
0x8a: {  	s1 =	srdreg.scid  }
0x8b: {  	s0 =	sand.u32 $0x1, s1  }
0x8c: {  	s16 =	sshll.u32 s0, $0xA;
	s2 =	sadd.s32 s3, s2  }
0x8d: {  	s2 =	sadd.s32 s2, s16  }
0x8e: {  	[smem:$0x3FBD] =	sst s2  }
0x8f: {  	_ = 	snop  }
0x90: {  	(tm) =	ssettm $0x1  }
0x91: {  	s17 =	sld [smem:$0x3FFB];
	_ =	sdelay $0x3  }
0x92: {  	_ =	strace s17  }
0x93: {  	s2 =	sld [smem:$0x3FFC];
	_ =	sdelay $0x3  }
0x94: {  	_ =	strace s2  }
0x95: {  	s2 =	sld [smem:$0x3FFD];
	_ =	sdelay $0x3  }
0x96: {  	_ =	strace s2  }
0x97: {  	_ =	strace $0x8FFFFFFF  }
0x98: {  	s18 =	sld [smem:$0x3FDB];
	_ =	sdelay $0x1  }
0x99: {  	s19 =	simm.s32 $_scs_section_size  }
0x9a: {  	s4 =	simm.s32 $_size__tile_overlayer_lowered;
	s5 =	simm.s32 $_tile_overlayer_lowered  }
0x9b: {  	s22 =	simm.s32 $0x1BFF;
	s21 =	sshll.u32 s5, $0x1;
	s2 =	sadd.s32 s19, s18  }
0x9c: {  	s6 =	simm.s32 $0x0;
	s20 =	sshll.u32 s4, $0x1;
	s4 =	sadd.s32 s21, s2  }
0x9d: {  	[timem:s6], [sflag:s22] =	dma.local [hbm:s4], s20  }
0x9e: {  	_ =	swait.ge [sflag:s22], s20  }
0x9f: {  	s3 =	ssub.s32 $0x0, s20;
	[sflag:s22] =	ssyncset.done $0x0  }
0xa0: {  	[sflag:s22] =	ssyncadd.s32 s3;
	_ =	sdelay $0x1  }
0xa1: {  	s23 =	simm.s32 $0x1B8B  }
0xa2: {  	_ =	swait.ge [sflag:s23], $0x1  }
0xa3: {  	[sflag:s23] =	ssyncset.done $0x0  }
0xa4: {  	s25 =	simm.s32 $0x1B8E;
	s24 =	sld [smem:$0x3FFE];
	[sflag:s23] =	ssyncadd.s32 $0xFFFFFFFF  }
0xa5: {  	s26 =	simm.s32 $execute0_lowered;
	[smem:$0x3FD2] =	sst s25  }
0xa6: {  	s4 =	sshll.u32 s26, $0x1;
	_ =	strace $0x8000004F;
	[dreg:$0x1] =	wrdreg $0xFFFFFFFF  }
0xa7: {  	s28 =	simm.s32 $_size_execute0_lowered;
	s2 =	sadd.s32 s2, s4;
	[dreg:$0x0] =	wrdreg $0x0  }
0xa8: {  	s4 =	sshll.u32 s28, $0x1;
	[dreg:$0x2] =	wrdreg s2  }
0xa9: {  	[dreg:$0x3] =	wrdreg s4  }
0xaa: {  	[dreg:$0x4] =	wrdreg $0xC0  }
0xab: {  	_ =	task [dreg:s6], $0x5FFFF  }
0xac: {  	[dreg:$0x1] =	wrdreg $0xFFFFFFFF  }
0xad: {  	[dreg:$0x0] =	wrdreg $0x60  }
0xae: {  	[dreg:$0x2] =	wrdreg s24  }
0xaf: {  	[dreg:$0x3] =	wrdreg $0x4FB00  }
0xb0: {  	[dreg:$0x4] =	wrdreg $0x9  }
0xb1: {  	_ =	task.clear_ibuf [dreg:s6], $0x5FFFF;
	_ =	strace $0x9000004F  }
0xb2: {  	s29 =	simm.s32 $0x9;
	_ =	strace $0x80000051  }
0xb3: {  	_ =	swait.ge [sflag:s29], $0x1  }
0xb4: {  	[sflag:s29] =	ssyncadd.s32 $0xFFFFFFFF  }
0xb5: {  	_ =	strace $0x90000051  }
0xb6: {  	_ =	sfence  }
0xb7: {  	s30 =	sld [smem:$0x0];
	_ =	sdelay $0x2  }
0xb8: {  	s31 =	sshll.u32 s1, $0xD;
	s1 =	sshrl.u32 s1, $0x2  }
0xb9: {  	s3 =	sand.u32 $0x4000, s31;
	s1 =	sadd.s32 s1, s30  }
0xba: {  	s0 =	sor.u32 s3, s0;
	s1 =	sshll.u32 s1, $0x11  }
0xbb: {  	s0 =	sor.u32 s1, s0  }
0xbc: {  	s0 =	sadd.s32 $0x8F2B, s0  }
0xbd: {  	[sflag:s0] =	ssyncadd.remote.s32 $0x1  }
0xbe: {  	_ =	sfence.sel $0xFFFF  }
0xbf: {  	[dreg:$0x0] =	wrdreg $0xFFFFFFFF;
	(pc) =	sbr.abs _section_cstart, $3  }
0xc0: {  	[dreg:$0x1] =	wrdreg $0xFFFFFFFF  }
0xc1: {  	_ =	task.clear_ibuf [dreg:s6], $0x2FFFF;
	_ =	strace $0x9FFFFFFF  }
0xc2: {  	(tm) =	ssettm $0x7FFFFFFF  }
0xc3: {  	_ =	shalt  }
tec
execute0_lowered:
.L_overlay_start_1:
0x0: {  	(tag) =	ssettag $0x1  }
0x1: {  	s0 =	srdreg.scid  }
0x2: {  	s6 =	rddreg [dreg:$0x0];
	s25 =	stileid.u32  }
0x3: {  	s2 =	rddreg [dreg:$0x1];
	s18 =	simm.s32 $0x3BB0;
	s22 =	simm.s32 $0x0  }
0x4: {  	s1 =	sand.u32 $0x1, s0;
	s12 =	sadd.s32 $0xC600, s6;
	s10 =	smul.u32 $0x28000, s25  }
0x5: {  	s5 =	sadd.s32 $0x29E00, s6;
	s11 =	sadd.s32 $0x2B200, s6;
	s15 =	smul.u32 $0xA000, s25  }
0x6: {  	s16 =	smul.u32 $0x2710, s25;
	s19 =	sadd.s32 $0x96000, s2;
	p0 =	seq.s32 s25, $0xF  }
0x7: {  	s3 =	sshll.u32 s1, $0x4;
	s9 =	ssub.s32 $0x2, s1;
	s13 =	smul.u32 $0x9C400, s1  }
0x8: {  	s1 =	smul.u32 $0x27100, s1;
	s19 =	sshrl.u32 @p0 s19, $0x3;
	s4 =	sor.u32 s25, s3  }
0x9: {  	s3 =	simm.s32 $0x0;
	s26 =	sshrl.u32 s9, $0x1;
	s28 =	sshrl.u32 s10, $0x2  }
0xa: {  	s21 =	sadd.s32 s15, s2;
	s4 =	smul.u32 $0x2710, s4;
	[smem:$0x7FF] =	sst s3  }
0xb: {  	s14 =	ssub.s32 s9, s26;
	s29 =	sadd.s32 s15, s13;
	s20 =	sadd.s32 s28, s2  }
0xc: {  	s31 =	sshrl.u32 s13, $0x3;
	s1 =	sadd.s32 s16, s1;
	s13 =	simm.s32 $0x3  }
0xd: {  	s15 =	simm.s32 $0x50;
	s21 =	sshrl.u32 @!p0 s21, $0x3;
	_ =	strace $0x80000050  }
0xe: {  	s30 =	sshrl.u32 s29, $0x3;
	s10 =	sadd.s32 s11, s31;
	s1 =	sadd.s32 $0xA0, s1  }
0xf: {  	s20 =	sshrl.u32 @!p0 s20, $0x3;
	s7 =	sshrl.u32 s4, $0x3;
	s4 =	sadd.s32 $0x16400, s6  }
0x10: {  	s9 =	sadd.s32 s11, s30;
	s10 =	sadd.s32 $0x12C00, s10;
	s11 =	smax.u32 s14, $0x1  }
0x11: {  	s1 =	sshrl.u32 s1, $0x3;
	s8 =	sadd.s32 s7, s6;
	s6 =	sadd.s32 s12, s7  }
0x12: {  	s12 =	sadd.s32 s1, s12;
	s7 =	sadd.s32 $0x2800, s8;
	s8 =	sadd.s32 $0xA, s6  }
.LBB2_1:
0x13: {  	[tilespmem:s3], [sflag:$0x3] =	stream.linear.gather [hbm4b:s7+s3], $0x2710, $0x38;
	[tilespmem:$0xEBF0] =	vst v63  }
0x14: {  	_ =	swait.ge [sflag:s13], $0x2710  }
0x15: {  	[sflag:s13] =	ssyncset.done $0x0  }
0x16: {  	s0 =	simm.s32 $0x2710;
	[sflag:s13] =	ssyncadd.s32 $0xFFFFD8F0  }
0x17: {  	[tilespmem:s0], [sflag:$0x3] =	stream.linear.gather [hbm4b:s6+s3], $0x50, $0x38;
	[tilespmem:$0xEBF0] =	vst v63  }
0x18: {  	_ =	swait.ge [sflag:s13], $0x50  }
0x19: {  	[sflag:s13] =	ssyncset.done $0x0  }
0x1a: {  	s24 =	simm.s32 $0x27B0;
	[sflag:s13] =	ssyncadd.s32 $0xFFFFFFB0  }
0x1b: {  	[tilespmem:s24], [sflag:$0x1] =	stream.indirect.gather [hbm4b:s4+s15], $0x40, s3, s15, $0xb8;
	[tilespmem:$0xEBF0] =	vst v63  }
0x1c: {  	s25 =	simm.s32 $0x2760  }
0x1d: {  	[tilespmem:s25], [sflag:$0x3] =	stream.linear.gather [hbm4b:s8+s3], $0x50, $0x38;
	[tilespmem:$0xEBF0] =	vst v63  }
0x1e: {  	_ =	swait.ge [sflag:s13], $0x50  }
0x1f: {  	[sflag:s13] =	ssyncset.done $0x0  }
0x20: {  	s1 =	simm.s32 @p0 $0x1FC3;
	[sflag:s13] =	ssyncadd.s32 $0xFFFFFFB0  }
0x21: {  	[tilespmem:s18], [sflag:$0x2] =	stream.indirect.gather [hbm4b:s4+s15], $0x40, s15, s15, $0xb8;
	[tilespmem:$0xEBF0] =	vst v63  }
0x22: {  	[spmem:s19], [sflag:s1] =	dma.local @p0 [hbm:s5], $0xC80  }
0x23: {  	s1 =	simm.s32 @p0 $0x3  }
0x24: {  	s0 =	stileid.u32;
	_ =	swait.ge @p0 [sflag:s1], $0xC80  }
0x25: {  	s14 =	sshll.u32 @!p0 s0, $0x6;
	[sflag:s1] =	ssyncset.done @p0 $0x0  }
0x26: {  	s23 =	sor.u32 @!p0 $0x1C03, s14;
	[sflag:s1] =	ssyncadd.s32 @p0 $0xFFFFF380;
	s1 =	simm.s32 @!p0 $0x3  }
0x27: {  	[spmem:s20], [sflag:s23] =	dma.local @!p0 [hbm:s5], $0x1400  }
0x28: {  	_ =	swait.ge @!p0 [sflag:s1], $0x1400  }
0x29: {  	s26 =	sand.u32 $0x1, s3;
	[sflag:s1] =	ssyncset.done @!p0 $0x0  }
0x2a: {  	p1 =	seq.s32 s26, $0x1;
	[sflag:s1] =	ssyncadd.s32 @!p0 $0xFFFFEC00  }
0x2b: {  	s1 =	simm.s32 @p1 $0x2;
	[bflag:$0x0] =	sbarrier.arrive $0xFFFF  }
0x2c: {  	s26 =	simm.s32 @p1 $0x2760;
	_ =	swait.ge @p1 [sflag:s1], $0x1400  }
0x2d: {  	p2 =	por @p1 $0x0, $0x0;
	s14 =	simm.s32 @p1 $0x3BB0;
	[sflag:s1] =	ssyncset.done @p1 $0x0  }
0x2e: {  	s24 =	simm.s32 @p1 $0x3;
	s25 =	simm.s32 @p1 $0x50;
	[sflag:s1] =	ssyncadd.s32 @p1 $0xFFFFEC00  }
0x2f: {  	[spmem:s2] =	stream.indirect.scatter.add.f32 @p1 [tilespmem:s14], [sflag:$0x3], $0x40, s26, s25, $0xb8;
	[tilespmem:$0xEBF0] =	vst v63  }
0x30: {  	p2 =	por p2, !p1;
	_ =	swait.ge @p1 [sflag:s24], $0x1400  }
0x31: {  	s1 =	simm.s32 @!p2 $0x0;
	[sflag:s24] =	ssyncset.done @p1 $0x0  }
0x32: {  	s14 =	simm.s32 @!p2 $0x2760;
	[sflag:s24] =	ssyncadd.s32 @p1 $0xFFFFEC00;
	s24 =	simm.s32 @!p2 $0x3  }
0x33: {  	[tilespmem:s14], [sflag:$0x3] =	stream.linear.gather @!p2 [hbm4b:s12+s1], $0x50, $0x38;
	[tilespmem:$0xEBF0] =	vst v63  }
0x34: {  	_ =	swait.ge @!p2 [sflag:s24], $0x50  }
0x35: {  	s28 =	simm.s32 $0xA0;
	s1 =	simm.s32 @!p2 $0x50;
	[sflag:s24] =	ssyncset.done @!p2 $0x0  }
0x36: {  	s14 =	simm.s32 @!p2 $0x3BB0;
	[sflag:s24] =	ssyncadd.s32 @!p2 $0xFFFFFFB0;
	s24 =	simm.s32 @!p1 $0x1  }
0x37: {  	[tilespmem:s14], [sflag:$0x2] =	stream.indirect.gather @!p2 [hbm4b:s4+s1], $0x40, s28, s1, $0xb8;
	[tilespmem:$0xEBF0] =	vst v63  }
0x38: {  	s29 =	simm.s32 $0x2;
	s30 =	simm.s32 @!p1 $0x3;
	_ =	swait.ge @!p1 [sflag:s24], $0x1400  }
0x39: {  	s26 =	simm.s32 @!p1 $0x2710;
	s1 =	simm.s32 @!p1 $0x27B0;
	[sflag:s24] =	ssyncset.done @!p1 $0x0  }
0x3a: {  	s14 =	simm.s32 @!p1 $0x50;
	p2 =	por @!p1 $0x0, $0x0;
	[sflag:s24] =	ssyncadd.s32 @!p1 $0xFFFFEC00  }
0x3b: {  	[spmem:s2] =	stream.indirect.scatter.add.f32 @!p1 [tilespmem:s1], [sflag:$0x3], $0x40, s26, s14, $0xb8;
	[tilespmem:$0xEBF0] =	vst v63  }
0x3c: {  	s25 =	simm.s32 $0x1;
	p3 =	por p2, p1;
	_ =	swait.ge @!p1 [sflag:s30], $0x1400  }
0x3d: {  	s31 =	simm.s32 @!p3 $0x50;
	s24 =	simm.s32 $0xF0;
	[sflag:s30] =	ssyncset.done @!p1 $0x0  }
0x3e: {  	s1 =	simm.s32 @!p3 $0x0;
	s14 =	simm.s32 @!p3 $0x2710;
	[sflag:s30] =	ssyncadd.s32 @!p1 $0xFFFFEC00  }
0x3f: {  	[tilespmem:s14], [sflag:$0x3] =	stream.linear.gather @!p3 [hbm4b:s12+s1], $0x50, $0x38;
	[tilespmem:$0xEBF0] =	vst v63  }
0x40: {  	s26 =	sadd.s32 $0xA, s12;
	s30 =	sand.u32 $0x1, s25;
	s1 =	simm.s32 @!p3 $0x3  }
0x41: {  	p1 =	seq.s32 s30, $0x1;
	s14 =	simm.s32 @!p3 $0x27B0;
	_ =	swait.ge @!p3 [sflag:s1], $0x50  }
.LBB2_2:
0x42: {  	s0 =	simm.s32 @p1 $0x2;
	[sflag:s1] =	ssyncset.done @!p3 $0x0;
	s16 =	smov.u32 s25  }
0x43: {  	s25 =	smov.u32 s29;
	s29 =	sadd.s32 $0x1, s29;
	s30 =	smov.u32 s26  }
0x44: {  	p2 =	sne.s32 s29, $0x7D;
	[sflag:s1] =	ssyncadd.s32 @!p3 $0xFFFFFFB0  }
0x45: {  	[tilespmem:s14], [sflag:$0x1] =	stream.indirect.gather @!p3 [hbm4b:s4+s31], $0x40, s28, s31, $0xb8;
	[tilespmem:$0xEBF0] =	vst v63  }
0x46: {  	s1 =	simm.s32 @p1 $0x3BB0;
	s14 =	simm.s32 @p1 $0x3;
	_ =	swait.ge @p1 [sflag:s0], $0x1400  }
0x47: {  	s17 =	simm.s32 @p1 $0x2760;
	s31 =	simm.s32 @p1 $0x50;
	[sflag:s0] =	ssyncset.done @p1 $0x0  }
0x48: {  	p3 =	sgt.u32 @p1 s16, $0x7A;
	s28 =	smov.u32 s24;
	[sflag:s0] =	ssyncadd.s32 @p1 $0xFFFFEC00  }
0x49: {  	[spmem:s2] =	stream.indirect.scatter.add.f32 @p1 [tilespmem:s1], [sflag:$0x3], $0x40, s17, s31, $0xb8;
	[tilespmem:$0xEBF0] =	vst v63  }
0x4a: {  	p3 =	por p3, !p1;
	_ =	swait.ge @p1 [sflag:s14], $0x1400  }
0x4b: {  	s0 =	simm.s32 @!p3 $0x0;
	s1 =	simm.s32 @!p3 $0x2760;
	[sflag:s14] =	ssyncset.done @p1 $0x0  }
0x4c: {  	[sflag:s14] =	ssyncadd.s32 @p1 $0xFFFFEC00;
	s14 =	simm.s32 @!p3 $0x3  }
0x4d: {  	[tilespmem:s1], [sflag:$0x3] =	stream.linear.gather @!p3 [hbm4b:s26+s0], $0x50, $0x38;
	[tilespmem:$0xEBF0] =	vst v63  }
0x4e: {  	s24 =	sadd.s32 $0x50, s24;
	_ =	swait.ge @!p3 [sflag:s14], $0x50  }
0x4f: {  	s0 =	simm.s32 @!p3 $0x50;
	s1 =	simm.s32 @!p3 $0x3BB0;
	[sflag:s14] =	ssyncset.done @!p3 $0x0  }
0x50: {  	s26 =	sadd.s32 $0xA, s26;
	[sflag:s14] =	ssyncadd.s32 @!p3 $0xFFFFFFB0;
	s14 =	simm.s32 @!p1 $0x1  }
0x51: {  	[tilespmem:s1], [sflag:$0x2] =	stream.indirect.gather @!p3 [hbm4b:s4+s0], $0x40, s28, s0, $0xb8;
	[tilespmem:$0xEBF0] =	vst v63  }
0x52: {  	s0 =	sand.u32 $0x1, s25;
	s1 =	simm.s32 @!p1 $0x27B0;
	_ =	swait.ge @!p1 [sflag:s14], $0x1400  }
0x53: {  	s17 =	simm.s32 @!p1 $0x50;
	s31 =	simm.s32 @!p1 $0x2710;
	[sflag:s14] =	ssyncset.done @!p1 $0x0  }
0x54: {  	p3 =	sgt.u32 @!p1 s16, $0x7A;
	[sflag:s14] =	ssyncadd.s32 @!p1 $0xFFFFEC00;
	s14 =	simm.s32 @!p1 $0x3  }
0x55: {  	[spmem:s2] =	stream.indirect.scatter.add.f32 @!p1 [tilespmem:s1], [sflag:$0x3], $0x40, s31, s17, $0xb8;
	[tilespmem:$0xEBF0] =	vst v63  }
.Ltmp0:
0x56: {  	p3 =	por p3, p1;
	_ =	swait.ge @!p1 [sflag:s14], $0x1400;
	(pc) =	sbr.rel @p2 .LBB2_2-.Ltmp0, $4  }
0x57: {  	s16 =	simm.s32 @!p3 $0x0;
	s17 =	simm.s32 @!p3 $0x2710;
	[sflag:s14] =	ssyncset.done @!p1 $0x0  }
0x58: {  	s1 =	simm.s32 @!p3 $0x3;
	s31 =	simm.s32 @!p3 $0x50;
	[sflag:s14] =	ssyncadd.s32 @!p1 $0xFFFFEC00  }
0x59: {  	[tilespmem:s17], [sflag:$0x3] =	stream.linear.gather @!p3 [hbm4b:s30+s16], $0x50, $0x38;
	[tilespmem:$0xEBF0] =	vst v63  }
0x5a: {  	p1 =	seq.s32 s0, $0x1;
	s14 =	simm.s32 @!p3 $0x27B0;
	_ =	swait.ge @!p3 [sflag:s1], $0x50  }
0x5b: {  	[sflag:s1] =	ssyncset.done @!p3 $0x0  }
0x5c: {  	s0 =	simm.s32 @p1 $0x2;
	[sflag:s1] =	ssyncadd.s32 @!p3 $0xFFFFFFB0  }
0x5d: {  	[tilespmem:s14], [sflag:$0x1] =	stream.indirect.gather @!p3 [hbm4b:s4+s31], $0x40, s28, s31, $0xb8;
	[tilespmem:$0xEBF0] =	vst v63  }
0x5e: {  	s16 =	simm.s32 @p1 $0x50;
	_ =	swait.ge @p1 [sflag:s0], $0x1400  }
0x5f: {  	s17 =	simm.s32 @p1 $0x2760;
	p2 =	sgt.u32 @p1 s25, $0x7A;
	[sflag:s0] =	ssyncset.done @p1 $0x0  }
0x60: {  	s1 =	simm.s32 @p1 $0x3BB0;
	s14 =	simm.s32 @p1 $0x3;
	[sflag:s0] =	ssyncadd.s32 @p1 $0xFFFFEC00  }
0x61: {  	[spmem:s2] =	stream.indirect.scatter.add.f32 @p1 [tilespmem:s1], [sflag:$0x3], $0x40, s17, s16, $0xb8;
	[tilespmem:$0xEBF0] =	vst v63  }
0x62: {  	p2 =	por p2, !p1;
	_ =	swait.ge @p1 [sflag:s14], $0x1400  }
0x63: {  	s0 =	simm.s32 @!p2 $0x0;
	[sflag:s14] =	ssyncset.done @p1 $0x0  }
0x64: {  	s1 =	simm.s32 @!p2 $0x2760;
	[sflag:s14] =	ssyncadd.s32 @p1 $0xFFFFEC00;
	s14 =	simm.s32 @!p2 $0x3  }
0x65: {  	[tilespmem:s1], [sflag:$0x3] =	stream.linear.gather @!p2 [hbm4b:s26+s0], $0x50, $0x38;
	[tilespmem:$0xEBF0] =	vst v63  }
0x66: {  	_ =	swait.ge @!p2 [sflag:s14], $0x50  }
0x67: {  	s0 =	simm.s32 @!p2 $0x50;
	[sflag:s14] =	ssyncset.done @!p2 $0x0  }
0x68: {  	s1 =	simm.s32 @!p2 $0x3BB0;
	[sflag:s14] =	ssyncadd.s32 @!p2 $0xFFFFFFB0;
	s14 =	simm.s32 @!p1 $0x1  }
0x69: {  	[tilespmem:s1], [sflag:$0x2] =	stream.indirect.gather @!p2 [hbm4b:s4+s0], $0x40, s24, s0, $0xb8;
	[tilespmem:$0xEBF0] =	vst v63  }
0x6a: {  	s16 =	simm.s32 @!p1 $0x2710;
	_ =	swait.ge @!p1 [sflag:s14], $0x1400  }
0x6b: {  	s0 =	simm.s32 @!p1 $0x27B0;
	s1 =	simm.s32 @!p1 $0x50;
	[sflag:s14] =	ssyncset.done @!p1 $0x0  }
0x6c: {  	p2 =	sgt.u32 @!p1 s25, $0x7A;
	[sflag:s14] =	ssyncadd.s32 @!p1 $0xFFFFEC00;
	s14 =	simm.s32 @!p1 $0x3  }
0x6d: {  	[spmem:s2] =	stream.indirect.scatter.add.f32 @!p1 [tilespmem:s0], [sflag:$0x3], $0x40, s16, s1, $0xb8;
	[tilespmem:$0xEBF0] =	vst v63  }
0x6e: {  	p2 =	por p2, p1;
	_ =	swait.ge @!p1 [sflag:s14], $0x1400  }
0x6f: {  	s0 =	simm.s32 @!p2 $0x0;
	[sflag:s14] =	ssyncset.done @!p1 $0x0  }
0x70: {  	s1 =	simm.s32 @!p2 $0x2710;
	[sflag:s14] =	ssyncadd.s32 @!p1 $0xFFFFEC00;
	s14 =	simm.s32 @!p2 $0x3  }
0x71: {  	[tilespmem:s1], [sflag:$0x3] =	stream.linear.gather @!p2 [hbm4b:s26+s0], $0x50, $0x38;
	[tilespmem:$0xEBF0] =	vst v63  }
0x72: {  	_ =	swait.ge @!p2 [sflag:s14], $0x50  }
0x73: {  	[sflag:s14] =	ssyncset.done @!p2 $0x0  }
0x74: {  	s0 =	simm.s32 @!p2 $0x50;
	s1 =	simm.s32 @!p2 $0x27B0;
	[sflag:s14] =	ssyncadd.s32 @!p2 $0xFFFFFFB0  }
0x75: {  	[tilespmem:s1], [sflag:$0x1] =	stream.indirect.gather @!p2 [hbm4b:s4+s0], $0x40, s24, s0, $0xb8;
	[tilespmem:$0xEBF0] =	vst v63  }
0x76: {  	s0 =	simm.s32 @p0 $0x1FC3;
	[bflag:$0x0] =	sbarrier.arrive $0xFFFF  }
0x77: {  	[hbm:s10], [sflag:s0] =	dma.local @p0 [spmem:s19], $0xC80  }
0x78: {  	s0 =	simm.s32 @p0 $0x3  }
0x79: {  	s22 =	sadd.s32 $0x1, s22;
	_ =	swait.ge @p0 [sflag:s0], $0xC80  }
0x7a: {  	p1 =	sne.s32 s22, s11;
	[sflag:s0] =	ssyncset.done @p0 $0x0  }
.Ltmp1:
0x7b: {  	[sflag:s0] =	ssyncadd.s32 @p0 $0xFFFFF380;
	s0 =	simm.s32 @!p0 $0x3;
	(pc) =	sbr.rel @p1 .LBB2_1-.Ltmp1, $4  }
0x7c: {  	[hbm:s9], [sflag:s23] =	dma.local @!p0 [spmem:s21], $0x1400  }
0x7d: {  	_ =	swait.ge @!p0 [sflag:s0], $0x1400  }
0x7e: {  	[sflag:s0] =	ssyncset.done @!p0 $0x0  }
0x7f: {  	[sflag:s0] =	ssyncadd.s32 @!p0 $0xFFFFEC00  }
0x80: {  	_ =	sfence.sel $0x180000  }
0x81: {  	[bflag:$0x0] =	sbarrier.arrive $0xFFFF  }
0x82: {  	_ =	strace $0x90000050  }
0x83: {  	s0 =	stileid.u32;
	[bflag:$0x2] =	sbarrier.arrive $0xFFFF  }
0x84: {  	p0 =	sne.s32 s0, $0x0;
	s0 =	rddreg [dreg:$0x2]  }
0x85: {  	s0 =	sadd.s32 @!p0 $0x100000, s0  }
0x86: {  	[sflag:s0] =	ssyncadd.tile.s32 @!p0 $0x1;
	_ =	shalt  }
.Lfunc_end2:
_tile_overlayer_lowered:
.L_overlay_start_2:
0x87: {  	(tag) =	ssettag $0x2  }
0x88: {  	s0 =	rddreg [dreg:$0x0];
	s2 =	stileid.u32  }
0x89: {  	s1 =	rddreg [dreg:$0x1];
	p0 =	sne.s32 s2, $0x0  }
0x8a: {  	s3 =	rddreg [dreg:$0x2];
	[bflag:$0x3] =	sbarrier.arrive $0xFFFF;
	s2 =	simm.s32 @!p0 $0x1C03  }
0x8b: {  	[timem:s3], [sflag:s2] =	dma.local @!p0 [hbm:s0], s1  }
0x8c: {  	s0 =	simm.s32 @!p0 $0x3  }
0x8d: {  	_ =	swait.ge @!p0 [sflag:s0], s1  }
0x8e: {  	s1 =	ssub.s32 @!p0 $0x0, s1;
	[sflag:s0] =	ssyncset.done @!p0 $0x0  }
0x8f: {  	[sflag:s0] =	ssyncadd.s32 @!p0 s1  }
0x90: {  	[bflag:$0x3] =	sbarrier.arrive $0xFFFF  }
0x91: {  	_ =	shalt  }

// kernel: kernel.24.cloned.1.call-start
scs
__scs_entry_jumppad:
0x0: {  	(pc) =	sbr.rel $0x88, $3  }
0x1: {  	(tag) =	ssettag $0x0;
	lr =	simm.s32 $0x1  }
0x2: {  	[smem:$0x3F96] =	sst lr;
	_ =	strace $0xD0000000  }
0x3: {  	_ = 	snop  }
0x4: {  	_ = 	snop  }
0x5: {  	_ = 	snop  }
0x6: {  	_ = 	snop  }
0x7: {  	_ = 	snop  }
__scs_overlays_trampoline_lowered:
0x8: {  	[smem:$0x3FA5] =	sst s0  }
0x9: {  	[smem:$0x3FA6] =	sst s1  }
0xa: {  	[smem:$0x3FA7] =	sst s2  }
0xb: {  	[smem:$0x3FA8] =	sst s3  }
0xc: {  	[smem:$0x3FA9] =	sst s4  }
0xd: {  	[smem:$0x3FAA] =	sst s5  }
0xe: {  	[smem:$0x3FAB] =	sst s6  }
0xf: {  	[smem:$0x3FAC] =	sst s7  }
0x10: {  	[smem:$0x3FAD] =	sst s8  }
0x11: {  	[smem:$0x3FAE] =	sst s9;
	s0 =	simm.s32 @!p0 $0x0  }
0x12: {  	s1 =	sld [smem:$0x3F94];
	s0 =	simm.s32 @p0 $0x1  }
0x13: {  	[smem:$0x3FAF] =	sst s0;
	s0 =	simm.s32 @!p1 $0x0  }
0x14: {  	s2 =	sld [smem:$0x3F93];
	s0 =	simm.s32 @p1 $0x1  }
0x15: {  	[smem:$0x3FB0] =	sst s0;
	s0 =	simm.s32 @!p2 $0x0  }
0x16: {  	s3 =	sld [smem:$0x3FDB];
	s0 =	simm.s32 @p2 $0x1  }
0x17: {  	s4 =	simm.s32 $0x1BF5;
	[smem:$0x3FB2] =	sst s0  }
0x18: {  	s0 =	sld [smem:$0x3F95];
	_ =	swait.ge [sflag:s4], $0x0  }
0x19: {  	s7 =	sld [smem:$0x3F96]  }
0x1a: {  	s8 =	sadd.s32 $0xFFFFE003, lr  }
0x1b: {  	s9 =	sadd.s32 $0xFFFFFEF7, lr;
	s5 =	simm.s32 $0xFFFFFFFF;
	p2 =	slt.u32 s8, $0xFFFFF086  }
0x1c: {  	p1 =	slt.u32 s9, $0xF7A;
	s5 =	simm.s32 @!p2 $0x0  }
0x1d: {  	s5 =	simm.s32 @p1 $0x1;
	p0 =	seq.s32 s7, s2  }
0x1e: {  	s7 =	smul.u32 @!p0 $0xF7A, s2;
	p2 =	seq.s32 @!p0 s5, $0x0  }
0x1f: {  	s9 =	smul.u32 $0xF7A, s1;
	s8 =	simm.s32 @!p0 $0x1BF5;
	p2 =	por !p2, p0  }
0x20: {  	[sflag:s8] =	ssyncset.s32 @!p0 $0xFFFFF086;
	s6 =	sadd.s32 @!p0 s3, s7;
	s7 =	simm.s32 @!p0 $0x108  }
0x21: {  	s3 =	sadd.s32 s3, s9;
	s6 =	sadd.s32 @!p0 $0x88, s6;
	s7 =	simm.s32 @p2 $0x1082  }
0x22: {  	[simem:s7], [sflag:s8] =	dma.local @!p0 [hbm:s6], $0xF7A  }
0x23: {  	s9 =	sor.u32 $0xD0000000, s2;
	s6 =	simm.s32 $0x108;
	_ =	swait.ge @!p0 [sflag:s8], $0x0  }
0x24: {  	s3 =	sadd.s32 $0x88, s3;
	s6 =	simm.s32 @!p1 $0x1082;
	[sflag:s4] =	ssyncset.s32 $0xFFFFF086  }
0x25: {  	[simem:s6], [sflag:s4] =	dma.local [hbm:s3], $0xF7A  }
0x26: {  	[smem:$0x3F96] =	sst s1;
	(tag) =	ssettag s2;
	_ =	strace s9  }
0x27: {  	s1 =	sld [smem:$0x3FA6]  }
0x28: {  	s2 =	sld [smem:$0x3FA7]  }
0x29: {  	s4 =	sld [smem:$0x3FA9]  }
0x2a: {  	p0 =	seq.s32 s5, $0x0;
	s5 =	sld [smem:$0x3FAA]  }
0x2b: {  	s6 =	sld [smem:$0x3FAB]  }
0x2c: {  	s7 =	sld [smem:$0x3FAC]  }
0x2d: {  	s3 =	simm.s32 $0x108;
	s8 =	sld [smem:$0x3FAD]  }
0x2e: {  	s3 =	simm.s32 @!p0 $0x1082;
	s9 =	sld [smem:$0x3FAE]  }
0x2f: {  	lr =	sadd.s32 s0, s3;
	s0 =	sld [smem:$0x3FA5]  }
0x30: {  	s3 =	sld [smem:$0x3FA8]  }
0x31: {  	[smem:$0x3FB1] =	sst s10  }
0x32: {  	s10 =	sld [smem:$0x3FAF];
	_ =	sdelay $0x3  }
0x33: {  	p0 =	seq.s32 s10, $0x1;
	s10 =	sld [smem:$0x3FB1];
	_ =	sdelay $0x3  }
0x34: {  	[smem:$0x3FB1] =	sst s10  }
0x35: {  	s10 =	sld [smem:$0x3FB0];
	_ =	sdelay $0x3  }
0x36: {  	p1 =	seq.s32 s10, $0x1;
	s10 =	sld [smem:$0x3FB1];
	_ =	sdelay $0x3  }
0x37: {  	[smem:$0x3FB1] =	sst s10  }
0x38: {  	s10 =	sld [smem:$0x3FB2]  }
0x39: {  	_ = 	snop;
	(pc) =	sbr.ind lr, $3  }
0x3a: {  	_ = 	snop  }
0x3b: {  	_ = 	snop  }
0x3c: {  	p2 =	seq.s32 s10, $0x1;
	s10 =	sld [smem:$0x3FB1]  }
0x3d: {  	_ =	shalt  }
0x3e: {  	_ =	shalt  }
0x3f: {  	_ =	shalt  }
0x40: {  	_ =	shalt  }
0x41: {  	_ =	shalt  }
0x42: {  	_ =	shalt  }
0x43: {  	_ =	shalt  }
0x44: {  	_ =	shalt  }
0x45: {  	_ =	shalt  }
0x46: {  	_ =	shalt  }
0x47: {  	_ =	shalt  }
0x48: {  	_ =	shalt  }
0x49: {  	_ =	shalt  }
0x4a: {  	_ =	shalt  }
0x4b: {  	_ =	shalt  }
0x4c: {  	_ =	shalt  }
0x4d: {  	_ =	shalt  }
0x4e: {  	_ =	shalt  }
0x4f: {  	_ =	shalt  }
0x50: {  	_ =	shalt  }
0x51: {  	_ =	shalt  }
0x52: {  	_ =	shalt  }
0x53: {  	_ =	shalt  }
0x54: {  	_ =	shalt  }
0x55: {  	_ =	shalt  }
0x56: {  	_ =	shalt  }
0x57: {  	_ =	shalt  }
0x58: {  	_ =	shalt  }
0x59: {  	_ =	shalt  }
0x5a: {  	_ =	shalt  }
0x5b: {  	_ =	shalt  }
0x5c: {  	_ =	shalt  }
0x5d: {  	_ =	shalt  }
0x5e: {  	_ =	shalt  }
0x5f: {  	_ =	shalt  }
0x60: {  	_ =	shalt  }
0x61: {  	_ =	shalt  }
0x62: {  	_ =	shalt  }
0x63: {  	_ =	shalt  }
0x64: {  	_ =	shalt  }
0x65: {  	_ =	shalt  }
0x66: {  	_ =	shalt  }
0x67: {  	_ =	shalt  }
0x68: {  	_ =	shalt  }
0x69: {  	_ =	shalt  }
0x6a: {  	_ =	shalt  }
0x6b: {  	_ =	shalt  }
0x6c: {  	_ =	shalt  }
0x6d: {  	_ =	shalt  }
0x6e: {  	_ =	shalt  }
0x6f: {  	_ =	shalt  }
0x70: {  	_ =	shalt  }
0x71: {  	_ =	shalt  }
0x72: {  	_ =	shalt  }
0x73: {  	_ =	shalt  }
0x74: {  	_ =	shalt  }
0x75: {  	_ =	shalt  }
0x76: {  	_ =	shalt  }
0x77: {  	_ =	shalt  }
0x78: {  	_ =	shalt  }
0x79: {  	_ =	shalt  }
0x7a: {  	_ =	shalt  }
0x7b: {  	_ =	shalt  }
0x7c: {  	_ =	shalt  }
0x7d: {  	_ =	shalt  }
0x7e: {  	_ =	shalt  }
0x7f: {  	_ =	shalt  }
0x80: {  	_ =	shalt  }
0x81: {  	_ =	shalt  }
0x82: {  	_ =	shalt  }
0x83: {  	_ =	shalt  }
0x84: {  	_ =	shalt  }
0x85: {  	_ =	shalt  }
0x86: {  	_ =	shalt  }
0x87: {  	_ =	shalt  }
.Lfunc_end0:
.L_simem_size_0:
called_computation.4_lowered:
.L_overlay_start_0:
0x88: {  	s2 =	sld [smem:$0x3FD9]  }
0x89: {  	s3 =	sld [smem:$0x3FFE];
	_ =	sdelay $0x1  }
0x8a: {  	s1 =	srdreg.scid  }
0x8b: {  	s0 =	sand.u32 $0x1, s1  }
0x8c: {  	s16 =	sshll.u32 s0, $0xA;
	s2 =	sadd.s32 s3, s2  }
0x8d: {  	s2 =	sadd.s32 s2, s16  }
0x8e: {  	[smem:$0x3FBD] =	sst s2  }
0x8f: {  	_ = 	snop  }
0x90: {  	(tm) =	ssettm $0x1  }
0x91: {  	s17 =	sld [smem:$0x3FFB];
	_ =	sdelay $0x3  }
0x92: {  	_ =	strace s17  }
0x93: {  	s2 =	sld [smem:$0x3FFC];
	_ =	sdelay $0x3  }
0x94: {  	_ =	strace s2  }
0x95: {  	s2 =	sld [smem:$0x3FFD];
	_ =	sdelay $0x3  }
0x96: {  	_ =	strace s2  }
0x97: {  	_ =	strace $0x8FFFFFFF  }
0x98: {  	s18 =	sld [smem:$0x3FDB];
	_ =	sdelay $0x1  }
0x99: {  	s19 =	simm.s32 $_scs_section_size  }
0x9a: {  	s4 =	simm.s32 $_size__tile_overlayer_lowered;
	s5 =	simm.s32 $_tile_overlayer_lowered  }
0x9b: {  	s22 =	simm.s32 $0x1BFF;
	s21 =	sshll.u32 s5, $0x1;
	s2 =	sadd.s32 s19, s18  }
0x9c: {  	s6 =	simm.s32 $0x0;
	s20 =	sshll.u32 s4, $0x1;
	s4 =	sadd.s32 s21, s2  }
0x9d: {  	[timem:s6], [sflag:s22] =	dma.local [hbm:s4], s20  }
0x9e: {  	_ =	swait.ge [sflag:s22], s20  }
0x9f: {  	s3 =	ssub.s32 $0x0, s20;
	[sflag:s22] =	ssyncset.done $0x0  }
0xa0: {  	[sflag:s22] =	ssyncadd.s32 s3;
	_ =	sdelay $0x1  }
0xa1: {  	s23 =	simm.s32 $0x1B8B  }
0xa2: {  	_ =	swait.ge [sflag:s23], $0x1  }
0xa3: {  	[sflag:s23] =	ssyncset.done $0x0  }
0xa4: {  	s25 =	simm.s32 $0x1B8E;
	s24 =	sld [smem:$0x3FFE];
	[sflag:s23] =	ssyncadd.s32 $0xFFFFFFFF  }
0xa5: {  	s26 =	simm.s32 $execute0_lowered;
	[smem:$0x3FD2] =	sst s25  }
0xa6: {  	s4 =	sshll.u32 s26, $0x1;
	_ =	strace $0x80000052;
	[dreg:$0x1] =	wrdreg $0xFFFFFFFF  }
0xa7: {  	s28 =	simm.s32 $_size_execute0_lowered;
	s2 =	sadd.s32 s2, s4;
	[dreg:$0x0] =	wrdreg $0x0  }
0xa8: {  	s4 =	sshll.u32 s28, $0x1;
	[dreg:$0x2] =	wrdreg s2  }
0xa9: {  	[dreg:$0x3] =	wrdreg s4  }
0xaa: {  	[dreg:$0x4] =	wrdreg $0xC0  }
0xab: {  	_ =	task [dreg:s6], $0x5FFFF  }
0xac: {  	[dreg:$0x1] =	wrdreg $0xFFFFFFFF  }
0xad: {  	[dreg:$0x0] =	wrdreg $0x60  }
0xae: {  	[dreg:$0x2] =	wrdreg s24  }
0xaf: {  	[dreg:$0x3] =	wrdreg $0x4FB00  }
0xb0: {  	[dreg:$0x4] =	wrdreg $0x9  }
0xb1: {  	_ =	task.clear_ibuf [dreg:s6], $0x5FFFF;
	_ =	strace $0x90000052  }
0xb2: {  	s29 =	simm.s32 $0x9;
	_ =	strace $0x80000054  }
0xb3: {  	_ =	swait.ge [sflag:s29], $0x1  }
0xb4: {  	[sflag:s29] =	ssyncadd.s32 $0xFFFFFFFF  }
0xb5: {  	_ =	strace $0x90000054  }
0xb6: {  	_ =	sfence  }
0xb7: {  	s30 =	sld [smem:$0x0];
	_ =	sdelay $0x2  }
0xb8: {  	s31 =	sshll.u32 s1, $0xD;
	s1 =	sshrl.u32 s1, $0x2  }
0xb9: {  	s3 =	sand.u32 $0x4000, s31;
	s1 =	sadd.s32 s1, s30  }
0xba: {  	s0 =	sor.u32 s3, s0;
	s1 =	sshll.u32 s1, $0x11  }
0xbb: {  	s0 =	sor.u32 s1, s0  }
0xbc: {  	s0 =	sadd.s32 $0x8F2B, s0  }
0xbd: {  	[sflag:s0] =	ssyncadd.remote.s32 $0x1  }
0xbe: {  	_ =	sfence.sel $0xFFFF  }
0xbf: {  	[dreg:$0x0] =	wrdreg $0xFFFFFFFF;
	(pc) =	sbr.abs _section_cstart, $3  }
0xc0: {  	[dreg:$0x1] =	wrdreg $0xFFFFFFFF  }
0xc1: {  	_ =	task.clear_ibuf [dreg:s6], $0x2FFFF;
	_ =	strace $0x9FFFFFFF  }
0xc2: {  	(tm) =	ssettm $0x7FFFFFFF  }
0xc3: {  	_ =	shalt  }
tec
execute0_lowered:
.L_overlay_start_1:
0x0: {  	(tag) =	ssettag $0x1  }
0x1: {  	s0 =	srdreg.scid  }
0x2: {  	s6 =	rddreg [dreg:$0x0];
	s25 =	stileid.u32  }
0x3: {  	s2 =	rddreg [dreg:$0x1];
	s18 =	simm.s32 $0x3BB0;
	s22 =	simm.s32 $0x0  }
0x4: {  	s1 =	sand.u32 $0x1, s0;
	s12 =	sadd.s32 $0xC600, s6;
	s10 =	smul.u32 $0x28000, s25  }
0x5: {  	s5 =	sadd.s32 $0x29E00, s6;
	s11 =	sadd.s32 $0x2B200, s6;
	s15 =	smul.u32 $0xA000, s25  }
0x6: {  	s16 =	smul.u32 $0x2710, s25;
	s19 =	sadd.s32 $0x96000, s2;
	p0 =	seq.s32 s25, $0xF  }
0x7: {  	s3 =	sshll.u32 s1, $0x4;
	s9 =	ssub.s32 $0x2, s1;
	s13 =	smul.u32 $0x9C400, s1  }
0x8: {  	s1 =	smul.u32 $0x27100, s1;
	s19 =	sshrl.u32 @p0 s19, $0x3;
	s4 =	sor.u32 s25, s3  }
0x9: {  	s3 =	simm.s32 $0x0;
	s26 =	sshrl.u32 s9, $0x1;
	s28 =	sshrl.u32 s10, $0x2  }
0xa: {  	s21 =	sadd.s32 s15, s2;
	s4 =	smul.u32 $0x2710, s4;
	[smem:$0x7FF] =	sst s3  }
0xb: {  	s14 =	ssub.s32 s9, s26;
	s29 =	sadd.s32 s15, s13;
	s20 =	sadd.s32 s28, s2  }
0xc: {  	s31 =	sshrl.u32 s13, $0x3;
	s1 =	sadd.s32 s16, s1;
	s13 =	simm.s32 $0x3  }
0xd: {  	s15 =	simm.s32 $0x50;
	s21 =	sshrl.u32 @!p0 s21, $0x3;
	_ =	strace $0x80000053  }
0xe: {  	s30 =	sshrl.u32 s29, $0x3;
	s10 =	sadd.s32 s11, s31;
	s1 =	sadd.s32 $0xA0, s1  }
0xf: {  	s20 =	sshrl.u32 @!p0 s20, $0x3;
	s7 =	sshrl.u32 s4, $0x3;
	s4 =	sadd.s32 $0x16400, s6  }
0x10: {  	s9 =	sadd.s32 s11, s30;
	s10 =	sadd.s32 $0x12C00, s10;
	s11 =	smax.u32 s14, $0x1  }
0x11: {  	s1 =	sshrl.u32 s1, $0x3;
	s8 =	sadd.s32 s7, s6;
	s6 =	sadd.s32 s12, s7  }
0x12: {  	s12 =	sadd.s32 s1, s12;
	s7 =	sadd.s32 $0x2800, s8;
	s8 =	sadd.s32 $0xA, s6  }
.LBB2_1:
0x13: {  	[tilespmem:s3], [sflag:$0x3] =	stream.linear.gather [hbm4b:s7+s3], $0x2710, $0x38;
	[tilespmem:$0xEBF0] =	vst v63  }
0x14: {  	_ =	swait.ge [sflag:s13], $0x2710  }
0x15: {  	[sflag:s13] =	ssyncset.done $0x0  }
0x16: {  	s0 =	simm.s32 $0x2710;
	[sflag:s13] =	ssyncadd.s32 $0xFFFFD8F0  }
0x17: {  	[tilespmem:s0], [sflag:$0x3] =	stream.linear.gather [hbm4b:s6+s3], $0x50, $0x38;
	[tilespmem:$0xEBF0] =	vst v63  }
0x18: {  	_ =	swait.ge [sflag:s13], $0x50  }
0x19: {  	[sflag:s13] =	ssyncset.done $0x0  }
0x1a: {  	s24 =	simm.s32 $0x27B0;
	[sflag:s13] =	ssyncadd.s32 $0xFFFFFFB0  }
0x1b: {  	[tilespmem:s24], [sflag:$0x1] =	stream.indirect.gather [hbm4b:s4+s15], $0x40, s3, s15, $0xb8;
	[tilespmem:$0xEBF0] =	vst v63  }
0x1c: {  	s25 =	simm.s32 $0x2760  }
0x1d: {  	[tilespmem:s25], [sflag:$0x3] =	stream.linear.gather [hbm4b:s8+s3], $0x50, $0x38;
	[tilespmem:$0xEBF0] =	vst v63  }
0x1e: {  	_ =	swait.ge [sflag:s13], $0x50  }
0x1f: {  	[sflag:s13] =	ssyncset.done $0x0  }
0x20: {  	s1 =	simm.s32 @p0 $0x1FC3;
	[sflag:s13] =	ssyncadd.s32 $0xFFFFFFB0  }
0x21: {  	[tilespmem:s18], [sflag:$0x2] =	stream.indirect.gather [hbm4b:s4+s15], $0x40, s15, s15, $0xb8;
	[tilespmem:$0xEBF0] =	vst v63  }
0x22: {  	[spmem:s19], [sflag:s1] =	dma.local @p0 [hbm:s5], $0xC80  }
0x23: {  	s1 =	simm.s32 @p0 $0x3  }
0x24: {  	s0 =	stileid.u32;
	_ =	swait.ge @p0 [sflag:s1], $0xC80  }
0x25: {  	s14 =	sshll.u32 @!p0 s0, $0x6;
	[sflag:s1] =	ssyncset.done @p0 $0x0  }
0x26: {  	s23 =	sor.u32 @!p0 $0x1C03, s14;
	[sflag:s1] =	ssyncadd.s32 @p0 $0xFFFFF380;
	s1 =	simm.s32 @!p0 $0x3  }
0x27: {  	[spmem:s20], [sflag:s23] =	dma.local @!p0 [hbm:s5], $0x1400  }
0x28: {  	_ =	swait.ge @!p0 [sflag:s1], $0x1400  }
0x29: {  	s26 =	sand.u32 $0x1, s3;
	[sflag:s1] =	ssyncset.done @!p0 $0x0  }
0x2a: {  	p1 =	seq.s32 s26, $0x1;
	[sflag:s1] =	ssyncadd.s32 @!p0 $0xFFFFEC00  }
0x2b: {  	s1 =	simm.s32 @p1 $0x2;
	[bflag:$0x0] =	sbarrier.arrive $0xFFFF  }
0x2c: {  	s26 =	simm.s32 @p1 $0x2760;
	_ =	swait.ge @p1 [sflag:s1], $0x1400  }
0x2d: {  	p2 =	por @p1 $0x0, $0x0;
	s14 =	simm.s32 @p1 $0x3BB0;
	[sflag:s1] =	ssyncset.done @p1 $0x0  }
0x2e: {  	s24 =	simm.s32 @p1 $0x3;
	s25 =	simm.s32 @p1 $0x50;
	[sflag:s1] =	ssyncadd.s32 @p1 $0xFFFFEC00  }
0x2f: {  	[spmem:s2] =	stream.indirect.scatter.add.f32 @p1 [tilespmem:s14], [sflag:$0x3], $0x40, s26, s25, $0xb8;
	[tilespmem:$0xEBF0] =	vst v63  }
0x30: {  	p2 =	por p2, !p1;
	_ =	swait.ge @p1 [sflag:s24], $0x1400  }
0x31: {  	s1 =	simm.s32 @!p2 $0x0;
	[sflag:s24] =	ssyncset.done @p1 $0x0  }
0x32: {  	s14 =	simm.s32 @!p2 $0x2760;
	[sflag:s24] =	ssyncadd.s32 @p1 $0xFFFFEC00;
	s24 =	simm.s32 @!p2 $0x3  }
0x33: {  	[tilespmem:s14], [sflag:$0x3] =	stream.linear.gather @!p2 [hbm4b:s12+s1], $0x50, $0x38;
	[tilespmem:$0xEBF0] =	vst v63  }
0x34: {  	_ =	swait.ge @!p2 [sflag:s24], $0x50  }
0x35: {  	s28 =	simm.s32 $0xA0;
	s1 =	simm.s32 @!p2 $0x50;
	[sflag:s24] =	ssyncset.done @!p2 $0x0  }
0x36: {  	s14 =	simm.s32 @!p2 $0x3BB0;
	[sflag:s24] =	ssyncadd.s32 @!p2 $0xFFFFFFB0;
	s24 =	simm.s32 @!p1 $0x1  }
0x37: {  	[tilespmem:s14], [sflag:$0x2] =	stream.indirect.gather @!p2 [hbm4b:s4+s1], $0x40, s28, s1, $0xb8;
	[tilespmem:$0xEBF0] =	vst v63  }
0x38: {  	s29 =	simm.s32 $0x2;
	s30 =	simm.s32 @!p1 $0x3;
	_ =	swait.ge @!p1 [sflag:s24], $0x1400  }
0x39: {  	s26 =	simm.s32 @!p1 $0x2710;
	s1 =	simm.s32 @!p1 $0x27B0;
	[sflag:s24] =	ssyncset.done @!p1 $0x0  }
0x3a: {  	s14 =	simm.s32 @!p1 $0x50;
	p2 =	por @!p1 $0x0, $0x0;
	[sflag:s24] =	ssyncadd.s32 @!p1 $0xFFFFEC00  }
0x3b: {  	[spmem:s2] =	stream.indirect.scatter.add.f32 @!p1 [tilespmem:s1], [sflag:$0x3], $0x40, s26, s14, $0xb8;
	[tilespmem:$0xEBF0] =	vst v63  }
0x3c: {  	s25 =	simm.s32 $0x1;
	p3 =	por p2, p1;
	_ =	swait.ge @!p1 [sflag:s30], $0x1400  }
0x3d: {  	s31 =	simm.s32 @!p3 $0x50;
	s24 =	simm.s32 $0xF0;
	[sflag:s30] =	ssyncset.done @!p1 $0x0  }
0x3e: {  	s1 =	simm.s32 @!p3 $0x0;
	s14 =	simm.s32 @!p3 $0x2710;
	[sflag:s30] =	ssyncadd.s32 @!p1 $0xFFFFEC00  }
0x3f: {  	[tilespmem:s14], [sflag:$0x3] =	stream.linear.gather @!p3 [hbm4b:s12+s1], $0x50, $0x38;
	[tilespmem:$0xEBF0] =	vst v63  }
0x40: {  	s26 =	sadd.s32 $0xA, s12;
	s30 =	sand.u32 $0x1, s25;
	s1 =	simm.s32 @!p3 $0x3  }
0x41: {  	p1 =	seq.s32 s30, $0x1;
	s14 =	simm.s32 @!p3 $0x27B0;
	_ =	swait.ge @!p3 [sflag:s1], $0x50  }
.LBB2_2:
0x42: {  	s0 =	simm.s32 @p1 $0x2;
	[sflag:s1] =	ssyncset.done @!p3 $0x0;
	s16 =	smov.u32 s25  }
0x43: {  	s25 =	smov.u32 s29;
	s29 =	sadd.s32 $0x1, s29;
	s30 =	smov.u32 s26  }
0x44: {  	p2 =	sne.s32 s29, $0x7D;
	[sflag:s1] =	ssyncadd.s32 @!p3 $0xFFFFFFB0  }
0x45: {  	[tilespmem:s14], [sflag:$0x1] =	stream.indirect.gather @!p3 [hbm4b:s4+s31], $0x40, s28, s31, $0xb8;
	[tilespmem:$0xEBF0] =	vst v63  }
0x46: {  	s1 =	simm.s32 @p1 $0x3BB0;
	s14 =	simm.s32 @p1 $0x3;
	_ =	swait.ge @p1 [sflag:s0], $0x1400  }
0x47: {  	s17 =	simm.s32 @p1 $0x2760;
	s31 =	simm.s32 @p1 $0x50;
	[sflag:s0] =	ssyncset.done @p1 $0x0  }
0x48: {  	p3 =	sgt.u32 @p1 s16, $0x7A;
	s28 =	smov.u32 s24;
	[sflag:s0] =	ssyncadd.s32 @p1 $0xFFFFEC00  }
0x49: {  	[spmem:s2] =	stream.indirect.scatter.add.f32 @p1 [tilespmem:s1], [sflag:$0x3], $0x40, s17, s31, $0xb8;
	[tilespmem:$0xEBF0] =	vst v63  }
0x4a: {  	p3 =	por p3, !p1;
	_ =	swait.ge @p1 [sflag:s14], $0x1400  }
0x4b: {  	s0 =	simm.s32 @!p3 $0x0;
	s1 =	simm.s32 @!p3 $0x2760;
	[sflag:s14] =	ssyncset.done @p1 $0x0  }
0x4c: {  	[sflag:s14] =	ssyncadd.s32 @p1 $0xFFFFEC00;
	s14 =	simm.s32 @!p3 $0x3  }
0x4d: {  	[tilespmem:s1], [sflag:$0x3] =	stream.linear.gather @!p3 [hbm4b:s26+s0], $0x50, $0x38;
	[tilespmem:$0xEBF0] =	vst v63  }
0x4e: {  	s24 =	sadd.s32 $0x50, s24;
	_ =	swait.ge @!p3 [sflag:s14], $0x50  }
0x4f: {  	s0 =	simm.s32 @!p3 $0x50;
	s1 =	simm.s32 @!p3 $0x3BB0;
	[sflag:s14] =	ssyncset.done @!p3 $0x0  }
0x50: {  	s26 =	sadd.s32 $0xA, s26;
	[sflag:s14] =	ssyncadd.s32 @!p3 $0xFFFFFFB0;
	s14 =	simm.s32 @!p1 $0x1  }
0x51: {  	[tilespmem:s1], [sflag:$0x2] =	stream.indirect.gather @!p3 [hbm4b:s4+s0], $0x40, s28, s0, $0xb8;
	[tilespmem:$0xEBF0] =	vst v63  }
0x52: {  	s0 =	sand.u32 $0x1, s25;
	s1 =	simm.s32 @!p1 $0x27B0;
	_ =	swait.ge @!p1 [sflag:s14], $0x1400  }
0x53: {  	s17 =	simm.s32 @!p1 $0x50;
	s31 =	simm.s32 @!p1 $0x2710;
	[sflag:s14] =	ssyncset.done @!p1 $0x0  }
0x54: {  	p3 =	sgt.u32 @!p1 s16, $0x7A;
	[sflag:s14] =	ssyncadd.s32 @!p1 $0xFFFFEC00;
	s14 =	simm.s32 @!p1 $0x3  }
0x55: {  	[spmem:s2] =	stream.indirect.scatter.add.f32 @!p1 [tilespmem:s1], [sflag:$0x3], $0x40, s31, s17, $0xb8;
	[tilespmem:$0xEBF0] =	vst v63  }
.Ltmp0:
0x56: {  	p3 =	por p3, p1;
	_ =	swait.ge @!p1 [sflag:s14], $0x1400;
	(pc) =	sbr.rel @p2 .LBB2_2-.Ltmp0, $4  }
0x57: {  	s16 =	simm.s32 @!p3 $0x0;
	s17 =	simm.s32 @!p3 $0x2710;
	[sflag:s14] =	ssyncset.done @!p1 $0x0  }
0x58: {  	s1 =	simm.s32 @!p3 $0x3;
	s31 =	simm.s32 @!p3 $0x50;
	[sflag:s14] =	ssyncadd.s32 @!p1 $0xFFFFEC00  }
0x59: {  	[tilespmem:s17], [sflag:$0x3] =	stream.linear.gather @!p3 [hbm4b:s30+s16], $0x50, $0x38;
	[tilespmem:$0xEBF0] =	vst v63  }
0x5a: {  	p1 =	seq.s32 s0, $0x1;
	s14 =	simm.s32 @!p3 $0x27B0;
	_ =	swait.ge @!p3 [sflag:s1], $0x50  }
0x5b: {  	[sflag:s1] =	ssyncset.done @!p3 $0x0  }
0x5c: {  	s0 =	simm.s32 @p1 $0x2;
	[sflag:s1] =	ssyncadd.s32 @!p3 $0xFFFFFFB0  }
0x5d: {  	[tilespmem:s14], [sflag:$0x1] =	stream.indirect.gather @!p3 [hbm4b:s4+s31], $0x40, s28, s31, $0xb8;
	[tilespmem:$0xEBF0] =	vst v63  }
0x5e: {  	s16 =	simm.s32 @p1 $0x50;
	_ =	swait.ge @p1 [sflag:s0], $0x1400  }
0x5f: {  	s17 =	simm.s32 @p1 $0x2760;
	p2 =	sgt.u32 @p1 s25, $0x7A;
	[sflag:s0] =	ssyncset.done @p1 $0x0  }
0x60: {  	s1 =	simm.s32 @p1 $0x3BB0;
	s14 =	simm.s32 @p1 $0x3;
	[sflag:s0] =	ssyncadd.s32 @p1 $0xFFFFEC00  }
0x61: {  	[spmem:s2] =	stream.indirect.scatter.add.f32 @p1 [tilespmem:s1], [sflag:$0x3], $0x40, s17, s16, $0xb8;
	[tilespmem:$0xEBF0] =	vst v63  }
0x62: {  	p2 =	por p2, !p1;
	_ =	swait.ge @p1 [sflag:s14], $0x1400  }
0x63: {  	s0 =	simm.s32 @!p2 $0x0;
	[sflag:s14] =	ssyncset.done @p1 $0x0  }
0x64: {  	s1 =	simm.s32 @!p2 $0x2760;
	[sflag:s14] =	ssyncadd.s32 @p1 $0xFFFFEC00;
	s14 =	simm.s32 @!p2 $0x3  }
0x65: {  	[tilespmem:s1], [sflag:$0x3] =	stream.linear.gather @!p2 [hbm4b:s26+s0], $0x50, $0x38;
	[tilespmem:$0xEBF0] =	vst v63  }
0x66: {  	_ =	swait.ge @!p2 [sflag:s14], $0x50  }
0x67: {  	s0 =	simm.s32 @!p2 $0x50;
	[sflag:s14] =	ssyncset.done @!p2 $0x0  }
0x68: {  	s1 =	simm.s32 @!p2 $0x3BB0;
	[sflag:s14] =	ssyncadd.s32 @!p2 $0xFFFFFFB0;
	s14 =	simm.s32 @!p1 $0x1  }
0x69: {  	[tilespmem:s1], [sflag:$0x2] =	stream.indirect.gather @!p2 [hbm4b:s4+s0], $0x40, s24, s0, $0xb8;
	[tilespmem:$0xEBF0] =	vst v63  }
0x6a: {  	s16 =	simm.s32 @!p1 $0x2710;
	_ =	swait.ge @!p1 [sflag:s14], $0x1400  }
0x6b: {  	s0 =	simm.s32 @!p1 $0x27B0;
	s1 =	simm.s32 @!p1 $0x50;
	[sflag:s14] =	ssyncset.done @!p1 $0x0  }
0x6c: {  	p2 =	sgt.u32 @!p1 s25, $0x7A;
	[sflag:s14] =	ssyncadd.s32 @!p1 $0xFFFFEC00;
	s14 =	simm.s32 @!p1 $0x3  }
0x6d: {  	[spmem:s2] =	stream.indirect.scatter.add.f32 @!p1 [tilespmem:s0], [sflag:$0x3], $0x40, s16, s1, $0xb8;
	[tilespmem:$0xEBF0] =	vst v63  }
0x6e: {  	p2 =	por p2, p1;
	_ =	swait.ge @!p1 [sflag:s14], $0x1400  }
0x6f: {  	s0 =	simm.s32 @!p2 $0x0;
	[sflag:s14] =	ssyncset.done @!p1 $0x0  }
0x70: {  	s1 =	simm.s32 @!p2 $0x2710;
	[sflag:s14] =	ssyncadd.s32 @!p1 $0xFFFFEC00;
	s14 =	simm.s32 @!p2 $0x3  }
0x71: {  	[tilespmem:s1], [sflag:$0x3] =	stream.linear.gather @!p2 [hbm4b:s26+s0], $0x50, $0x38;
	[tilespmem:$0xEBF0] =	vst v63  }
0x72: {  	_ =	swait.ge @!p2 [sflag:s14], $0x50  }
0x73: {  	[sflag:s14] =	ssyncset.done @!p2 $0x0  }
0x74: {  	s0 =	simm.s32 @!p2 $0x50;
	s1 =	simm.s32 @!p2 $0x27B0;
	[sflag:s14] =	ssyncadd.s32 @!p2 $0xFFFFFFB0  }
0x75: {  	[tilespmem:s1], [sflag:$0x1] =	stream.indirect.gather @!p2 [hbm4b:s4+s0], $0x40, s24, s0, $0xb8;
	[tilespmem:$0xEBF0] =	vst v63  }
0x76: {  	s0 =	simm.s32 @p0 $0x1FC3;
	[bflag:$0x0] =	sbarrier.arrive $0xFFFF  }
0x77: {  	[hbm:s10], [sflag:s0] =	dma.local @p0 [spmem:s19], $0xC80  }
0x78: {  	s0 =	simm.s32 @p0 $0x3  }
0x79: {  	s22 =	sadd.s32 $0x1, s22;
	_ =	swait.ge @p0 [sflag:s0], $0xC80  }
0x7a: {  	p1 =	sne.s32 s22, s11;
	[sflag:s0] =	ssyncset.done @p0 $0x0  }
.Ltmp1:
0x7b: {  	[sflag:s0] =	ssyncadd.s32 @p0 $0xFFFFF380;
	s0 =	simm.s32 @!p0 $0x3;
	(pc) =	sbr.rel @p1 .LBB2_1-.Ltmp1, $4  }
0x7c: {  	[hbm:s9], [sflag:s23] =	dma.local @!p0 [spmem:s21], $0x1400  }
0x7d: {  	_ =	swait.ge @!p0 [sflag:s0], $0x1400  }
0x7e: {  	[sflag:s0] =	ssyncset.done @!p0 $0x0  }
0x7f: {  	[sflag:s0] =	ssyncadd.s32 @!p0 $0xFFFFEC00  }
0x80: {  	_ =	sfence.sel $0x180000  }
0x81: {  	[bflag:$0x0] =	sbarrier.arrive $0xFFFF  }
0x82: {  	_ =	strace $0x90000053  }
0x83: {  	s0 =	stileid.u32;
	[bflag:$0x2] =	sbarrier.arrive $0xFFFF  }
0x84: {  	p0 =	sne.s32 s0, $0x0;
	s0 =	rddreg [dreg:$0x2]  }
0x85: {  	s0 =	sadd.s32 @!p0 $0x100000, s0  }
0x86: {  	[sflag:s0] =	ssyncadd.tile.s32 @!p0 $0x1;
	_ =	shalt  }
.Lfunc_end2:
_tile_overlayer_lowered:
.L_overlay_start_2:
0x87: {  	(tag) =	ssettag $0x2  }
0x88: {  	s0 =	rddreg [dreg:$0x0];
	s2 =	stileid.u32  }
0x89: {  	s1 =	rddreg [dreg:$0x1];
	p0 =	sne.s32 s2, $0x0  }
0x8a: {  	s3 =	rddreg [dreg:$0x2];
	[bflag:$0x3] =	sbarrier.arrive $0xFFFF;
	s2 =	simm.s32 @!p0 $0x1C03  }
0x8b: {  	[timem:s3], [sflag:s2] =	dma.local @!p0 [hbm:s0], s1  }
0x8c: {  	s0 =	simm.s32 @!p0 $0x3  }
0x8d: {  	_ =	swait.ge @!p0 [sflag:s0], s1  }
0x8e: {  	s1 =	ssub.s32 @!p0 $0x0, s1;
	[sflag:s0] =	ssyncset.done @!p0 $0x0  }
0x8f: {  	[sflag:s0] =	ssyncadd.s32 @!p0 s1  }
0x90: {  	[bflag:$0x3] =	sbarrier.arrive $0xFFFF  }
0x91: {  	_ =	shalt  }

</sc_bundles>
